<compile_context>
chip_gen: v7x
topology: tpu7x:2x2x1
jax: 0.10.2.dev20260603
libtpu: 0.0.44.dev20260713+nightly
codegen_flags: <defaults>
</compile_context>

<pallas_src>
import functools

import jax
import jax.numpy as jnp
import numpy as np
from jax import lax
from jax.experimental import pallas as pl
from jax.experimental.pallas import tpu as pltpu
from jax.experimental.pallas import tpu_sc as plsc

_DEPTH = 1000
_D0 = 4096
_COLS = 20
_NC = 2
_NS = 16
_NW = _NC * _NS
_SLABS_PER_W = _D0 // _NW
_BATCH_SLABS = 4
_BATCH_IDX = _BATCH_SLABS * _COLS
_NBATCH = _SLABS_PER_W // _BATCH_SLABS
_IDX_PER_W = _SLABS_PER_W * _COLS


def _sc_body(idx_hbm, coords_hbm, out_hbm, idx_v, coords_v, buf, sem):
    wid = lax.axis_index("s") * _NC + lax.axis_index("c")
    slab_base = wid * _SLABS_PER_W

    pltpu.async_copy(
        idx_hbm.at[pl.ds(wid * _IDX_PER_W, _IDX_PER_W)], idx_v, sem
    ).wait()
    pltpu.async_copy(coords_hbm, coords_v, sem).wait()

    zeros16 = jnp.zeros((16,), jnp.float32)
    for s in range(_BATCH_SLABS):
        for c in range(_COLS):
            def zero_step(i, carry, s=s, c=c):
                buf[s, c, pl.ds(i * 16, 16)] = zeros16
                return carry

            lax.fori_loop(0, 62, zero_step, 0)
            buf[s, c, pl.ds(_DEPTH - 16, 16)] = zeros16

    ones16 = jnp.ones((16,), jnp.float32)

    def batch_step(t, carry):
        for j in range(_BATCH_IDX // 16):
            s_j = coords_v[pl.ds(j * 16, 16)]
            c_j = coords_v[pl.ds(_BATCH_IDX + j * 16, 16)]
            d = idx_v[pl.ds(t * _BATCH_IDX + j * 16, 16)]
            plsc.store_scatter(buf, [s_j, c_j, d], ones16)
        pltpu.sync_copy(
            buf, out_hbm.at[pl.ds(slab_base + t * _BATCH_SLABS, _BATCH_SLABS)]
        )
        for j in range(_BATCH_IDX // 16):
            s_j = coords_v[pl.ds(j * 16, 16)]
            c_j = coords_v[pl.ds(_BATCH_IDX + j * 16, 16)]
            d = idx_v[pl.ds(t * _BATCH_IDX + j * 16, 16)]
            plsc.store_scatter(buf, [s_j, c_j, d], zeros16)
        return carry

    lax.fori_loop(0, _NBATCH, batch_step, 0)


_COORDS = np.concatenate([
    np.arange(_BATCH_IDX) // _COLS,
    np.arange(_BATCH_IDX) % _COLS,
]).astype(np.int32)


def kernel(inputs):
    idx = inputs.astype(jnp.int32).reshape(-1)
    coords = jnp.asarray(_COORDS)
    mesh = plsc.VectorSubcoreMesh(core_axis_name="c", subcore_axis_name="s")
    run = functools.partial(
        pl.kernel,
        mesh=mesh,
        compiler_params=pltpu.CompilerParams(needs_layout_passes=False),
        out_type=jax.ShapeDtypeStruct((_D0, _COLS, _DEPTH), jnp.float32),
        scratch_types=[
            pltpu.VMEM((_IDX_PER_W,), jnp.int32),
            pltpu.VMEM((2 * _BATCH_IDX,), jnp.int32),
            pltpu.VMEM((_BATCH_SLABS, _COLS, _DEPTH), jnp.float32),
            pltpu.SemaphoreType.DMA,
        ],
    )(_sc_body)
    return run(idx, coords)

# --- scband reference (transcript-rebuilt; emitter-appended) ---
"""Pipeline reference for scband-one-hot-encoder-19782619366152 (READ-ONLY COPY).

The authoritative reference and input builder live on the scoring server;
editing this copy changes nothing except your own understanding.
"""

import jax, jax.numpy as jnp
import numpy as np

DEPTH = 1000

def setup_inputs(seed: int = 0) -> dict:
    key = jax.random.key(seed)
    inputs = jax.random.randint(key, (4096, 20), 0, DEPTH, dtype=jnp.int64)
    return {"inputs": inputs}

def reference(inputs):
    # Faithful translation of tf.one_hot(inputs, depth) with float32 output.
    # tf.check_numerics is a runtime assertion (no-op on valid data).
    outputs = jax.nn.one_hot(inputs, DEPTH, dtype=jnp.float32)
    return outputs

if __name__ == "__main__":
    import jax
    _d = setup_inputs()
    print(jax.jit(kernel)(*tuple(_d.values())))

</pallas_src>

<mosaic_0001>
#map = affine_map<(d0, d1) -> (0)>
#map1 = affine_map<(d0, d1) -> (0, 0, 0)>
module attributes {stable_mosaic.version = 14 : i64} {
  func.func @_sc_body(%arg0: i32, %arg1: i32, %arg2: memref<81920xi32, #tpu.memory_space<hbm>>, %arg3: memref<160xi32, #tpu.memory_space<hbm>>, %arg4: memref<4096x20x1000xf32, #tpu.memory_space<hbm>>, %arg5: memref<2560xi32, #tpu.memory_space<vmem>>, %arg6: memref<160xi32, #tpu.memory_space<vmem>>, %arg7: memref<4x20x1000xf32, #tpu.memory_space<vmem>>, %arg8: memref<!tpu.dma_semaphore, #tpu.memory_space<semaphore_mem>>) attributes {dimension_semantics = [#tpu.dimension_semantics<core_parallel>, #tpu.dimension_semantics<subcore_parallel>], iteration_bounds = array<i64: 2, 16>, scalar_prefetch = 0 : i64, scratch_operands = 4 : i64, tpu.core_type = #tpu.core_type<sc_vector_subcore>, window_params = [{transform_indices = #map}, {transform_indices = #map}, {transform_indices = #map1}]} {
    %mul3A = arith.constant 2 : i32
    %mul3A_0 = arith.muli %arg1, %mul3A : i32
    %add3A = arith.addi %mul3A_0, %arg0 : i32
    %mul3A_1 = arith.constant 128 : i32
    %mul3A_2 = arith.muli %add3A, %mul3A_1 : i32
    %mul3A_3 = arith.constant 2560 : i32
    %mul3A_4 = arith.muli %add3A, %mul3A_3 : i32
    %dma_start3A = tpu.memref_slice %arg2[%mul3A_4] : memref<81920xi32, #tpu.memory_space<hbm>> -> memref<2560xi32, #tpu.memory_space<hbm>>
    %dma_start3A_5 = tpu.memref_slice %arg2[%mul3A_4] : memref<81920xi32, #tpu.memory_space<hbm>> -> memref<2560xi32, #tpu.memory_space<hbm>>
    tpu.enqueue_dma source(%dma_start3A_5 : memref<2560xi32, #tpu.memory_space<hbm>>) target(%arg5 : memref<2560xi32, #tpu.memory_space<vmem>>) target_semaphore(%arg8 : memref<!tpu.dma_semaphore, #tpu.memory_space<semaphore_mem>>)
    %dma_wait3A = tpu.memref_slice %arg2[%mul3A_4] : memref<81920xi32, #tpu.memory_space<hbm>> -> memref<2560xi32, #tpu.memory_space<hbm>>
    %dma_wait3A_6 = tpu.memref_slice %arg2[%mul3A_4] : memref<81920xi32, #tpu.memory_space<hbm>> -> memref<2560xi32, #tpu.memory_space<hbm>>
    tpu.wait_dma2 semaphore(%arg8 : memref<!tpu.dma_semaphore, #tpu.memory_space<semaphore_mem>>) src(%dma_wait3A_6 : memref<2560xi32, #tpu.memory_space<hbm>>) dst(%arg5 : memref<2560xi32, #tpu.memory_space<vmem>>)
    tpu.enqueue_dma source(%arg3 : memref<160xi32, #tpu.memory_space<hbm>>) target(%arg6 : memref<160xi32, #tpu.memory_space<vmem>>) target_semaphore(%arg8 : memref<!tpu.dma_semaphore, #tpu.memory_space<semaphore_mem>>)
    tpu.wait_dma2 semaphore(%arg8 : memref<!tpu.dma_semaphore, #tpu.memory_space<semaphore_mem>>) src(%arg3 : memref<160xi32, #tpu.memory_space<hbm>>) dst(%arg6 : memref<160xi32, #tpu.memory_space<vmem>>)
    %broadcast_in_dim3A = arith.constant 0.000000e+00 : f32
    %broadcast_in_dim3A_7 = vector.broadcast %broadcast_in_dim3A : f32 to vector<16xf32>
    %scan3A = arith.constant 0 : i32
    %scan3A_8 = arith.constant 0 : i32
    %scan3A_9 = arith.constant 62 : i32
    %scan3A_10 = arith.addi %scan3A_8, %scan3A_9 : i32
    %scan3A_11 = arith.constant 1 : i32
    scf.for %scan3A_974 = %scan3A_8 to %scan3A_10 step %scan3A_11  : i32 {
      %mul3A_975 = arith.constant 16 : i32
      %mul3A_976 = arith.muli %scan3A_974, %mul3A_975 : i32
      %swap3A_977 = arith.constant 0 : i32
      %swap3A_978 = arith.constant 0 : i32
      %swap3A_979 = arith.index_cast %swap3A_977 : i32 to index
      %swap3A_980 = arith.index_cast %swap3A_978 : i32 to index
      %swap3A_981 = arith.index_cast %mul3A_976 : i32 to index
      %swap3A_982 = tpu.vector_load %arg7[%swap3A_979, %swap3A_980, %swap3A_981] {strides = array<i32>} : memref<4x20x1000xf32, #tpu.memory_space<vmem>>, vector<16xf32>,
      tpu.vector_store %arg7[%swap3A_979, %swap3A_980, %swap3A_981], %broadcast_in_dim3A_7 {strides = array<i32>} : memref<4x20x1000xf32, #tpu.memory_space<vmem>>, vector<16xf32>,
    }
    %scan3A_12 = arith.constant 62 : i32
    %swap3A = arith.constant 0 : i32
    %swap3A_13 = arith.constant 0 : i32
    %swap3A_14 = arith.index_cast %swap3A : i32 to index
    %swap3A_15 = arith.index_cast %swap3A_13 : i32 to index
    %swap3A_16 = arith.constant 984 : index
    %swap3A_17 = tpu.vector_load %arg7[%swap3A_14, %swap3A_15, %swap3A_16] {strides = array<i32>} : memref<4x20x1000xf32, #tpu.memory_space<vmem>>, vector<16xf32>,
    tpu.vector_store %arg7[%swap3A_14, %swap3A_15, %swap3A_16], %broadcast_in_dim3A_7 {strides = array<i32>} : memref<4x20x1000xf32, #tpu.memory_space<vmem>>, vector<16xf32>,
    %scan3A_18 = arith.constant 0 : i32
    %scan3A_19 = arith.constant 0 : i32
    %scan3A_20 = arith.constant 62 : i32
    %scan3A_21 = arith.addi %scan3A_19, %scan3A_20 : i32
    %scan3A_22 = arith.constant 1 : i32
    scf.for %scan3A_974 = %scan3A_19 to %scan3A_21 step %scan3A_22  : i32 {
      %mul3A_975 = arith.constant 16 : i32
      %mul3A_976 = arith.muli %scan3A_974, %mul3A_975 : i32
      %swap3A_977 = arith.constant 0 : i32
      %swap3A_978 = arith.constant 1 : i32
      %swap3A_979 = arith.index_cast %swap3A_977 : i32 to index
      %swap3A_980 = arith.index_cast %swap3A_978 : i32 to index
      %swap3A_981 = arith.index_cast %mul3A_976 : i32 to index
      %swap3A_982 = tpu.vector_load %arg7[%swap3A_979, %swap3A_980, %swap3A_981] {strides = array<i32>} : memref<4x20x1000xf32, #tpu.memory_space<vmem>>, vector<16xf32>,
      tpu.vector_store %arg7[%swap3A_979, %swap3A_980, %swap3A_981], %broadcast_in_dim3A_7 {strides = array<i32>} : memref<4x20x1000xf32, #tpu.memory_space<vmem>>, vector<16xf32>,
    }
    %scan3A_23 = arith.constant 62 : i32
    %swap3A_24 = arith.constant 0 : i32
    %swap3A_25 = arith.constant 1 : i32
    %swap3A_26 = arith.index_cast %swap3A_24 : i32 to index
    %swap3A_27 = arith.index_cast %swap3A_25 : i32 to index
    %swap3A_28 = arith.constant 984 : index
    %swap3A_29 = tpu.vector_load %arg7[%swap3A_26, %swap3A_27, %swap3A_28] {strides = array<i32>} : memref<4x20x1000xf32, #tpu.memory_space<vmem>>, vector<16xf32>,
    tpu.vector_store %arg7[%swap3A_26, %swap3A_27, %swap3A_28], %broadcast_in_dim3A_7 {strides = array<i32>} : memref<4x20x1000xf32, #tpu.memory_space<vmem>>, vector<16xf32>,
    %scan3A_30 = arith.constant 0 : i32
    %scan3A_31 = arith.constant 0 : i32
    %scan3A_32 = arith.constant 62 : i32
    %scan3A_33 = arith.addi %scan3A_31, %scan3A_32 : i32
    %scan3A_34 = arith.constant 1 : i32
    scf.for %scan3A_974 = %scan3A_31 to %scan3A_33 step %scan3A_34  : i32 {
      %mul3A_975 = arith.constant 16 : i32
      %mul3A_976 = arith.muli %scan3A_974, %mul3A_975 : i32
      %swap3A_977 = arith.constant 0 : i32
      %swap3A_978 = arith.constant 2 : i32
      %swap3A_979 = arith.index_cast %swap3A_977 : i32 to index
      %swap3A_980 = arith.index_cast %swap3A_978 : i32 to index
      %swap3A_981 = arith.index_cast %mul3A_976 : i32 to index
      %swap3A_982 = tpu.vector_load %arg7[%swap3A_979, %swap3A_980, %swap3A_981] {strides = array<i32>} : memref<4x20x1000xf32, #tpu.memory_space<vmem>>, vector<16xf32>,
      tpu.vector_store %arg7[%swap3A_979, %swap3A_980, %swap3A_981], %broadcast_in_dim3A_7 {strides = array<i32>} : memref<4x20x1000xf32, #tpu.memory_space<vmem>>, vector<16xf32>,
    }
    %scan3A_35 = arith.constant 62 : i32
    %swap3A_36 = arith.constant 0 : i32
    %swap3A_37 = arith.constant 2 : i32
    %swap3A_38 = arith.index_cast %swap3A_36 : i32 to index
    %swap3A_39 = arith.index_cast %swap3A_37 : i32 to index
    %swap3A_40 = arith.constant 984 : index
    %swap3A_41 = tpu.vector_load %arg7[%swap3A_38, %swap3A_39, %swap3A_40] {strides = array<i32>} : memref<4x20x1000xf32, #tpu.memory_space<vmem>>, vector<16xf32>,
    tpu.vector_store %arg7[%swap3A_38, %swap3A_39, %swap3A_40], %broadcast_in_dim3A_7 {strides = array<i32>} : memref<4x20x1000xf32, #tpu.memory_space<vmem>>, vector<16xf32>,
    %scan3A_42 = arith.constant 0 : i32
    %scan3A_43 = arith.constant 0 : i32
    %scan3A_44 = arith.constant 62 : i32
    %scan3A_45 = arith.addi %scan3A_43, %scan3A_44 : i32
    %scan3A_46 = arith.constant 1 : i32
    scf.for %scan3A_974 = %scan3A_43 to %scan3A_45 step %scan3A_46  : i32 {
      %mul3A_975 = arith.constant 16 : i32
      %mul3A_976 = arith.muli %scan3A_974, %mul3A_975 : i32
      %swap3A_977 = arith.constant 0 : i32
      %swap3A_978 = arith.constant 3 : i32
      %swap3A_979 = arith.index_cast %swap3A_977 : i32 to index
      %swap3A_980 = arith.index_cast %swap3A_978 : i32 to index
      %swap3A_981 = arith.index_cast %mul3A_976 : i32 to index
      %swap3A_982 = tpu.vector_load %arg7[%swap3A_979, %swap3A_980, %swap3A_981] {strides = array<i32>} : memref<4x20x1000xf32, #tpu.memory_space<vmem>>, vector<16xf32>,
      tpu.vector_store %arg7[%swap3A_979, %swap3A_980, %swap3A_981], %broadcast_in_dim3A_7 {strides = array<i32>} : memref<4x20x1000xf32, #tpu.memory_space<vmem>>, vector<16xf32>,
    }
    %scan3A_47 = arith.constant 62 : i32
    %swap3A_48 = arith.constant 0 : i32
    %swap3A_49 = arith.constant 3 : i32
    %swap3A_50 = arith.index_cast %swap3A_48 : i32 to index
    %swap3A_51 = arith.index_cast %swap3A_49 : i32 to index
    %swap3A_52 = arith.constant 984 : index
    %swap3A_53 = tpu.vector_load %arg7[%swap3A_50, %swap3A_51, %swap3A_52] {strides = array<i32>} : memref<4x20x1000xf32, #tpu.memory_space<vmem>>, vector<16xf32>,
    tpu.vector_store %arg7[%swap3A_50, %swap3A_51, %swap3A_52], %broadcast_in_dim3A_7 {strides = array<i32>} : memref<4x20x1000xf32, #tpu.memory_space<vmem>>, vector<16xf32>,
    %scan3A_54 = arith.constant 0 : i32
    %scan3A_55 = arith.constant 0 : i32
    %scan3A_56 = arith.constant 62 : i32
    %scan3A_57 = arith.addi %scan3A_55, %scan3A_56 : i32
    %scan3A_58 = arith.constant 1 : i32
    scf.for %scan3A_974 = %scan3A_55 to %scan3A_57 step %scan3A_58  : i32 {
      %mul3A_975 = arith.constant 16 : i32
      %mul3A_976 = arith.muli %scan3A_974, %mul3A_975 : i32
      %swap3A_977 = arith.constant 0 : i32
      %swap3A_978 = arith.constant 4 : i32
      %swap3A_979 = arith.index_cast %swap3A_977 : i32 to index
      %swap3A_980 = arith.index_cast %swap3A_978 : i32 to index
      %swap3A_981 = arith.index_cast %mul3A_976 : i32 to index
      %swap3A_982 = tpu.vector_load %arg7[%swap3A_979, %swap3A_980, %swap3A_981] {strides = array<i32>} : memref<4x20x1000xf32, #tpu.memory_space<vmem>>, vector<16xf32>,
      tpu.vector_store %arg7[%swap3A_979, %swap3A_980, %swap3A_981], %broadcast_in_dim3A_7 {strides = array<i32>} : memref<4x20x1000xf32, #tpu.memory_space<vmem>>, vector<16xf32>,
    }
    %scan3A_59 = arith.constant 62 : i32
    %swap3A_60 = arith.constant 0 : i32
    %swap3A_61 = arith.constant 4 : i32
    %swap3A_62 = arith.index_cast %swap3A_60 : i32 to index
    %swap3A_63 = arith.index_cast %swap3A_61 : i32 to index
    %swap3A_64 = arith.constant 984 : index
    %swap3A_65 = tpu.vector_load %arg7[%swap3A_62, %swap3A_63, %swap3A_64] {strides = array<i32>} : memref<4x20x1000xf32, #tpu.memory_space<vmem>>, vector<16xf32>,
    tpu.vector_store %arg7[%swap3A_62, %swap3A_63, %swap3A_64], %broadcast_in_dim3A_7 {strides = array<i32>} : memref<4x20x1000xf32, #tpu.memory_space<vmem>>, vector<16xf32>,
    %scan3A_66 = arith.constant 0 : i32
    %scan3A_67 = arith.constant 0 : i32
    %scan3A_68 = arith.constant 62 : i32
    %scan3A_69 = arith.addi %scan3A_67, %scan3A_68 : i32
    %scan3A_70 = arith.constant 1 : i32
    scf.for %scan3A_974 = %scan3A_67 to %scan3A_69 step %scan3A_70  : i32 {
      %mul3A_975 = arith.constant 16 : i32
      %mul3A_976 = arith.muli %scan3A_974, %mul3A_975 : i32
      %swap3A_977 = arith.constant 0 : i32
      %swap3A_978 = arith.constant 5 : i32
      %swap3A_979 = arith.index_cast %swap3A_977 : i32 to index
      %swap3A_980 = arith.index_cast %swap3A_978 : i32 to index
      %swap3A_981 = arith.index_cast %mul3A_976 : i32 to index
      %swap3A_982 = tpu.vector_load %arg7[%swap3A_979, %swap3A_980, %swap3A_981] {strides = array<i32>} : memref<4x20x1000xf32, #tpu.memory_space<vmem>>, vector<16xf32>,
      tpu.vector_store %arg7[%swap3A_979, %swap3A_980, %swap3A_981], %broadcast_in_dim3A_7 {strides = array<i32>} : memref<4x20x1000xf32, #tpu.memory_space<vmem>>, vector<16xf32>,
    }
    %scan3A_71 = arith.constant 62 : i32
    %swap3A_72 = arith.constant 0 : i32
    %swap3A_73 = arith.constant 5 : i32
    %swap3A_74 = arith.index_cast %swap3A_72 : i32 to index
    %swap3A_75 = arith.index_cast %swap3A_73 : i32 to index
    %swap3A_76 = arith.constant 984 : index
    %swap3A_77 = tpu.vector_load %arg7[%swap3A_74, %swap3A_75, %swap3A_76] {strides = array<i32>} : memref<4x20x1000xf32, #tpu.memory_space<vmem>>, vector<16xf32>,
    tpu.vector_store %arg7[%swap3A_74, %swap3A_75, %swap3A_76], %broadcast_in_dim3A_7 {strides = array<i32>} : memref<4x20x1000xf32, #tpu.memory_space<vmem>>, vector<16xf32>,
    %scan3A_78 = arith.constant 0 : i32
    %scan3A_79 = arith.constant 0 : i32
    %scan3A_80 = arith.constant 62 : i32
    %scan3A_81 = arith.addi %scan3A_79, %scan3A_80 : i32
    %scan3A_82 = arith.constant 1 : i32
    scf.for %scan3A_974 = %scan3A_79 to %scan3A_81 step %scan3A_82  : i32 {
      %mul3A_975 = arith.constant 16 : i32
      %mul3A_976 = arith.muli %scan3A_974, %mul3A_975 : i32
      %swap3A_977 = arith.constant 0 : i32
      %swap3A_978 = arith.constant 6 : i32
      %swap3A_979 = arith.index_cast %swap3A_977 : i32 to index
      %swap3A_980 = arith.index_cast %swap3A_978 : i32 to index
      %swap3A_981 = arith.index_cast %mul3A_976 : i32 to index
      %swap3A_982 = tpu.vector_load %arg7[%swap3A_979, %swap3A_980, %swap3A_981] {strides = array<i32>} : memref<4x20x1000xf32, #tpu.memory_space<vmem>>, vector<16xf32>,
      tpu.vector_store %arg7[%swap3A_979, %swap3A_980, %swap3A_981], %broadcast_in_dim3A_7 {strides = array<i32>} : memref<4x20x1000xf32, #tpu.memory_space<vmem>>, vector<16xf32>,
    }
    %scan3A_83 = arith.constant 62 : i32
    %swap3A_84 = arith.constant 0 : i32
    %swap3A_85 = arith.constant 6 : i32
    %swap3A_86 = arith.index_cast %swap3A_84 : i32 to index
    %swap3A_87 = arith.index_cast %swap3A_85 : i32 to index
    %swap3A_88 = arith.constant 984 : index
    %swap3A_89 = tpu.vector_load %arg7[%swap3A_86, %swap3A_87, %swap3A_88] {strides = array<i32>} : memref<4x20x1000xf32, #tpu.memory_space<vmem>>, vector<16xf32>,
    tpu.vector_store %arg7[%swap3A_86, %swap3A_87, %swap3A_88], %broadcast_in_dim3A_7 {strides = array<i32>} : memref<4x20x1000xf32, #tpu.memory_space<vmem>>, vector<16xf32>,
    %scan3A_90 = arith.constant 0 : i32
    %scan3A_91 = arith.constant 0 : i32
    %scan3A_92 = arith.constant 62 : i32
    %scan3A_93 = arith.addi %scan3A_91, %scan3A_92 : i32
    %scan3A_94 = arith.constant 1 : i32
    scf.for %scan3A_974 = %scan3A_91 to %scan3A_93 step %scan3A_94  : i32 {
      %mul3A_975 = arith.constant 16 : i32
      %mul3A_976 = arith.muli %scan3A_974, %mul3A_975 : i32
      %swap3A_977 = arith.constant 0 : i32
      %swap3A_978 = arith.constant 7 : i32
      %swap3A_979 = arith.index_cast %swap3A_977 : i32 to index
      %swap3A_980 = arith.index_cast %swap3A_978 : i32 to index
      %swap3A_981 = arith.index_cast %mul3A_976 : i32 to index
      %swap3A_982 = tpu.vector_load %arg7[%swap3A_979, %swap3A_980, %swap3A_981] {strides = array<i32>} : memref<4x20x1000xf32, #tpu.memory_space<vmem>>, vector<16xf32>,
      tpu.vector_store %arg7[%swap3A_979, %swap3A_980, %swap3A_981], %broadcast_in_dim3A_7 {strides = array<i32>} : memref<4x20x1000xf32, #tpu.memory_space<vmem>>, vector<16xf32>,
    }
    %scan3A_95 = arith.constant 62 : i32
    %swap3A_96 = arith.constant 0 : i32
    %swap3A_97 = arith.constant 7 : i32
    %swap3A_98 = arith.index_cast %swap3A_96 : i32 to index
    %swap3A_99 = arith.index_cast %swap3A_97 : i32 to index
    %swap3A_100 = arith.constant 984 : index
    %swap3A_101 = tpu.vector_load %arg7[%swap3A_98, %swap3A_99, %swap3A_100] {strides = array<i32>} : memref<4x20x1000xf32, #tpu.memory_space<vmem>>, vector<16xf32>,
    tpu.vector_store %arg7[%swap3A_98, %swap3A_99, %swap3A_100], %broadcast_in_dim3A_7 {strides = array<i32>} : memref<4x20x1000xf32, #tpu.memory_space<vmem>>, vector<16xf32>,
    %scan3A_102 = arith.constant 0 : i32
    %scan3A_103 = arith.constant 0 : i32
    %scan3A_104 = arith.constant 62 : i32
    %scan3A_105 = arith.addi %scan3A_103, %scan3A_104 : i32
    %scan3A_106 = arith.constant 1 : i32
    scf.for %scan3A_974 = %scan3A_103 to %scan3A_105 step %scan3A_106  : i32 {
      %mul3A_975 = arith.constant 16 : i32
      %mul3A_976 = arith.muli %scan3A_974, %mul3A_975 : i32
      %swap3A_977 = arith.constant 0 : i32
      %swap3A_978 = arith.constant 8 : i32
      %swap3A_979 = arith.index_cast %swap3A_977 : i32 to index
      %swap3A_980 = arith.index_cast %swap3A_978 : i32 to index
      %swap3A_981 = arith.index_cast %mul3A_976 : i32 to index
      %swap3A_982 = tpu.vector_load %arg7[%swap3A_979, %swap3A_980, %swap3A_981] {strides = array<i32>} : memref<4x20x1000xf32, #tpu.memory_space<vmem>>, vector<16xf32>,
      tpu.vector_store %arg7[%swap3A_979, %swap3A_980, %swap3A_981], %broadcast_in_dim3A_7 {strides = array<i32>} : memref<4x20x1000xf32, #tpu.memory_space<vmem>>, vector<16xf32>,
    }
    %scan3A_107 = arith.constant 62 : i32
    %swap3A_108 = arith.constant 0 : i32
    %swap3A_109 = arith.constant 8 : i32
    %swap3A_110 = arith.index_cast %swap3A_108 : i32 to index
    %swap3A_111 = arith.index_cast %swap3A_109 : i32 to index
    %swap3A_112 = arith.constant 984 : index
    %swap3A_113 = tpu.vector_load %arg7[%swap3A_110, %swap3A_111, %swap3A_112] {strides = array<i32>} : memref<4x20x1000xf32, #tpu.memory_space<vmem>>, vector<16xf32>,
    tpu.vector_store %arg7[%swap3A_110, %swap3A_111, %swap3A_112], %broadcast_in_dim3A_7 {strides = array<i32>} : memref<4x20x1000xf32, #tpu.memory_space<vmem>>, vector<16xf32>,
    %scan3A_114 = arith.constant 0 : i32
    %scan3A_115 = arith.constant 0 : i32
    %scan3A_116 = arith.constant 62 : i32
    %scan3A_117 = arith.addi %scan3A_115, %scan3A_116 : i32
    %scan3A_118 = arith.constant 1 : i32
    scf.for %scan3A_974 = %scan3A_115 to %scan3A_117 step %scan3A_118  : i32 {
      %mul3A_975 = arith.constant 16 : i32
      %mul3A_976 = arith.muli %scan3A_974, %mul3A_975 : i32
      %swap3A_977 = arith.constant 0 : i32
      %swap3A_978 = arith.constant 9 : i32
      %swap3A_979 = arith.index_cast %swap3A_977 : i32 to index
      %swap3A_980 = arith.index_cast %swap3A_978 : i32 to index
      %swap3A_981 = arith.index_cast %mul3A_976 : i32 to index
      %swap3A_982 = tpu.vector_load %arg7[%swap3A_979, %swap3A_980, %swap3A_981] {strides = array<i32>} : memref<4x20x1000xf32, #tpu.memory_space<vmem>>, vector<16xf32>,
      tpu.vector_store %arg7[%swap3A_979, %swap3A_980, %swap3A_981], %broadcast_in_dim3A_7 {strides = array<i32>} : memref<4x20x1000xf32, #tpu.memory_space<vmem>>, vector<16xf32>,
    }
    %scan3A_119 = arith.constant 62 : i32
    %swap3A_120 = arith.constant 0 : i32
    %swap3A_121 = arith.constant 9 : i32
    %swap3A_122 = arith.index_cast %swap3A_120 : i32 to index
    %swap3A_123 = arith.index_cast %swap3A_121 : i32 to index
    %swap3A_124 = arith.constant 984 : index
    %swap3A_125 = tpu.vector_load %arg7[%swap3A_122, %swap3A_123, %swap3A_124] {strides = array<i32>} : memref<4x20x1000xf32, #tpu.memory_space<vmem>>, vector<16xf32>,
    tpu.vector_store %arg7[%swap3A_122, %swap3A_123, %swap3A_124], %broadcast_in_dim3A_7 {strides = array<i32>} : memref<4x20x1000xf32, #tpu.memory_space<vmem>>, vector<16xf32>,
    %scan3A_126 = arith.constant 0 : i32
    %scan3A_127 = arith.constant 0 : i32
    %scan3A_128 = arith.constant 62 : i32
    %scan3A_129 = arith.addi %scan3A_127, %scan3A_128 : i32
    %scan3A_130 = arith.constant 1 : i32
    scf.for %scan3A_974 = %scan3A_127 to %scan3A_129 step %scan3A_130  : i32 {
      %mul3A_975 = arith.constant 16 : i32
      %mul3A_976 = arith.muli %scan3A_974, %mul3A_975 : i32
      %swap3A_977 = arith.constant 0 : i32
      %swap3A_978 = arith.constant 10 : i32
      %swap3A_979 = arith.index_cast %swap3A_977 : i32 to index
      %swap3A_980 = arith.index_cast %swap3A_978 : i32 to index
      %swap3A_981 = arith.index_cast %mul3A_976 : i32 to index
      %swap3A_982 = tpu.vector_load %arg7[%swap3A_979, %swap3A_980, %swap3A_981] {strides = array<i32>} : memref<4x20x1000xf32, #tpu.memory_space<vmem>>, vector<16xf32>,
      tpu.vector_store %arg7[%swap3A_979, %swap3A_980, %swap3A_981], %broadcast_in_dim3A_7 {strides = array<i32>} : memref<4x20x1000xf32, #tpu.memory_space<vmem>>, vector<16xf32>,
    }
    %scan3A_131 = arith.constant 62 : i32
    %swap3A_132 = arith.constant 0 : i32
    %swap3A_133 = arith.constant 10 : i32
    %swap3A_134 = arith.index_cast %swap3A_132 : i32 to index
    %swap3A_135 = arith.index_cast %swap3A_133 : i32 to index
    %swap3A_136 = arith.constant 984 : index
    %swap3A_137 = tpu.vector_load %arg7[%swap3A_134, %swap3A_135, %swap3A_136] {strides = array<i32>} : memref<4x20x1000xf32, #tpu.memory_space<vmem>>, vector<16xf32>,
    tpu.vector_store %arg7[%swap3A_134, %swap3A_135, %swap3A_136], %broadcast_in_dim3A_7 {strides = array<i32>} : memref<4x20x1000xf32, #tpu.memory_space<vmem>>, vector<16xf32>,
    %scan3A_138 = arith.constant 0 : i32
    %scan3A_139 = arith.constant 0 : i32
    %scan3A_140 = arith.constant 62 : i32
    %scan3A_141 = arith.addi %scan3A_139, %scan3A_140 : i32
    %scan3A_142 = arith.constant 1 : i32
    scf.for %scan3A_974 = %scan3A_139 to %scan3A_141 step %scan3A_142  : i32 {
      %mul3A_975 = arith.constant 16 : i32
      %mul3A_976 = arith.muli %scan3A_974, %mul3A_975 : i32
      %swap3A_977 = arith.constant 0 : i32
      %swap3A_978 = arith.constant 11 : i32
      %swap3A_979 = arith.index_cast %swap3A_977 : i32 to index
      %swap3A_980 = arith.index_cast %swap3A_978 : i32 to index
      %swap3A_981 = arith.index_cast %mul3A_976 : i32 to index
      %swap3A_982 = tpu.vector_load %arg7[%swap3A_979, %swap3A_980, %swap3A_981] {strides = array<i32>} : memref<4x20x1000xf32, #tpu.memory_space<vmem>>, vector<16xf32>,
      tpu.vector_store %arg7[%swap3A_979, %swap3A_980, %swap3A_981], %broadcast_in_dim3A_7 {strides = array<i32>} : memref<4x20x1000xf32, #tpu.memory_space<vmem>>, vector<16xf32>,
    }
    %scan3A_143 = arith.constant 62 : i32
    %swap3A_144 = arith.constant 0 : i32
    %swap3A_145 = arith.constant 11 : i32
    %swap3A_146 = arith.index_cast %swap3A_144 : i32 to index
    %swap3A_147 = arith.index_cast %swap3A_145 : i32 to index
    %swap3A_148 = arith.constant 984 : index
    %swap3A_149 = tpu.vector_load %arg7[%swap3A_146, %swap3A_147, %swap3A_148] {strides = array<i32>} : memref<4x20x1000xf32, #tpu.memory_space<vmem>>, vector<16xf32>,
    tpu.vector_store %arg7[%swap3A_146, %swap3A_147, %swap3A_148], %broadcast_in_dim3A_7 {strides = array<i32>} : memref<4x20x1000xf32, #tpu.memory_space<vmem>>, vector<16xf32>,
    %scan3A_150 = arith.constant 0 : i32
    %scan3A_151 = arith.constant 0 : i32
    %scan3A_152 = arith.constant 62 : i32
    %scan3A_153 = arith.addi %scan3A_151, %scan3A_152 : i32
    %scan3A_154 = arith.constant 1 : i32
    scf.for %scan3A_974 = %scan3A_151 to %scan3A_153 step %scan3A_154  : i32 {
      %mul3A_975 = arith.constant 16 : i32
      %mul3A_976 = arith.muli %scan3A_974, %mul3A_975 : i32
      %swap3A_977 = arith.constant 0 : i32
      %swap3A_978 = arith.constant 12 : i32
      %swap3A_979 = arith.index_cast %swap3A_977 : i32 to index
      %swap3A_980 = arith.index_cast %swap3A_978 : i32 to index
      %swap3A_981 = arith.index_cast %mul3A_976 : i32 to index
      %swap3A_982 = tpu.vector_load %arg7[%swap3A_979, %swap3A_980, %swap3A_981] {strides = array<i32>} : memref<4x20x1000xf32, #tpu.memory_space<vmem>>, vector<16xf32>,
      tpu.vector_store %arg7[%swap3A_979, %swap3A_980, %swap3A_981], %broadcast_in_dim3A_7 {strides = array<i32>} : memref<4x20x1000xf32, #tpu.memory_space<vmem>>, vector<16xf32>,
    }
    %scan3A_155 = arith.constant 62 : i32
    %swap3A_156 = arith.constant 0 : i32
    %swap3A_157 = arith.constant 12 : i32
    %swap3A_158 = arith.index_cast %swap3A_156 : i32 to index
    %swap3A_159 = arith.index_cast %swap3A_157 : i32 to index
    %swap3A_160 = arith.constant 984 : index
    %swap3A_161 = tpu.vector_load %arg7[%swap3A_158, %swap3A_159, %swap3A_160] {strides = array<i32>} : memref<4x20x1000xf32, #tpu.memory_space<vmem>>, vector<16xf32>,
    tpu.vector_store %arg7[%swap3A_158, %swap3A_159, %swap3A_160], %broadcast_in_dim3A_7 {strides = array<i32>} : memref<4x20x1000xf32, #tpu.memory_space<vmem>>, vector<16xf32>,
    %scan3A_162 = arith.constant 0 : i32
    %scan3A_163 = arith.constant 0 : i32
    %scan3A_164 = arith.constant 62 : i32
    %scan3A_165 = arith.addi %scan3A_163, %scan3A_164 : i32
    %scan3A_166 = arith.constant 1 : i32
    scf.for %scan3A_974 = %scan3A_163 to %scan3A_165 step %scan3A_166  : i32 {
      %mul3A_975 = arith.constant 16 : i32
      %mul3A_976 = arith.muli %scan3A_974, %mul3A_975 : i32
      %swap3A_977 = arith.constant 0 : i32
      %swap3A_978 = arith.constant 13 : i32
      %swap3A_979 = arith.index_cast %swap3A_977 : i32 to index
      %swap3A_980 = arith.index_cast %swap3A_978 : i32 to index
      %swap3A_981 = arith.index_cast %mul3A_976 : i32 to index
      %swap3A_982 = tpu.vector_load %arg7[%swap3A_979, %swap3A_980, %swap3A_981] {strides = array<i32>} : memref<4x20x1000xf32, #tpu.memory_space<vmem>>, vector<16xf32>,
      tpu.vector_store %arg7[%swap3A_979, %swap3A_980, %swap3A_981], %broadcast_in_dim3A_7 {strides = array<i32>} : memref<4x20x1000xf32, #tpu.memory_space<vmem>>, vector<16xf32>,
    }
    %scan3A_167 = arith.constant 62 : i32
    %swap3A_168 = arith.constant 0 : i32
    %swap3A_169 = arith.constant 13 : i32
    %swap3A_170 = arith.index_cast %swap3A_168 : i32 to index
    %swap3A_171 = arith.index_cast %swap3A_169 : i32 to index
    %swap3A_172 = arith.constant 984 : index
    %swap3A_173 = tpu.vector_load %arg7[%swap3A_170, %swap3A_171, %swap3A_172] {strides = array<i32>} : memref<4x20x1000xf32, #tpu.memory_space<vmem>>, vector<16xf32>,
    tpu.vector_store %arg7[%swap3A_170, %swap3A_171, %swap3A_172], %broadcast_in_dim3A_7 {strides = array<i32>} : memref<4x20x1000xf32, #tpu.memory_space<vmem>>, vector<16xf32>,
    %scan3A_174 = arith.constant 0 : i32
    %scan3A_175 = arith.constant 0 : i32
    %scan3A_176 = arith.constant 62 : i32
    %scan3A_177 = arith.addi %scan3A_175, %scan3A_176 : i32
    %scan3A_178 = arith.constant 1 : i32
    scf.for %scan3A_974 = %scan3A_175 to %scan3A_177 step %scan3A_178  : i32 {
      %mul3A_975 = arith.constant 16 : i32
      %mul3A_976 = arith.muli %scan3A_974, %mul3A_975 : i32
      %swap3A_977 = arith.constant 0 : i32
      %swap3A_978 = arith.constant 14 : i32
      %swap3A_979 = arith.index_cast %swap3A_977 : i32 to index
      %swap3A_980 = arith.index_cast %swap3A_978 : i32 to index
      %swap3A_981 = arith.index_cast %mul3A_976 : i32 to index
      %swap3A_982 = tpu.vector_load %arg7[%swap3A_979, %swap3A_980, %swap3A_981] {strides = array<i32>} : memref<4x20x1000xf32, #tpu.memory_space<vmem>>, vector<16xf32>,
      tpu.vector_store %arg7[%swap3A_979, %swap3A_980, %swap3A_981], %broadcast_in_dim3A_7 {strides = array<i32>} : memref<4x20x1000xf32, #tpu.memory_space<vmem>>, vector<16xf32>,
    }
    %scan3A_179 = arith.constant 62 : i32
    %swap3A_180 = arith.constant 0 : i32
    %swap3A_181 = arith.constant 14 : i32
    %swap3A_182 = arith.index_cast %swap3A_180 : i32 to index
    %swap3A_183 = arith.index_cast %swap3A_181 : i32 to index
    %swap3A_184 = arith.constant 984 : index
    %swap3A_185 = tpu.vector_load %arg7[%swap3A_182, %swap3A_183, %swap3A_184] {strides = array<i32>} : memref<4x20x1000xf32, #tpu.memory_space<vmem>>, vector<16xf32>,
    tpu.vector_store %arg7[%swap3A_182, %swap3A_183, %swap3A_184], %broadcast_in_dim3A_7 {strides = array<i32>} : memref<4x20x1000xf32, #tpu.memory_space<vmem>>, vector<16xf32>,
    %scan3A_186 = arith.constant 0 : i32
    %scan3A_187 = arith.constant 0 : i32
    %scan3A_188 = arith.constant 62 : i32
    %scan3A_189 = arith.addi %scan3A_187, %scan3A_188 : i32
    %scan3A_190 = arith.constant 1 : i32
    scf.for %scan3A_974 = %scan3A_187 to %scan3A_189 step %scan3A_190  : i32 {
      %mul3A_975 = arith.constant 16 : i32
      %mul3A_976 = arith.muli %scan3A_974, %mul3A_975 : i32
      %swap3A_977 = arith.constant 0 : i32
      %swap3A_978 = arith.constant 15 : i32
      %swap3A_979 = arith.index_cast %swap3A_977 : i32 to index
      %swap3A_980 = arith.index_cast %swap3A_978 : i32 to index
      %swap3A_981 = arith.index_cast %mul3A_976 : i32 to index
      %swap3A_982 = tpu.vector_load %arg7[%swap3A_979, %swap3A_980, %swap3A_981] {strides = array<i32>} : memref<4x20x1000xf32, #tpu.memory_space<vmem>>, vector<16xf32>,
      tpu.vector_store %arg7[%swap3A_979, %swap3A_980, %swap3A_981], %broadcast_in_dim3A_7 {strides = array<i32>} : memref<4x20x1000xf32, #tpu.memory_space<vmem>>, vector<16xf32>,
    }
    %scan3A_191 = arith.constant 62 : i32
    %swap3A_192 = arith.constant 0 : i32
    %swap3A_193 = arith.constant 15 : i32
    %swap3A_194 = arith.index_cast %swap3A_192 : i32 to index
    %swap3A_195 = arith.index_cast %swap3A_193 : i32 to index
    %swap3A_196 = arith.constant 984 : index
    %swap3A_197 = tpu.vector_load %arg7[%swap3A_194, %swap3A_195, %swap3A_196] {strides = array<i32>} : memref<4x20x1000xf32, #tpu.memory_space<vmem>>, vector<16xf32>,
    tpu.vector_store %arg7[%swap3A_194, %swap3A_195, %swap3A_196], %broadcast_in_dim3A_7 {strides = array<i32>} : memref<4x20x1000xf32, #tpu.memory_space<vmem>>, vector<16xf32>,
    %scan3A_198 = arith.constant 0 : i32
    %scan3A_199 = arith.constant 0 : i32
    %scan3A_200 = arith.constant 62 : i32
    %scan3A_201 = arith.addi %scan3A_199, %scan3A_200 : i32
    %scan3A_202 = arith.constant 1 : i32
    scf.for %scan3A_974 = %scan3A_199 to %scan3A_201 step %scan3A_202  : i32 {
      %mul3A_975 = arith.constant 16 : i32
      %mul3A_976 = arith.muli %scan3A_974, %mul3A_975 : i32
      %swap3A_977 = arith.constant 0 : i32
      %swap3A_978 = arith.constant 16 : i32
      %swap3A_979 = arith.index_cast %swap3A_977 : i32 to index
      %swap3A_980 = arith.index_cast %swap3A_978 : i32 to index
      %swap3A_981 = arith.index_cast %mul3A_976 : i32 to index
      %swap3A_982 = tpu.vector_load %arg7[%swap3A_979, %swap3A_980, %swap3A_981] {strides = array<i32>} : memref<4x20x1000xf32, #tpu.memory_space<vmem>>, vector<16xf32>,
      tpu.vector_store %arg7[%swap3A_979, %swap3A_980, %swap3A_981], %broadcast_in_dim3A_7 {strides = array<i32>} : memref<4x20x1000xf32, #tpu.memory_space<vmem>>, vector<16xf32>,
    }
    %scan3A_203 = arith.constant 62 : i32
    %swap3A_204 = arith.constant 0 : i32
    %swap3A_205 = arith.constant 16 : i32
    %swap3A_206 = arith.index_cast %swap3A_204 : i32 to index
    %swap3A_207 = arith.index_cast %swap3A_205 : i32 to index
    %swap3A_208 = arith.constant 984 : index
    %swap3A_209 = tpu.vector_load %arg7[%swap3A_206, %swap3A_207, %swap3A_208] {strides = array<i32>} : memref<4x20x1000xf32, #tpu.memory_space<vmem>>, vector<16xf32>,
    tpu.vector_store %arg7[%swap3A_206, %swap3A_207, %swap3A_208], %broadcast_in_dim3A_7 {strides = array<i32>} : memref<4x20x1000xf32, #tpu.memory_space<vmem>>, vector<16xf32>,
    %scan3A_210 = arith.constant 0 : i32
    %scan3A_211 = arith.constant 0 : i32
    %scan3A_212 = arith.constant 62 : i32
    %scan3A_213 = arith.addi %scan3A_211, %scan3A_212 : i32
    %scan3A_214 = arith.constant 1 : i32
    scf.for %scan3A_974 = %scan3A_211 to %scan3A_213 step %scan3A_214  : i32 {
      %mul3A_975 = arith.constant 16 : i32
      %mul3A_976 = arith.muli %scan3A_974, %mul3A_975 : i32
      %swap3A_977 = arith.constant 0 : i32
      %swap3A_978 = arith.constant 17 : i32
      %swap3A_979 = arith.index_cast %swap3A_977 : i32 to index
      %swap3A_980 = arith.index_cast %swap3A_978 : i32 to index
      %swap3A_981 = arith.index_cast %mul3A_976 : i32 to index
      %swap3A_982 = tpu.vector_load %arg7[%swap3A_979, %swap3A_980, %swap3A_981] {strides = array<i32>} : memref<4x20x1000xf32, #tpu.memory_space<vmem>>, vector<16xf32>,
      tpu.vector_store %arg7[%swap3A_979, %swap3A_980, %swap3A_981], %broadcast_in_dim3A_7 {strides = array<i32>} : memref<4x20x1000xf32, #tpu.memory_space<vmem>>, vector<16xf32>,
    }
    %scan3A_215 = arith.constant 62 : i32
    %swap3A_216 = arith.constant 0 : i32
    %swap3A_217 = arith.constant 17 : i32
    %swap3A_218 = arith.index_cast %swap3A_216 : i32 to index
    %swap3A_219 = arith.index_cast %swap3A_217 : i32 to index
    %swap3A_220 = arith.constant 984 : index
    %swap3A_221 = tpu.vector_load %arg7[%swap3A_218, %swap3A_219, %swap3A_220] {strides = array<i32>} : memref<4x20x1000xf32, #tpu.memory_space<vmem>>, vector<16xf32>,
    tpu.vector_store %arg7[%swap3A_218, %swap3A_219, %swap3A_220], %broadcast_in_dim3A_7 {strides = array<i32>} : memref<4x20x1000xf32, #tpu.memory_space<vmem>>, vector<16xf32>,
    %scan3A_222 = arith.constant 0 : i32
    %scan3A_223 = arith.constant 0 : i32
    %scan3A_224 = arith.constant 62 : i32
    %scan3A_225 = arith.addi %scan3A_223, %scan3A_224 : i32
    %scan3A_226 = arith.constant 1 : i32
    scf.for %scan3A_974 = %scan3A_223 to %scan3A_225 step %scan3A_226  : i32 {
      %mul3A_975 = arith.constant 16 : i32
      %mul3A_976 = arith.muli %scan3A_974, %mul3A_975 : i32
      %swap3A_977 = arith.constant 0 : i32
      %swap3A_978 = arith.constant 18 : i32
      %swap3A_979 = arith.index_cast %swap3A_977 : i32 to index
      %swap3A_980 = arith.index_cast %swap3A_978 : i32 to index
      %swap3A_981 = arith.index_cast %mul3A_976 : i32 to index
      %swap3A_982 = tpu.vector_load %arg7[%swap3A_979, %swap3A_980, %swap3A_981] {strides = array<i32>} : memref<4x20x1000xf32, #tpu.memory_space<vmem>>, vector<16xf32>,
      tpu.vector_store %arg7[%swap3A_979, %swap3A_980, %swap3A_981], %broadcast_in_dim3A_7 {strides = array<i32>} : memref<4x20x1000xf32, #tpu.memory_space<vmem>>, vector<16xf32>,
    }
    %scan3A_227 = arith.constant 62 : i32
    %swap3A_228 = arith.constant 0 : i32
    %swap3A_229 = arith.constant 18 : i32
    %swap3A_230 = arith.index_cast %swap3A_228 : i32 to index
    %swap3A_231 = arith.index_cast %swap3A_229 : i32 to index
    %swap3A_232 = arith.constant 984 : index
    %swap3A_233 = tpu.vector_load %arg7[%swap3A_230, %swap3A_231, %swap3A_232] {strides = array<i32>} : memref<4x20x1000xf32, #tpu.memory_space<vmem>>, vector<16xf32>,
    tpu.vector_store %arg7[%swap3A_230, %swap3A_231, %swap3A_232], %broadcast_in_dim3A_7 {strides = array<i32>} : memref<4x20x1000xf32, #tpu.memory_space<vmem>>, vector<16xf32>,
    %scan3A_234 = arith.constant 0 : i32
    %scan3A_235 = arith.constant 0 : i32
    %scan3A_236 = arith.constant 62 : i32
    %scan3A_237 = arith.addi %scan3A_235, %scan3A_236 : i32
    %scan3A_238 = arith.constant 1 : i32
    scf.for %scan3A_974 = %scan3A_235 to %scan3A_237 step %scan3A_238  : i32 {
      %mul3A_975 = arith.constant 16 : i32
      %mul3A_976 = arith.muli %scan3A_974, %mul3A_975 : i32
      %swap3A_977 = arith.constant 0 : i32
      %swap3A_978 = arith.constant 19 : i32
      %swap3A_979 = arith.index_cast %swap3A_977 : i32 to index
      %swap3A_980 = arith.index_cast %swap3A_978 : i32 to index
      %swap3A_981 = arith.index_cast %mul3A_976 : i32 to index
      %swap3A_982 = tpu.vector_load %arg7[%swap3A_979, %swap3A_980, %swap3A_981] {strides = array<i32>} : memref<4x20x1000xf32, #tpu.memory_space<vmem>>, vector<16xf32>,
      tpu.vector_store %arg7[%swap3A_979, %swap3A_980, %swap3A_981], %broadcast_in_dim3A_7 {strides = array<i32>} : memref<4x20x1000xf32, #tpu.memory_space<vmem>>, vector<16xf32>,
    }
    %scan3A_239 = arith.constant 62 : i32
    %swap3A_240 = arith.constant 0 : i32
    %swap3A_241 = arith.constant 19 : i32
    %swap3A_242 = arith.index_cast %swap3A_240 : i32 to index
    %swap3A_243 = arith.index_cast %swap3A_241 : i32 to index
    %swap3A_244 = arith.constant 984 : index
    %swap3A_245 = tpu.vector_load %arg7[%swap3A_242, %swap3A_243, %swap3A_244] {strides = array<i32>} : memref<4x20x1000xf32, #tpu.memory_space<vmem>>, vector<16xf32>,
    tpu.vector_store %arg7[%swap3A_242, %swap3A_243, %swap3A_244], %broadcast_in_dim3A_7 {strides = array<i32>} : memref<4x20x1000xf32, #tpu.memory_space<vmem>>, vector<16xf32>,
    %scan3A_246 = arith.constant 0 : i32
    %scan3A_247 = arith.constant 0 : i32
    %scan3A_248 = arith.constant 62 : i32
    %scan3A_249 = arith.addi %scan3A_247, %scan3A_248 : i32
    %scan3A_250 = arith.constant 1 : i32
    scf.for %scan3A_974 = %scan3A_247 to %scan3A_249 step %scan3A_250  : i32 {
      %mul3A_975 = arith.constant 16 : i32
      %mul3A_976 = arith.muli %scan3A_974, %mul3A_975 : i32
      %swap3A_977 = arith.constant 1 : i32
      %swap3A_978 = arith.constant 0 : i32
      %swap3A_979 = arith.index_cast %swap3A_977 : i32 to index
      %swap3A_980 = arith.index_cast %swap3A_978 : i32 to index
      %swap3A_981 = arith.index_cast %mul3A_976 : i32 to index
      %swap3A_982 = tpu.vector_load %arg7[%swap3A_979, %swap3A_980, %swap3A_981] {strides = array<i32>} : memref<4x20x1000xf32, #tpu.memory_space<vmem>>, vector<16xf32>,
      tpu.vector_store %arg7[%swap3A_979, %swap3A_980, %swap3A_981], %broadcast_in_dim3A_7 {strides = array<i32>} : memref<4x20x1000xf32, #tpu.memory_space<vmem>>, vector<16xf32>,
    }
    %scan3A_251 = arith.constant 62 : i32
    %swap3A_252 = arith.constant 1 : i32
    %swap3A_253 = arith.constant 0 : i32
    %swap3A_254 = arith.index_cast %swap3A_252 : i32 to index
    %swap3A_255 = arith.index_cast %swap3A_253 : i32 to index
    %swap3A_256 = arith.constant 984 : index
    %swap3A_257 = tpu.vector_load %arg7[%swap3A_254, %swap3A_255, %swap3A_256] {strides = array<i32>} : memref<4x20x1000xf32, #tpu.memory_space<vmem>>, vector<16xf32>,
    tpu.vector_store %arg7[%swap3A_254, %swap3A_255, %swap3A_256], %broadcast_in_dim3A_7 {strides = array<i32>} : memref<4x20x1000xf32, #tpu.memory_space<vmem>>, vector<16xf32>,
    %scan3A_258 = arith.constant 0 : i32
    %scan3A_259 = arith.constant 0 : i32
    %scan3A_260 = arith.constant 62 : i32
    %scan3A_261 = arith.addi %scan3A_259, %scan3A_260 : i32
    %scan3A_262 = arith.constant 1 : i32
    scf.for %scan3A_974 = %scan3A_259 to %scan3A_261 step %scan3A_262  : i32 {
      %mul3A_975 = arith.constant 16 : i32
      %mul3A_976 = arith.muli %scan3A_974, %mul3A_975 : i32
      %swap3A_977 = arith.constant 1 : i32
      %swap3A_978 = arith.constant 1 : i32
      %swap3A_979 = arith.index_cast %swap3A_977 : i32 to index
      %swap3A_980 = arith.index_cast %swap3A_978 : i32 to index
      %swap3A_981 = arith.index_cast %mul3A_976 : i32 to index
      %swap3A_982 = tpu.vector_load %arg7[%swap3A_979, %swap3A_980, %swap3A_981] {strides = array<i32>} : memref<4x20x1000xf32, #tpu.memory_space<vmem>>, vector<16xf32>,
      tpu.vector_store %arg7[%swap3A_979, %swap3A_980, %swap3A_981], %broadcast_in_dim3A_7 {strides = array<i32>} : memref<4x20x1000xf32, #tpu.memory_space<vmem>>, vector<16xf32>,
    }
    %scan3A_263 = arith.constant 62 : i32
    %swap3A_264 = arith.constant 1 : i32
    %swap3A_265 = arith.constant 1 : i32
    %swap3A_266 = arith.index_cast %swap3A_264 : i32 to index
    %swap3A_267 = arith.index_cast %swap3A_265 : i32 to index
    %swap3A_268 = arith.constant 984 : index
    %swap3A_269 = tpu.vector_load %arg7[%swap3A_266, %swap3A_267, %swap3A_268] {strides = array<i32>} : memref<4x20x1000xf32, #tpu.memory_space<vmem>>, vector<16xf32>,
    tpu.vector_store %arg7[%swap3A_266, %swap3A_267, %swap3A_268], %broadcast_in_dim3A_7 {strides = array<i32>} : memref<4x20x1000xf32, #tpu.memory_space<vmem>>, vector<16xf32>,
    %scan3A_270 = arith.constant 0 : i32
    %scan3A_271 = arith.constant 0 : i32
    %scan3A_272 = arith.constant 62 : i32
    %scan3A_273 = arith.addi %scan3A_271, %scan3A_272 : i32
    %scan3A_274 = arith.constant 1 : i32
    scf.for %scan3A_974 = %scan3A_271 to %scan3A_273 step %scan3A_274  : i32 {
      %mul3A_975 = arith.constant 16 : i32
      %mul3A_976 = arith.muli %scan3A_974, %mul3A_975 : i32
      %swap3A_977 = arith.constant 1 : i32
      %swap3A_978 = arith.constant 2 : i32
      %swap3A_979 = arith.index_cast %swap3A_977 : i32 to index
      %swap3A_980 = arith.index_cast %swap3A_978 : i32 to index
      %swap3A_981 = arith.index_cast %mul3A_976 : i32 to index
      %swap3A_982 = tpu.vector_load %arg7[%swap3A_979, %swap3A_980, %swap3A_981] {strides = array<i32>} : memref<4x20x1000xf32, #tpu.memory_space<vmem>>, vector<16xf32>,
      tpu.vector_store %arg7[%swap3A_979, %swap3A_980, %swap3A_981], %broadcast_in_dim3A_7 {strides = array<i32>} : memref<4x20x1000xf32, #tpu.memory_space<vmem>>, vector<16xf32>,
    }
    %scan3A_275 = arith.constant 62 : i32
    %swap3A_276 = arith.constant 1 : i32
    %swap3A_277 = arith.constant 2 : i32
    %swap3A_278 = arith.index_cast %swap3A_276 : i32 to index
    %swap3A_279 = arith.index_cast %swap3A_277 : i32 to index
    %swap3A_280 = arith.constant 984 : index
    %swap3A_281 = tpu.vector_load %arg7[%swap3A_278, %swap3A_279, %swap3A_280] {strides = array<i32>} : memref<4x20x1000xf32, #tpu.memory_space<vmem>>, vector<16xf32>,
    tpu.vector_store %arg7[%swap3A_278, %swap3A_279, %swap3A_280], %broadcast_in_dim3A_7 {strides = array<i32>} : memref<4x20x1000xf32, #tpu.memory_space<vmem>>, vector<16xf32>,
    %scan3A_282 = arith.constant 0 : i32
    %scan3A_283 = arith.constant 0 : i32
    %scan3A_284 = arith.constant 62 : i32
    %scan3A_285 = arith.addi %scan3A_283, %scan3A_284 : i32
    %scan3A_286 = arith.constant 1 : i32
    scf.for %scan3A_974 = %scan3A_283 to %scan3A_285 step %scan3A_286  : i32 {
      %mul3A_975 = arith.constant 16 : i32
      %mul3A_976 = arith.muli %scan3A_974, %mul3A_975 : i32
      %swap3A_977 = arith.constant 1 : i32
      %swap3A_978 = arith.constant 3 : i32
      %swap3A_979 = arith.index_cast %swap3A_977 : i32 to index
      %swap3A_980 = arith.index_cast %swap3A_978 : i32 to index
      %swap3A_981 = arith.index_cast %mul3A_976 : i32 to index
      %swap3A_982 = tpu.vector_load %arg7[%swap3A_979, %swap3A_980, %swap3A_981] {strides = array<i32>} : memref<4x20x1000xf32, #tpu.memory_space<vmem>>, vector<16xf32>,
      tpu.vector_store %arg7[%swap3A_979, %swap3A_980, %swap3A_981], %broadcast_in_dim3A_7 {strides = array<i32>} : memref<4x20x1000xf32, #tpu.memory_space<vmem>>, vector<16xf32>,
    }
    %scan3A_287 = arith.constant 62 : i32
    %swap3A_288 = arith.constant 1 : i32
    %swap3A_289 = arith.constant 3 : i32
    %swap3A_290 = arith.index_cast %swap3A_288 : i32 to index
    %swap3A_291 = arith.index_cast %swap3A_289 : i32 to index
    %swap3A_292 = arith.constant 984 : index
    %swap3A_293 = tpu.vector_load %arg7[%swap3A_290, %swap3A_291, %swap3A_292] {strides = array<i32>} : memref<4x20x1000xf32, #tpu.memory_space<vmem>>, vector<16xf32>,
    tpu.vector_store %arg7[%swap3A_290, %swap3A_291, %swap3A_292], %broadcast_in_dim3A_7 {strides = array<i32>} : memref<4x20x1000xf32, #tpu.memory_space<vmem>>, vector<16xf32>,
    %scan3A_294 = arith.constant 0 : i32
    %scan3A_295 = arith.constant 0 : i32
    %scan3A_296 = arith.constant 62 : i32
    %scan3A_297 = arith.addi %scan3A_295, %scan3A_296 : i32
    %scan3A_298 = arith.constant 1 : i32
    scf.for %scan3A_974 = %scan3A_295 to %scan3A_297 step %scan3A_298  : i32 {
      %mul3A_975 = arith.constant 16 : i32
      %mul3A_976 = arith.muli %scan3A_974, %mul3A_975 : i32
      %swap3A_977 = arith.constant 1 : i32
      %swap3A_978 = arith.constant 4 : i32
      %swap3A_979 = arith.index_cast %swap3A_977 : i32 to index
      %swap3A_980 = arith.index_cast %swap3A_978 : i32 to index
      %swap3A_981 = arith.index_cast %mul3A_976 : i32 to index
      %swap3A_982 = tpu.vector_load %arg7[%swap3A_979, %swap3A_980, %swap3A_981] {strides = array<i32>} : memref<4x20x1000xf32, #tpu.memory_space<vmem>>, vector<16xf32>,
      tpu.vector_store %arg7[%swap3A_979, %swap3A_980, %swap3A_981], %broadcast_in_dim3A_7 {strides = array<i32>} : memref<4x20x1000xf32, #tpu.memory_space<vmem>>, vector<16xf32>,
    }
    %scan3A_299 = arith.constant 62 : i32
    %swap3A_300 = arith.constant 1 : i32
    %swap3A_301 = arith.constant 4 : i32
    %swap3A_302 = arith.index_cast %swap3A_300 : i32 to index
    %swap3A_303 = arith.index_cast %swap3A_301 : i32 to index
    %swap3A_304 = arith.constant 984 : index
    %swap3A_305 = tpu.vector_load %arg7[%swap3A_302, %swap3A_303, %swap3A_304] {strides = array<i32>} : memref<4x20x1000xf32, #tpu.memory_space<vmem>>, vector<16xf32>,
    tpu.vector_store %arg7[%swap3A_302, %swap3A_303, %swap3A_304], %broadcast_in_dim3A_7 {strides = array<i32>} : memref<4x20x1000xf32, #tpu.memory_space<vmem>>, vector<16xf32>,
    %scan3A_306 = arith.constant 0 : i32
    %scan3A_307 = arith.constant 0 : i32
    %scan3A_308 = arith.constant 62 : i32
    %scan3A_309 = arith.addi %scan3A_307, %scan3A_308 : i32
    %scan3A_310 = arith.constant 1 : i32
    scf.for %scan3A_974 = %scan3A_307 to %scan3A_309 step %scan3A_310  : i32 {
      %mul3A_975 = arith.constant 16 : i32
      %mul3A_976 = arith.muli %scan3A_974, %mul3A_975 : i32
      %swap3A_977 = arith.constant 1 : i32
      %swap3A_978 = arith.constant 5 : i32
      %swap3A_979 = arith.index_cast %swap3A_977 : i32 to index
      %swap3A_980 = arith.index_cast %swap3A_978 : i32 to index
      %swap3A_981 = arith.index_cast %mul3A_976 : i32 to index
      %swap3A_982 = tpu.vector_load %arg7[%swap3A_979, %swap3A_980, %swap3A_981] {strides = array<i32>} : memref<4x20x1000xf32, #tpu.memory_space<vmem>>, vector<16xf32>,
      tpu.vector_store %arg7[%swap3A_979, %swap3A_980, %swap3A_981], %broadcast_in_dim3A_7 {strides = array<i32>} : memref<4x20x1000xf32, #tpu.memory_space<vmem>>, vector<16xf32>,
    }
    %scan3A_311 = arith.constant 62 : i32
    %swap3A_312 = arith.constant 1 : i32
    %swap3A_313 = arith.constant 5 : i32
    %swap3A_314 = arith.index_cast %swap3A_312 : i32 to index
    %swap3A_315 = arith.index_cast %swap3A_313 : i32 to index
    %swap3A_316 = arith.constant 984 : index
    %swap3A_317 = tpu.vector_load %arg7[%swap3A_314, %swap3A_315, %swap3A_316] {strides = array<i32>} : memref<4x20x1000xf32, #tpu.memory_space<vmem>>, vector<16xf32>,
    tpu.vector_store %arg7[%swap3A_314, %swap3A_315, %swap3A_316], %broadcast_in_dim3A_7 {strides = array<i32>} : memref<4x20x1000xf32, #tpu.memory_space<vmem>>, vector<16xf32>,
    %scan3A_318 = arith.constant 0 : i32
    %scan3A_319 = arith.constant 0 : i32
    %scan3A_320 = arith.constant 62 : i32
    %scan3A_321 = arith.addi %scan3A_319, %scan3A_320 : i32
    %scan3A_322 = arith.constant 1 : i32
    scf.for %scan3A_974 = %scan3A_319 to %scan3A_321 step %scan3A_322  : i32 {
      %mul3A_975 = arith.constant 16 : i32
      %mul3A_976 = arith.muli %scan3A_974, %mul3A_975 : i32
      %swap3A_977 = arith.constant 1 : i32
      %swap3A_978 = arith.constant 6 : i32
      %swap3A_979 = arith.index_cast %swap3A_977 : i32 to index
      %swap3A_980 = arith.index_cast %swap3A_978 : i32 to index
      %swap3A_981 = arith.index_cast %mul3A_976 : i32 to index
      %swap3A_982 = tpu.vector_load %arg7[%swap3A_979, %swap3A_980, %swap3A_981] {strides = array<i32>} : memref<4x20x1000xf32, #tpu.memory_space<vmem>>, vector<16xf32>,
      tpu.vector_store %arg7[%swap3A_979, %swap3A_980, %swap3A_981], %broadcast_in_dim3A_7 {strides = array<i32>} : memref<4x20x1000xf32, #tpu.memory_space<vmem>>, vector<16xf32>,
    }
    %scan3A_323 = arith.constant 62 : i32
    %swap3A_324 = arith.constant 1 : i32
    %swap3A_325 = arith.constant 6 : i32
    %swap3A_326 = arith.index_cast %swap3A_324 : i32 to index
    %swap3A_327 = arith.index_cast %swap3A_325 : i32 to index
    %swap3A_328 = arith.constant 984 : index
    %swap3A_329 = tpu.vector_load %arg7[%swap3A_326, %swap3A_327, %swap3A_328] {strides = array<i32>} : memref<4x20x1000xf32, #tpu.memory_space<vmem>>, vector<16xf32>,
    tpu.vector_store %arg7[%swap3A_326, %swap3A_327, %swap3A_328], %broadcast_in_dim3A_7 {strides = array<i32>} : memref<4x20x1000xf32, #tpu.memory_space<vmem>>, vector<16xf32>,
    %scan3A_330 = arith.constant 0 : i32
    %scan3A_331 = arith.constant 0 : i32
    %scan3A_332 = arith.constant 62 : i32
    %scan3A_333 = arith.addi %scan3A_331, %scan3A_332 : i32
    %scan3A_334 = arith.constant 1 : i32
    scf.for %scan3A_974 = %scan3A_331 to %scan3A_333 step %scan3A_334  : i32 {
      %mul3A_975 = arith.constant 16 : i32
      %mul3A_976 = arith.muli %scan3A_974, %mul3A_975 : i32
      %swap3A_977 = arith.constant 1 : i32
      %swap3A_978 = arith.constant 7 : i32
      %swap3A_979 = arith.index_cast %swap3A_977 : i32 to index
      %swap3A_980 = arith.index_cast %swap3A_978 : i32 to index
      %swap3A_981 = arith.index_cast %mul3A_976 : i32 to index
      %swap3A_982 = tpu.vector_load %arg7[%swap3A_979, %swap3A_980, %swap3A_981] {strides = array<i32>} : memref<4x20x1000xf32, #tpu.memory_space<vmem>>, vector<16xf32>,
      tpu.vector_store %arg7[%swap3A_979, %swap3A_980, %swap3A_981], %broadcast_in_dim3A_7 {strides = array<i32>} : memref<4x20x1000xf32, #tpu.memory_space<vmem>>, vector<16xf32>,
    }
    %scan3A_335 = arith.constant 62 : i32
    %swap3A_336 = arith.constant 1 : i32
    %swap3A_337 = arith.constant 7 : i32
    %swap3A_338 = arith.index_cast %swap3A_336 : i32 to index
    %swap3A_339 = arith.index_cast %swap3A_337 : i32 to index
    %swap3A_340 = arith.constant 984 : index
    %swap3A_341 = tpu.vector_load %arg7[%swap3A_338, %swap3A_339, %swap3A_340] {strides = array<i32>} : memref<4x20x1000xf32, #tpu.memory_space<vmem>>, vector<16xf32>,
    tpu.vector_store %arg7[%swap3A_338, %swap3A_339, %swap3A_340], %broadcast_in_dim3A_7 {strides = array<i32>} : memref<4x20x1000xf32, #tpu.memory_space<vmem>>, vector<16xf32>,
    %scan3A_342 = arith.constant 0 : i32
    %scan3A_343 = arith.constant 0 : i32
    %scan3A_344 = arith.constant 62 : i32
    %scan3A_345 = arith.addi %scan3A_343, %scan3A_344 : i32
    %scan3A_346 = arith.constant 1 : i32
    scf.for %scan3A_974 = %scan3A_343 to %scan3A_345 step %scan3A_346  : i32 {
      %mul3A_975 = arith.constant 16 : i32
      %mul3A_976 = arith.muli %scan3A_974, %mul3A_975 : i32
      %swap3A_977 = arith.constant 1 : i32
      %swap3A_978 = arith.constant 8 : i32
      %swap3A_979 = arith.index_cast %swap3A_977 : i32 to index
      %swap3A_980 = arith.index_cast %swap3A_978 : i32 to index
      %swap3A_981 = arith.index_cast %mul3A_976 : i32 to index
      %swap3A_982 = tpu.vector_load %arg7[%swap3A_979, %swap3A_980, %swap3A_981] {strides = array<i32>} : memref<4x20x1000xf32, #tpu.memory_space<vmem>>, vector<16xf32>,
      tpu.vector_store %arg7[%swap3A_979, %swap3A_980, %swap3A_981], %broadcast_in_dim3A_7 {strides = array<i32>} : memref<4x20x1000xf32, #tpu.memory_space<vmem>>, vector<16xf32>,
    }
    %scan3A_347 = arith.constant 62 : i32
    %swap3A_348 = arith.constant 1 : i32
    %swap3A_349 = arith.constant 8 : i32
    %swap3A_350 = arith.index_cast %swap3A_348 : i32 to index
    %swap3A_351 = arith.index_cast %swap3A_349 : i32 to index
    %swap3A_352 = arith.constant 984 : index
    %swap3A_353 = tpu.vector_load %arg7[%swap3A_350, %swap3A_351, %swap3A_352] {strides = array<i32>} : memref<4x20x1000xf32, #tpu.memory_space<vmem>>, vector<16xf32>,
    tpu.vector_store %arg7[%swap3A_350, %swap3A_351, %swap3A_352], %broadcast_in_dim3A_7 {strides = array<i32>} : memref<4x20x1000xf32, #tpu.memory_space<vmem>>, vector<16xf32>,
    %scan3A_354 = arith.constant 0 : i32
    %scan3A_355 = arith.constant 0 : i32
    %scan3A_356 = arith.constant 62 : i32
    %scan3A_357 = arith.addi %scan3A_355, %scan3A_356 : i32
    %scan3A_358 = arith.constant 1 : i32
    scf.for %scan3A_974 = %scan3A_355 to %scan3A_357 step %scan3A_358  : i32 {
      %mul3A_975 = arith.constant 16 : i32
      %mul3A_976 = arith.muli %scan3A_974, %mul3A_975 : i32
      %swap3A_977 = arith.constant 1 : i32
      %swap3A_978 = arith.constant 9 : i32
      %swap3A_979 = arith.index_cast %swap3A_977 : i32 to index
      %swap3A_980 = arith.index_cast %swap3A_978 : i32 to index
      %swap3A_981 = arith.index_cast %mul3A_976 : i32 to index
      %swap3A_982 = tpu.vector_load %arg7[%swap3A_979, %swap3A_980, %swap3A_981] {strides = array<i32>} : memref<4x20x1000xf32, #tpu.memory_space<vmem>>, vector<16xf32>,
      tpu.vector_store %arg7[%swap3A_979, %swap3A_980, %swap3A_981], %broadcast_in_dim3A_7 {strides = array<i32>} : memref<4x20x1000xf32, #tpu.memory_space<vmem>>, vector<16xf32>,
    }
    %scan3A_359 = arith.constant 62 : i32
    %swap3A_360 = arith.constant 1 : i32
    %swap3A_361 = arith.constant 9 : i32
    %swap3A_362 = arith.index_cast %swap3A_360 : i32 to index
    %swap3A_363 = arith.index_cast %swap3A_361 : i32 to index
    %swap3A_364 = arith.constant 984 : index
    %swap3A_365 = tpu.vector_load %arg7[%swap3A_362, %swap3A_363, %swap3A_364] {strides = array<i32>} : memref<4x20x1000xf32, #tpu.memory_space<vmem>>, vector<16xf32>,
    tpu.vector_store %arg7[%swap3A_362, %swap3A_363, %swap3A_364], %broadcast_in_dim3A_7 {strides = array<i32>} : memref<4x20x1000xf32, #tpu.memory_space<vmem>>, vector<16xf32>,
    %scan3A_366 = arith.constant 0 : i32
    %scan3A_367 = arith.constant 0 : i32
    %scan3A_368 = arith.constant 62 : i32
    %scan3A_369 = arith.addi %scan3A_367, %scan3A_368 : i32
    %scan3A_370 = arith.constant 1 : i32
    scf.for %scan3A_974 = %scan3A_367 to %scan3A_369 step %scan3A_370  : i32 {
      %mul3A_975 = arith.constant 16 : i32
      %mul3A_976 = arith.muli %scan3A_974, %mul3A_975 : i32
      %swap3A_977 = arith.constant 1 : i32
      %swap3A_978 = arith.constant 10 : i32
      %swap3A_979 = arith.index_cast %swap3A_977 : i32 to index
      %swap3A_980 = arith.index_cast %swap3A_978 : i32 to index
      %swap3A_981 = arith.index_cast %mul3A_976 : i32 to index
      %swap3A_982 = tpu.vector_load %arg7[%swap3A_979, %swap3A_980, %swap3A_981] {strides = array<i32>} : memref<4x20x1000xf32, #tpu.memory_space<vmem>>, vector<16xf32>,
      tpu.vector_store %arg7[%swap3A_979, %swap3A_980, %swap3A_981], %broadcast_in_dim3A_7 {strides = array<i32>} : memref<4x20x1000xf32, #tpu.memory_space<vmem>>, vector<16xf32>,
    }
    %scan3A_371 = arith.constant 62 : i32
    %swap3A_372 = arith.constant 1 : i32
    %swap3A_373 = arith.constant 10 : i32
    %swap3A_374 = arith.index_cast %swap3A_372 : i32 to index
    %swap3A_375 = arith.index_cast %swap3A_373 : i32 to index
    %swap3A_376 = arith.constant 984 : index
    %swap3A_377 = tpu.vector_load %arg7[%swap3A_374, %swap3A_375, %swap3A_376] {strides = array<i32>} : memref<4x20x1000xf32, #tpu.memory_space<vmem>>, vector<16xf32>,
    tpu.vector_store %arg7[%swap3A_374, %swap3A_375, %swap3A_376], %broadcast_in_dim3A_7 {strides = array<i32>} : memref<4x20x1000xf32, #tpu.memory_space<vmem>>, vector<16xf32>,
    %scan3A_378 = arith.constant 0 : i32
    %scan3A_379 = arith.constant 0 : i32
    %scan3A_380 = arith.constant 62 : i32
    %scan3A_381 = arith.addi %scan3A_379, %scan3A_380 : i32
    %scan3A_382 = arith.constant 1 : i32
    scf.for %scan3A_974 = %scan3A_379 to %scan3A_381 step %scan3A_382  : i32 {
      %mul3A_975 = arith.constant 16 : i32
      %mul3A_976 = arith.muli %scan3A_974, %mul3A_975 : i32
      %swap3A_977 = arith.constant 1 : i32
      %swap3A_978 = arith.constant 11 : i32
      %swap3A_979 = arith.index_cast %swap3A_977 : i32 to index
      %swap3A_980 = arith.index_cast %swap3A_978 : i32 to index
      %swap3A_981 = arith.index_cast %mul3A_976 : i32 to index
      %swap3A_982 = tpu.vector_load %arg7[%swap3A_979, %swap3A_980, %swap3A_981] {strides = array<i32>} : memref<4x20x1000xf32, #tpu.memory_space<vmem>>, vector<16xf32>,
      tpu.vector_store %arg7[%swap3A_979, %swap3A_980, %swap3A_981], %broadcast_in_dim3A_7 {strides = array<i32>} : memref<4x20x1000xf32, #tpu.memory_space<vmem>>, vector<16xf32>,
    }
    %scan3A_383 = arith.constant 62 : i32
    %swap3A_384 = arith.constant 1 : i32
    %swap3A_385 = arith.constant 11 : i32
    %swap3A_386 = arith.index_cast %swap3A_384 : i32 to index
    %swap3A_387 = arith.index_cast %swap3A_385 : i32 to index
    %swap3A_388 = arith.constant 984 : index
    %swap3A_389 = tpu.vector_load %arg7[%swap3A_386, %swap3A_387, %swap3A_388] {strides = array<i32>} : memref<4x20x1000xf32, #tpu.memory_space<vmem>>, vector<16xf32>,
    tpu.vector_store %arg7[%swap3A_386, %swap3A_387, %swap3A_388], %broadcast_in_dim3A_7 {strides = array<i32>} : memref<4x20x1000xf32, #tpu.memory_space<vmem>>, vector<16xf32>,
    %scan3A_390 = arith.constant 0 : i32
    %scan3A_391 = arith.constant 0 : i32
    %scan3A_392 = arith.constant 62 : i32
    %scan3A_393 = arith.addi %scan3A_391, %scan3A_392 : i32
    %scan3A_394 = arith.constant 1 : i32
    scf.for %scan3A_974 = %scan3A_391 to %scan3A_393 step %scan3A_394  : i32 {
      %mul3A_975 = arith.constant 16 : i32
      %mul3A_976 = arith.muli %scan3A_974, %mul3A_975 : i32
      %swap3A_977 = arith.constant 1 : i32
      %swap3A_978 = arith.constant 12 : i32
      %swap3A_979 = arith.index_cast %swap3A_977 : i32 to index
      %swap3A_980 = arith.index_cast %swap3A_978 : i32 to index
      %swap3A_981 = arith.index_cast %mul3A_976 : i32 to index
      %swap3A_982 = tpu.vector_load %arg7[%swap3A_979, %swap3A_980, %swap3A_981] {strides = array<i32>} : memref<4x20x1000xf32, #tpu.memory_space<vmem>>, vector<16xf32>,
      tpu.vector_store %arg7[%swap3A_979, %swap3A_980, %swap3A_981], %broadcast_in_dim3A_7 {strides = array<i32>} : memref<4x20x1000xf32, #tpu.memory_space<vmem>>, vector<16xf32>,
    }
    %scan3A_395 = arith.constant 62 : i32
    %swap3A_396 = arith.constant 1 : i32
    %swap3A_397 = arith.constant 12 : i32
    %swap3A_398 = arith.index_cast %swap3A_396 : i32 to index
    %swap3A_399 = arith.index_cast %swap3A_397 : i32 to index
    %swap3A_400 = arith.constant 984 : index
    %swap3A_401 = tpu.vector_load %arg7[%swap3A_398, %swap3A_399, %swap3A_400] {strides = array<i32>} : memref<4x20x1000xf32, #tpu.memory_space<vmem>>, vector<16xf32>,
    tpu.vector_store %arg7[%swap3A_398, %swap3A_399, %swap3A_400], %broadcast_in_dim3A_7 {strides = array<i32>} : memref<4x20x1000xf32, #tpu.memory_space<vmem>>, vector<16xf32>,
    %scan3A_402 = arith.constant 0 : i32
    %scan3A_403 = arith.constant 0 : i32
    %scan3A_404 = arith.constant 62 : i32
    %scan3A_405 = arith.addi %scan3A_403, %scan3A_404 : i32
    %scan3A_406 = arith.constant 1 : i32
    scf.for %scan3A_974 = %scan3A_403 to %scan3A_405 step %scan3A_406  : i32 {
      %mul3A_975 = arith.constant 16 : i32
      %mul3A_976 = arith.muli %scan3A_974, %mul3A_975 : i32
      %swap3A_977 = arith.constant 1 : i32
      %swap3A_978 = arith.constant 13 : i32
      %swap3A_979 = arith.index_cast %swap3A_977 : i32 to index
      %swap3A_980 = arith.index_cast %swap3A_978 : i32 to index
      %swap3A_981 = arith.index_cast %mul3A_976 : i32 to index
      %swap3A_982 = tpu.vector_load %arg7[%swap3A_979, %swap3A_980, %swap3A_981] {strides = array<i32>} : memref<4x20x1000xf32, #tpu.memory_space<vmem>>, vector<16xf32>,
      tpu.vector_store %arg7[%swap3A_979, %swap3A_980, %swap3A_981], %broadcast_in_dim3A_7 {strides = array<i32>} : memref<4x20x1000xf32, #tpu.memory_space<vmem>>, vector<16xf32>,
    }
    %scan3A_407 = arith.constant 62 : i32
    %swap3A_408 = arith.constant 1 : i32
    %swap3A_409 = arith.constant 13 : i32
    %swap3A_410 = arith.index_cast %swap3A_408 : i32 to index
    %swap3A_411 = arith.index_cast %swap3A_409 : i32 to index
    %swap3A_412 = arith.constant 984 : index
    %swap3A_413 = tpu.vector_load %arg7[%swap3A_410, %swap3A_411, %swap3A_412] {strides = array<i32>} : memref<4x20x1000xf32, #tpu.memory_space<vmem>>, vector<16xf32>,
    tpu.vector_store %arg7[%swap3A_410, %swap3A_411, %swap3A_412], %broadcast_in_dim3A_7 {strides = array<i32>} : memref<4x20x1000xf32, #tpu.memory_space<vmem>>, vector<16xf32>,
    %scan3A_414 = arith.constant 0 : i32
    %scan3A_415 = arith.constant 0 : i32
    %scan3A_416 = arith.constant 62 : i32
    %scan3A_417 = arith.addi %scan3A_415, %scan3A_416 : i32
    %scan3A_418 = arith.constant 1 : i32
    scf.for %scan3A_974 = %scan3A_415 to %scan3A_417 step %scan3A_418  : i32 {
      %mul3A_975 = arith.constant 16 : i32
      %mul3A_976 = arith.muli %scan3A_974, %mul3A_975 : i32
      %swap3A_977 = arith.constant 1 : i32
      %swap3A_978 = arith.constant 14 : i32
      %swap3A_979 = arith.index_cast %swap3A_977 : i32 to index
      %swap3A_980 = arith.index_cast %swap3A_978 : i32 to index
      %swap3A_981 = arith.index_cast %mul3A_976 : i32 to index
      %swap3A_982 = tpu.vector_load %arg7[%swap3A_979, %swap3A_980, %swap3A_981] {strides = array<i32>} : memref<4x20x1000xf32, #tpu.memory_space<vmem>>, vector<16xf32>,
      tpu.vector_store %arg7[%swap3A_979, %swap3A_980, %swap3A_981], %broadcast_in_dim3A_7 {strides = array<i32>} : memref<4x20x1000xf32, #tpu.memory_space<vmem>>, vector<16xf32>,
    }
    %scan3A_419 = arith.constant 62 : i32
    %swap3A_420 = arith.constant 1 : i32
    %swap3A_421 = arith.constant 14 : i32
    %swap3A_422 = arith.index_cast %swap3A_420 : i32 to index
    %swap3A_423 = arith.index_cast %swap3A_421 : i32 to index
    %swap3A_424 = arith.constant 984 : index
    %swap3A_425 = tpu.vector_load %arg7[%swap3A_422, %swap3A_423, %swap3A_424] {strides = array<i32>} : memref<4x20x1000xf32, #tpu.memory_space<vmem>>, vector<16xf32>,
    tpu.vector_store %arg7[%swap3A_422, %swap3A_423, %swap3A_424], %broadcast_in_dim3A_7 {strides = array<i32>} : memref<4x20x1000xf32, #tpu.memory_space<vmem>>, vector<16xf32>,
    %scan3A_426 = arith.constant 0 : i32
    %scan3A_427 = arith.constant 0 : i32
    %scan3A_428 = arith.constant 62 : i32
    %scan3A_429 = arith.addi %scan3A_427, %scan3A_428 : i32
    %scan3A_430 = arith.constant 1 : i32
    scf.for %scan3A_974 = %scan3A_427 to %scan3A_429 step %scan3A_430  : i32 {
      %mul3A_975 = arith.constant 16 : i32
      %mul3A_976 = arith.muli %scan3A_974, %mul3A_975 : i32
      %swap3A_977 = arith.constant 1 : i32
      %swap3A_978 = arith.constant 15 : i32
      %swap3A_979 = arith.index_cast %swap3A_977 : i32 to index
      %swap3A_980 = arith.index_cast %swap3A_978 : i32 to index
      %swap3A_981 = arith.index_cast %mul3A_976 : i32 to index
      %swap3A_982 = tpu.vector_load %arg7[%swap3A_979, %swap3A_980, %swap3A_981] {strides = array<i32>} : memref<4x20x1000xf32, #tpu.memory_space<vmem>>, vector<16xf32>,
      tpu.vector_store %arg7[%swap3A_979, %swap3A_980, %swap3A_981], %broadcast_in_dim3A_7 {strides = array<i32>} : memref<4x20x1000xf32, #tpu.memory_space<vmem>>, vector<16xf32>,
    }
    %scan3A_431 = arith.constant 62 : i32
    %swap3A_432 = arith.constant 1 : i32
    %swap3A_433 = arith.constant 15 : i32
    %swap3A_434 = arith.index_cast %swap3A_432 : i32 to index
    %swap3A_435 = arith.index_cast %swap3A_433 : i32 to index
    %swap3A_436 = arith.constant 984 : index
    %swap3A_437 = tpu.vector_load %arg7[%swap3A_434, %swap3A_435, %swap3A_436] {strides = array<i32>} : memref<4x20x1000xf32, #tpu.memory_space<vmem>>, vector<16xf32>,
    tpu.vector_store %arg7[%swap3A_434, %swap3A_435, %swap3A_436], %broadcast_in_dim3A_7 {strides = array<i32>} : memref<4x20x1000xf32, #tpu.memory_space<vmem>>, vector<16xf32>,
    %scan3A_438 = arith.constant 0 : i32
    %scan3A_439 = arith.constant 0 : i32
    %scan3A_440 = arith.constant 62 : i32
    %scan3A_441 = arith.addi %scan3A_439, %scan3A_440 : i32
    %scan3A_442 = arith.constant 1 : i32
    scf.for %scan3A_974 = %scan3A_439 to %scan3A_441 step %scan3A_442  : i32 {
      %mul3A_975 = arith.constant 16 : i32
      %mul3A_976 = arith.muli %scan3A_974, %mul3A_975 : i32
      %swap3A_977 = arith.constant 1 : i32
      %swap3A_978 = arith.constant 16 : i32
      %swap3A_979 = arith.index_cast %swap3A_977 : i32 to index
      %swap3A_980 = arith.index_cast %swap3A_978 : i32 to index
      %swap3A_981 = arith.index_cast %mul3A_976 : i32 to index
      %swap3A_982 = tpu.vector_load %arg7[%swap3A_979, %swap3A_980, %swap3A_981] {strides = array<i32>} : memref<4x20x1000xf32, #tpu.memory_space<vmem>>, vector<16xf32>,
      tpu.vector_store %arg7[%swap3A_979, %swap3A_980, %swap3A_981], %broadcast_in_dim3A_7 {strides = array<i32>} : memref<4x20x1000xf32, #tpu.memory_space<vmem>>, vector<16xf32>,
    }
    %scan3A_443 = arith.constant 62 : i32
    %swap3A_444 = arith.constant 1 : i32
    %swap3A_445 = arith.constant 16 : i32
    %swap3A_446 = arith.index_cast %swap3A_444 : i32 to index
    %swap3A_447 = arith.index_cast %swap3A_445 : i32 to index
    %swap3A_448 = arith.constant 984 : index
    %swap3A_449 = tpu.vector_load %arg7[%swap3A_446, %swap3A_447, %swap3A_448] {strides = array<i32>} : memref<4x20x1000xf32, #tpu.memory_space<vmem>>, vector<16xf32>,
    tpu.vector_store %arg7[%swap3A_446, %swap3A_447, %swap3A_448], %broadcast_in_dim3A_7 {strides = array<i32>} : memref<4x20x1000xf32, #tpu.memory_space<vmem>>, vector<16xf32>,
    %scan3A_450 = arith.constant 0 : i32
    %scan3A_451 = arith.constant 0 : i32
    %scan3A_452 = arith.constant 62 : i32
    %scan3A_453 = arith.addi %scan3A_451, %scan3A_452 : i32
    %scan3A_454 = arith.constant 1 : i32
    scf.for %scan3A_974 = %scan3A_451 to %scan3A_453 step %scan3A_454  : i32 {
      %mul3A_975 = arith.constant 16 : i32
      %mul3A_976 = arith.muli %scan3A_974, %mul3A_975 : i32
      %swap3A_977 = arith.constant 1 : i32
      %swap3A_978 = arith.constant 17 : i32
      %swap3A_979 = arith.index_cast %swap3A_977 : i32 to index
      %swap3A_980 = arith.index_cast %swap3A_978 : i32 to index
      %swap3A_981 = arith.index_cast %mul3A_976 : i32 to index
      %swap3A_982 = tpu.vector_load %arg7[%swap3A_979, %swap3A_980, %swap3A_981] {strides = array<i32>} : memref<4x20x1000xf32, #tpu.memory_space<vmem>>, vector<16xf32>,
      tpu.vector_store %arg7[%swap3A_979, %swap3A_980, %swap3A_981], %broadcast_in_dim3A_7 {strides = array<i32>} : memref<4x20x1000xf32, #tpu.memory_space<vmem>>, vector<16xf32>,
    }
    %scan3A_455 = arith.constant 62 : i32
    %swap3A_456 = arith.constant 1 : i32
    %swap3A_457 = arith.constant 17 : i32
    %swap3A_458 = arith.index_cast %swap3A_456 : i32 to index
    %swap3A_459 = arith.index_cast %swap3A_457 : i32 to index
    %swap3A_460 = arith.constant 984 : index
    %swap3A_461 = tpu.vector_load %arg7[%swap3A_458, %swap3A_459, %swap3A_460] {strides = array<i32>} : memref<4x20x1000xf32, #tpu.memory_space<vmem>>, vector<16xf32>,
    tpu.vector_store %arg7[%swap3A_458, %swap3A_459, %swap3A_460], %broadcast_in_dim3A_7 {strides = array<i32>} : memref<4x20x1000xf32, #tpu.memory_space<vmem>>, vector<16xf32>,
    %scan3A_462 = arith.constant 0 : i32
    %scan3A_463 = arith.constant 0 : i32
    %scan3A_464 = arith.constant 62 : i32
    %scan3A_465 = arith.addi %scan3A_463, %scan3A_464 : i32
    %scan3A_466 = arith.constant 1 : i32
    scf.for %scan3A_974 = %scan3A_463 to %scan3A_465 step %scan3A_466  : i32 {
      %mul3A_975 = arith.constant 16 : i32
      %mul3A_976 = arith.muli %scan3A_974, %mul3A_975 : i32
      %swap3A_977 = arith.constant 1 : i32
      %swap3A_978 = arith.constant 18 : i32
      %swap3A_979 = arith.index_cast %swap3A_977 : i32 to index
      %swap3A_980 = arith.index_cast %swap3A_978 : i32 to index
      %swap3A_981 = arith.index_cast %mul3A_976 : i32 to index
      %swap3A_982 = tpu.vector_load %arg7[%swap3A_979, %swap3A_980, %swap3A_981] {strides = array<i32>} : memref<4x20x1000xf32, #tpu.memory_space<vmem>>, vector<16xf32>,
      tpu.vector_store %arg7[%swap3A_979, %swap3A_980, %swap3A_981], %broadcast_in_dim3A_7 {strides = array<i32>} : memref<4x20x1000xf32, #tpu.memory_space<vmem>>, vector<16xf32>,
    }
    %scan3A_467 = arith.constant 62 : i32
    %swap3A_468 = arith.constant 1 : i32
    %swap3A_469 = arith.constant 18 : i32
    %swap3A_470 = arith.index_cast %swap3A_468 : i32 to index
    %swap3A_471 = arith.index_cast %swap3A_469 : i32 to index
    %swap3A_472 = arith.constant 984 : index
    %swap3A_473 = tpu.vector_load %arg7[%swap3A_470, %swap3A_471, %swap3A_472] {strides = array<i32>} : memref<4x20x1000xf32, #tpu.memory_space<vmem>>, vector<16xf32>,
    tpu.vector_store %arg7[%swap3A_470, %swap3A_471, %swap3A_472], %broadcast_in_dim3A_7 {strides = array<i32>} : memref<4x20x1000xf32, #tpu.memory_space<vmem>>, vector<16xf32>,
    %scan3A_474 = arith.constant 0 : i32
    %scan3A_475 = arith.constant 0 : i32
    %scan3A_476 = arith.constant 62 : i32
    %scan3A_477 = arith.addi %scan3A_475, %scan3A_476 : i32
    %scan3A_478 = arith.constant 1 : i32
    scf.for %scan3A_974 = %scan3A_475 to %scan3A_477 step %scan3A_478  : i32 {
      %mul3A_975 = arith.constant 16 : i32
      %mul3A_976 = arith.muli %scan3A_974, %mul3A_975 : i32
      %swap3A_977 = arith.constant 1 : i32
      %swap3A_978 = arith.constant 19 : i32
      %swap3A_979 = arith.index_cast %swap3A_977 : i32 to index
      %swap3A_980 = arith.index_cast %swap3A_978 : i32 to index
      %swap3A_981 = arith.index_cast %mul3A_976 : i32 to index
      %swap3A_982 = tpu.vector_load %arg7[%swap3A_979, %swap3A_980, %swap3A_981] {strides = array<i32>} : memref<4x20x1000xf32, #tpu.memory_space<vmem>>, vector<16xf32>,
      tpu.vector_store %arg7[%swap3A_979, %swap3A_980, %swap3A_981], %broadcast_in_dim3A_7 {strides = array<i32>} : memref<4x20x1000xf32, #tpu.memory_space<vmem>>, vector<16xf32>,
    }
    %scan3A_479 = arith.constant 62 : i32
    %swap3A_480 = arith.constant 1 : i32
    %swap3A_481 = arith.constant 19 : i32
    %swap3A_482 = arith.index_cast %swap3A_480 : i32 to index
    %swap3A_483 = arith.index_cast %swap3A_481 : i32 to index
    %swap3A_484 = arith.constant 984 : index
    %swap3A_485 = tpu.vector_load %arg7[%swap3A_482, %swap3A_483, %swap3A_484] {strides = array<i32>} : memref<4x20x1000xf32, #tpu.memory_space<vmem>>, vector<16xf32>,
    tpu.vector_store %arg7[%swap3A_482, %swap3A_483, %swap3A_484], %broadcast_in_dim3A_7 {strides = array<i32>} : memref<4x20x1000xf32, #tpu.memory_space<vmem>>, vector<16xf32>,
    %scan3A_486 = arith.constant 0 : i32
    %scan3A_487 = arith.constant 0 : i32
    %scan3A_488 = arith.constant 62 : i32
    %scan3A_489 = arith.addi %scan3A_487, %scan3A_488 : i32
    %scan3A_490 = arith.constant 1 : i32
    scf.for %scan3A_974 = %scan3A_487 to %scan3A_489 step %scan3A_490  : i32 {
      %mul3A_975 = arith.constant 16 : i32
      %mul3A_976 = arith.muli %scan3A_974, %mul3A_975 : i32
      %swap3A_977 = arith.constant 2 : i32
      %swap3A_978 = arith.constant 0 : i32
      %swap3A_979 = arith.index_cast %swap3A_977 : i32 to index
      %swap3A_980 = arith.index_cast %swap3A_978 : i32 to index
      %swap3A_981 = arith.index_cast %mul3A_976 : i32 to index
      %swap3A_982 = tpu.vector_load %arg7[%swap3A_979, %swap3A_980, %swap3A_981] {strides = array<i32>} : memref<4x20x1000xf32, #tpu.memory_space<vmem>>, vector<16xf32>,
      tpu.vector_store %arg7[%swap3A_979, %swap3A_980, %swap3A_981], %broadcast_in_dim3A_7 {strides = array<i32>} : memref<4x20x1000xf32, #tpu.memory_space<vmem>>, vector<16xf32>,
    }
    %scan3A_491 = arith.constant 62 : i32
    %swap3A_492 = arith.constant 2 : i32
    %swap3A_493 = arith.constant 0 : i32
    %swap3A_494 = arith.index_cast %swap3A_492 : i32 to index
    %swap3A_495 = arith.index_cast %swap3A_493 : i32 to index
    %swap3A_496 = arith.constant 984 : index
    %swap3A_497 = tpu.vector_load %arg7[%swap3A_494, %swap3A_495, %swap3A_496] {strides = array<i32>} : memref<4x20x1000xf32, #tpu.memory_space<vmem>>, vector<16xf32>,
    tpu.vector_store %arg7[%swap3A_494, %swap3A_495, %swap3A_496], %broadcast_in_dim3A_7 {strides = array<i32>} : memref<4x20x1000xf32, #tpu.memory_space<vmem>>, vector<16xf32>,
    %scan3A_498 = arith.constant 0 : i32
    %scan3A_499 = arith.constant 0 : i32
    %scan3A_500 = arith.constant 62 : i32
    %scan3A_501 = arith.addi %scan3A_499, %scan3A_500 : i32
    %scan3A_502 = arith.constant 1 : i32
    scf.for %scan3A_974 = %scan3A_499 to %scan3A_501 step %scan3A_502  : i32 {
      %mul3A_975 = arith.constant 16 : i32
      %mul3A_976 = arith.muli %scan3A_974, %mul3A_975 : i32
      %swap3A_977 = arith.constant 2 : i32
      %swap3A_978 = arith.constant 1 : i32
      %swap3A_979 = arith.index_cast %swap3A_977 : i32 to index
      %swap3A_980 = arith.index_cast %swap3A_978 : i32 to index
      %swap3A_981 = arith.index_cast %mul3A_976 : i32 to index
      %swap3A_982 = tpu.vector_load %arg7[%swap3A_979, %swap3A_980, %swap3A_981] {strides = array<i32>} : memref<4x20x1000xf32, #tpu.memory_space<vmem>>, vector<16xf32>,
      tpu.vector_store %arg7[%swap3A_979, %swap3A_980, %swap3A_981], %broadcast_in_dim3A_7 {strides = array<i32>} : memref<4x20x1000xf32, #tpu.memory_space<vmem>>, vector<16xf32>,
    }
    %scan3A_503 = arith.constant 62 : i32
    %swap3A_504 = arith.constant 2 : i32
    %swap3A_505 = arith.constant 1 : i32
    %swap3A_506 = arith.index_cast %swap3A_504 : i32 to index
    %swap3A_507 = arith.index_cast %swap3A_505 : i32 to index
    %swap3A_508 = arith.constant 984 : index
    %swap3A_509 = tpu.vector_load %arg7[%swap3A_506, %swap3A_507, %swap3A_508] {strides = array<i32>} : memref<4x20x1000xf32, #tpu.memory_space<vmem>>, vector<16xf32>,
    tpu.vector_store %arg7[%swap3A_506, %swap3A_507, %swap3A_508], %broadcast_in_dim3A_7 {strides = array<i32>} : memref<4x20x1000xf32, #tpu.memory_space<vmem>>, vector<16xf32>,
    %scan3A_510 = arith.constant 0 : i32
    %scan3A_511 = arith.constant 0 : i32
    %scan3A_512 = arith.constant 62 : i32
    %scan3A_513 = arith.addi %scan3A_511, %scan3A_512 : i32
    %scan3A_514 = arith.constant 1 : i32
    scf.for %scan3A_974 = %scan3A_511 to %scan3A_513 step %scan3A_514  : i32 {
      %mul3A_975 = arith.constant 16 : i32
      %mul3A_976 = arith.muli %scan3A_974, %mul3A_975 : i32
      %swap3A_977 = arith.constant 2 : i32
      %swap3A_978 = arith.constant 2 : i32
      %swap3A_979 = arith.index_cast %swap3A_977 : i32 to index
      %swap3A_980 = arith.index_cast %swap3A_978 : i32 to index
      %swap3A_981 = arith.index_cast %mul3A_976 : i32 to index
      %swap3A_982 = tpu.vector_load %arg7[%swap3A_979, %swap3A_980, %swap3A_981] {strides = array<i32>} : memref<4x20x1000xf32, #tpu.memory_space<vmem>>, vector<16xf32>,
      tpu.vector_store %arg7[%swap3A_979, %swap3A_980, %swap3A_981], %broadcast_in_dim3A_7 {strides = array<i32>} : memref<4x20x1000xf32, #tpu.memory_space<vmem>>, vector<16xf32>,
    }
    %scan3A_515 = arith.constant 62 : i32
    %swap3A_516 = arith.constant 2 : i32
    %swap3A_517 = arith.constant 2 : i32
    %swap3A_518 = arith.index_cast %swap3A_516 : i32 to index
    %swap3A_519 = arith.index_cast %swap3A_517 : i32 to index
    %swap3A_520 = arith.constant 984 : index
    %swap3A_521 = tpu.vector_load %arg7[%swap3A_518, %swap3A_519, %swap3A_520] {strides = array<i32>} : memref<4x20x1000xf32, #tpu.memory_space<vmem>>, vector<16xf32>,
    tpu.vector_store %arg7[%swap3A_518, %swap3A_519, %swap3A_520], %broadcast_in_dim3A_7 {strides = array<i32>} : memref<4x20x1000xf32, #tpu.memory_space<vmem>>, vector<16xf32>,
    %scan3A_522 = arith.constant 0 : i32
    %scan3A_523 = arith.constant 0 : i32
    %scan3A_524 = arith.constant 62 : i32
    %scan3A_525 = arith.addi %scan3A_523, %scan3A_524 : i32
    %scan3A_526 = arith.constant 1 : i32
    scf.for %scan3A_974 = %scan3A_523 to %scan3A_525 step %scan3A_526  : i32 {
      %mul3A_975 = arith.constant 16 : i32
      %mul3A_976 = arith.muli %scan3A_974, %mul3A_975 : i32
      %swap3A_977 = arith.constant 2 : i32
      %swap3A_978 = arith.constant 3 : i32
      %swap3A_979 = arith.index_cast %swap3A_977 : i32 to index
      %swap3A_980 = arith.index_cast %swap3A_978 : i32 to index
      %swap3A_981 = arith.index_cast %mul3A_976 : i32 to index
      %swap3A_982 = tpu.vector_load %arg7[%swap3A_979, %swap3A_980, %swap3A_981] {strides = array<i32>} : memref<4x20x1000xf32, #tpu.memory_space<vmem>>, vector<16xf32>,
      tpu.vector_store %arg7[%swap3A_979, %swap3A_980, %swap3A_981], %broadcast_in_dim3A_7 {strides = array<i32>} : memref<4x20x1000xf32, #tpu.memory_space<vmem>>, vector<16xf32>,
    }
    %scan3A_527 = arith.constant 62 : i32
    %swap3A_528 = arith.constant 2 : i32
    %swap3A_529 = arith.constant 3 : i32
    %swap3A_530 = arith.index_cast %swap3A_528 : i32 to index
    %swap3A_531 = arith.index_cast %swap3A_529 : i32 to index
    %swap3A_532 = arith.constant 984 : index
    %swap3A_533 = tpu.vector_load %arg7[%swap3A_530, %swap3A_531, %swap3A_532] {strides = array<i32>} : memref<4x20x1000xf32, #tpu.memory_space<vmem>>, vector<16xf32>,
    tpu.vector_store %arg7[%swap3A_530, %swap3A_531, %swap3A_532], %broadcast_in_dim3A_7 {strides = array<i32>} : memref<4x20x1000xf32, #tpu.memory_space<vmem>>, vector<16xf32>,
    %scan3A_534 = arith.constant 0 : i32
    %scan3A_535 = arith.constant 0 : i32
    %scan3A_536 = arith.constant 62 : i32
    %scan3A_537 = arith.addi %scan3A_535, %scan3A_536 : i32
    %scan3A_538 = arith.constant 1 : i32
    scf.for %scan3A_974 = %scan3A_535 to %scan3A_537 step %scan3A_538  : i32 {
      %mul3A_975 = arith.constant 16 : i32
      %mul3A_976 = arith.muli %scan3A_974, %mul3A_975 : i32
      %swap3A_977 = arith.constant 2 : i32
      %swap3A_978 = arith.constant 4 : i32
      %swap3A_979 = arith.index_cast %swap3A_977 : i32 to index
      %swap3A_980 = arith.index_cast %swap3A_978 : i32 to index
      %swap3A_981 = arith.index_cast %mul3A_976 : i32 to index
      %swap3A_982 = tpu.vector_load %arg7[%swap3A_979, %swap3A_980, %swap3A_981] {strides = array<i32>} : memref<4x20x1000xf32, #tpu.memory_space<vmem>>, vector<16xf32>,
      tpu.vector_store %arg7[%swap3A_979, %swap3A_980, %swap3A_981], %broadcast_in_dim3A_7 {strides = array<i32>} : memref<4x20x1000xf32, #tpu.memory_space<vmem>>, vector<16xf32>,
    }
    %scan3A_539 = arith.constant 62 : i32
    %swap3A_540 = arith.constant 2 : i32
    %swap3A_541 = arith.constant 4 : i32
    %swap3A_542 = arith.index_cast %swap3A_540 : i32 to index
    %swap3A_543 = arith.index_cast %swap3A_541 : i32 to index
    %swap3A_544 = arith.constant 984 : index
    %swap3A_545 = tpu.vector_load %arg7[%swap3A_542, %swap3A_543, %swap3A_544] {strides = array<i32>} : memref<4x20x1000xf32, #tpu.memory_space<vmem>>, vector<16xf32>,
    tpu.vector_store %arg7[%swap3A_542, %swap3A_543, %swap3A_544], %broadcast_in_dim3A_7 {strides = array<i32>} : memref<4x20x1000xf32, #tpu.memory_space<vmem>>, vector<16xf32>,
    %scan3A_546 = arith.constant 0 : i32
    %scan3A_547 = arith.constant 0 : i32
    %scan3A_548 = arith.constant 62 : i32
    %scan3A_549 = arith.addi %scan3A_547, %scan3A_548 : i32
    %scan3A_550 = arith.constant 1 : i32
    scf.for %scan3A_974 = %scan3A_547 to %scan3A_549 step %scan3A_550  : i32 {
      %mul3A_975 = arith.constant 16 : i32
      %mul3A_976 = arith.muli %scan3A_974, %mul3A_975 : i32
      %swap3A_977 = arith.constant 2 : i32
      %swap3A_978 = arith.constant 5 : i32
      %swap3A_979 = arith.index_cast %swap3A_977 : i32 to index
      %swap3A_980 = arith.index_cast %swap3A_978 : i32 to index
      %swap3A_981 = arith.index_cast %mul3A_976 : i32 to index
      %swap3A_982 = tpu.vector_load %arg7[%swap3A_979, %swap3A_980, %swap3A_981] {strides = array<i32>} : memref<4x20x1000xf32, #tpu.memory_space<vmem>>, vector<16xf32>,
      tpu.vector_store %arg7[%swap3A_979, %swap3A_980, %swap3A_981], %broadcast_in_dim3A_7 {strides = array<i32>} : memref<4x20x1000xf32, #tpu.memory_space<vmem>>, vector<16xf32>,
    }
    %scan3A_551 = arith.constant 62 : i32
    %swap3A_552 = arith.constant 2 : i32
    %swap3A_553 = arith.constant 5 : i32
    %swap3A_554 = arith.index_cast %swap3A_552 : i32 to index
    %swap3A_555 = arith.index_cast %swap3A_553 : i32 to index
    %swap3A_556 = arith.constant 984 : index
    %swap3A_557 = tpu.vector_load %arg7[%swap3A_554, %swap3A_555, %swap3A_556] {strides = array<i32>} : memref<4x20x1000xf32, #tpu.memory_space<vmem>>, vector<16xf32>,
    tpu.vector_store %arg7[%swap3A_554, %swap3A_555, %swap3A_556], %broadcast_in_dim3A_7 {strides = array<i32>} : memref<4x20x1000xf32, #tpu.memory_space<vmem>>, vector<16xf32>,
    %scan3A_558 = arith.constant 0 : i32
    %scan3A_559 = arith.constant 0 : i32
    %scan3A_560 = arith.constant 62 : i32
    %scan3A_561 = arith.addi %scan3A_559, %scan3A_560 : i32
    %scan3A_562 = arith.constant 1 : i32
    scf.for %scan3A_974 = %scan3A_559 to %scan3A_561 step %scan3A_562  : i32 {
      %mul3A_975 = arith.constant 16 : i32
      %mul3A_976 = arith.muli %scan3A_974, %mul3A_975 : i32
      %swap3A_977 = arith.constant 2 : i32
      %swap3A_978 = arith.constant 6 : i32
      %swap3A_979 = arith.index_cast %swap3A_977 : i32 to index
      %swap3A_980 = arith.index_cast %swap3A_978 : i32 to index
      %swap3A_981 = arith.index_cast %mul3A_976 : i32 to index
      %swap3A_982 = tpu.vector_load %arg7[%swap3A_979, %swap3A_980, %swap3A_981] {strides = array<i32>} : memref<4x20x1000xf32, #tpu.memory_space<vmem>>, vector<16xf32>,
      tpu.vector_store %arg7[%swap3A_979, %swap3A_980, %swap3A_981], %broadcast_in_dim3A_7 {strides = array<i32>} : memref<4x20x1000xf32, #tpu.memory_space<vmem>>, vector<16xf32>,
    }
    %scan3A_563 = arith.constant 62 : i32
    %swap3A_564 = arith.constant 2 : i32
    %swap3A_565 = arith.constant 6 : i32
    %swap3A_566 = arith.index_cast %swap3A_564 : i32 to index
    %swap3A_567 = arith.index_cast %swap3A_565 : i32 to index
    %swap3A_568 = arith.constant 984 : index
    %swap3A_569 = tpu.vector_load %arg7[%swap3A_566, %swap3A_567, %swap3A_568] {strides = array<i32>} : memref<4x20x1000xf32, #tpu.memory_space<vmem>>, vector<16xf32>,
    tpu.vector_store %arg7[%swap3A_566, %swap3A_567, %swap3A_568], %broadcast_in_dim3A_7 {strides = array<i32>} : memref<4x20x1000xf32, #tpu.memory_space<vmem>>, vector<16xf32>,
    %scan3A_570 = arith.constant 0 : i32
    %scan3A_571 = arith.constant 0 : i32
    %scan3A_572 = arith.constant 62 : i32
    %scan3A_573 = arith.addi %scan3A_571, %scan3A_572 : i32
    %scan3A_574 = arith.constant 1 : i32
    scf.for %scan3A_974 = %scan3A_571 to %scan3A_573 step %scan3A_574  : i32 {
      %mul3A_975 = arith.constant 16 : i32
      %mul3A_976 = arith.muli %scan3A_974, %mul3A_975 : i32
      %swap3A_977 = arith.constant 2 : i32
      %swap3A_978 = arith.constant 7 : i32
      %swap3A_979 = arith.index_cast %swap3A_977 : i32 to index
      %swap3A_980 = arith.index_cast %swap3A_978 : i32 to index
      %swap3A_981 = arith.index_cast %mul3A_976 : i32 to index
      %swap3A_982 = tpu.vector_load %arg7[%swap3A_979, %swap3A_980, %swap3A_981] {strides = array<i32>} : memref<4x20x1000xf32, #tpu.memory_space<vmem>>, vector<16xf32>,
      tpu.vector_store %arg7[%swap3A_979, %swap3A_980, %swap3A_981], %broadcast_in_dim3A_7 {strides = array<i32>} : memref<4x20x1000xf32, #tpu.memory_space<vmem>>, vector<16xf32>,
    }
    %scan3A_575 = arith.constant 62 : i32
    %swap3A_576 = arith.constant 2 : i32
    %swap3A_577 = arith.constant 7 : i32
    %swap3A_578 = arith.index_cast %swap3A_576 : i32 to index
    %swap3A_579 = arith.index_cast %swap3A_577 : i32 to index
    %swap3A_580 = arith.constant 984 : index
    %swap3A_581 = tpu.vector_load %arg7[%swap3A_578, %swap3A_579, %swap3A_580] {strides = array<i32>} : memref<4x20x1000xf32, #tpu.memory_space<vmem>>, vector<16xf32>,
    tpu.vector_store %arg7[%swap3A_578, %swap3A_579, %swap3A_580], %broadcast_in_dim3A_7 {strides = array<i32>} : memref<4x20x1000xf32, #tpu.memory_space<vmem>>, vector<16xf32>,
    %scan3A_582 = arith.constant 0 : i32
    %scan3A_583 = arith.constant 0 : i32
    %scan3A_584 = arith.constant 62 : i32
    %scan3A_585 = arith.addi %scan3A_583, %scan3A_584 : i32
    %scan3A_586 = arith.constant 1 : i32
    scf.for %scan3A_974 = %scan3A_583 to %scan3A_585 step %scan3A_586  : i32 {
      %mul3A_975 = arith.constant 16 : i32
      %mul3A_976 = arith.muli %scan3A_974, %mul3A_975 : i32
      %swap3A_977 = arith.constant 2 : i32
      %swap3A_978 = arith.constant 8 : i32
      %swap3A_979 = arith.index_cast %swap3A_977 : i32 to index
      %swap3A_980 = arith.index_cast %swap3A_978 : i32 to index
      %swap3A_981 = arith.index_cast %mul3A_976 : i32 to index
      %swap3A_982 = tpu.vector_load %arg7[%swap3A_979, %swap3A_980, %swap3A_981] {strides = array<i32>} : memref<4x20x1000xf32, #tpu.memory_space<vmem>>, vector<16xf32>,
      tpu.vector_store %arg7[%swap3A_979, %swap3A_980, %swap3A_981], %broadcast_in_dim3A_7 {strides = array<i32>} : memref<4x20x1000xf32, #tpu.memory_space<vmem>>, vector<16xf32>,
    }
    %scan3A_587 = arith.constant 62 : i32
    %swap3A_588 = arith.constant 2 : i32
    %swap3A_589 = arith.constant 8 : i32
    %swap3A_590 = arith.index_cast %swap3A_588 : i32 to index
    %swap3A_591 = arith.index_cast %swap3A_589 : i32 to index
    %swap3A_592 = arith.constant 984 : index
    %swap3A_593 = tpu.vector_load %arg7[%swap3A_590, %swap3A_591, %swap3A_592] {strides = array<i32>} : memref<4x20x1000xf32, #tpu.memory_space<vmem>>, vector<16xf32>,
    tpu.vector_store %arg7[%swap3A_590, %swap3A_591, %swap3A_592], %broadcast_in_dim3A_7 {strides = array<i32>} : memref<4x20x1000xf32, #tpu.memory_space<vmem>>, vector<16xf32>,
    %scan3A_594 = arith.constant 0 : i32
    %scan3A_595 = arith.constant 0 : i32
    %scan3A_596 = arith.constant 62 : i32
    %scan3A_597 = arith.addi %scan3A_595, %scan3A_596 : i32
    %scan3A_598 = arith.constant 1 : i32
    scf.for %scan3A_974 = %scan3A_595 to %scan3A_597 step %scan3A_598  : i32 {
      %mul3A_975 = arith.constant 16 : i32
      %mul3A_976 = arith.muli %scan3A_974, %mul3A_975 : i32
      %swap3A_977 = arith.constant 2 : i32
      %swap3A_978 = arith.constant 9 : i32
      %swap3A_979 = arith.index_cast %swap3A_977 : i32 to index
      %swap3A_980 = arith.index_cast %swap3A_978 : i32 to index
      %swap3A_981 = arith.index_cast %mul3A_976 : i32 to index
      %swap3A_982 = tpu.vector_load %arg7[%swap3A_979, %swap3A_980, %swap3A_981] {strides = array<i32>} : memref<4x20x1000xf32, #tpu.memory_space<vmem>>, vector<16xf32>,
      tpu.vector_store %arg7[%swap3A_979, %swap3A_980, %swap3A_981], %broadcast_in_dim3A_7 {strides = array<i32>} : memref<4x20x1000xf32, #tpu.memory_space<vmem>>, vector<16xf32>,
    }
    %scan3A_599 = arith.constant 62 : i32
    %swap3A_600 = arith.constant 2 : i32
    %swap3A_601 = arith.constant 9 : i32
    %swap3A_602 = arith.index_cast %swap3A_600 : i32 to index
    %swap3A_603 = arith.index_cast %swap3A_601 : i32 to index
    %swap3A_604 = arith.constant 984 : index
    %swap3A_605 = tpu.vector_load %arg7[%swap3A_602, %swap3A_603, %swap3A_604] {strides = array<i32>} : memref<4x20x1000xf32, #tpu.memory_space<vmem>>, vector<16xf32>,
    tpu.vector_store %arg7[%swap3A_602, %swap3A_603, %swap3A_604], %broadcast_in_dim3A_7 {strides = array<i32>} : memref<4x20x1000xf32, #tpu.memory_space<vmem>>, vector<16xf32>,
    %scan3A_606 = arith.constant 0 : i32
    %scan3A_607 = arith.constant 0 : i32
    %scan3A_608 = arith.constant 62 : i32
    %scan3A_609 = arith.addi %scan3A_607, %scan3A_608 : i32
    %scan3A_610 = arith.constant 1 : i32
    scf.for %scan3A_974 = %scan3A_607 to %scan3A_609 step %scan3A_610  : i32 {
      %mul3A_975 = arith.constant 16 : i32
      %mul3A_976 = arith.muli %scan3A_974, %mul3A_975 : i32
      %swap3A_977 = arith.constant 2 : i32
      %swap3A_978 = arith.constant 10 : i32
      %swap3A_979 = arith.index_cast %swap3A_977 : i32 to index
      %swap3A_980 = arith.index_cast %swap3A_978 : i32 to index
      %swap3A_981 = arith.index_cast %mul3A_976 : i32 to index
      %swap3A_982 = tpu.vector_load %arg7[%swap3A_979, %swap3A_980, %swap3A_981] {strides = array<i32>} : memref<4x20x1000xf32, #tpu.memory_space<vmem>>, vector<16xf32>,
      tpu.vector_store %arg7[%swap3A_979, %swap3A_980, %swap3A_981], %broadcast_in_dim3A_7 {strides = array<i32>} : memref<4x20x1000xf32, #tpu.memory_space<vmem>>, vector<16xf32>,
    }
    %scan3A_611 = arith.constant 62 : i32
    %swap3A_612 = arith.constant 2 : i32
    %swap3A_613 = arith.constant 10 : i32
    %swap3A_614 = arith.index_cast %swap3A_612 : i32 to index
    %swap3A_615 = arith.index_cast %swap3A_613 : i32 to index
    %swap3A_616 = arith.constant 984 : index
    %swap3A_617 = tpu.vector_load %arg7[%swap3A_614, %swap3A_615, %swap3A_616] {strides = array<i32>} : memref<4x20x1000xf32, #tpu.memory_space<vmem>>, vector<16xf32>,
    tpu.vector_store %arg7[%swap3A_614, %swap3A_615, %swap3A_616], %broadcast_in_dim3A_7 {strides = array<i32>} : memref<4x20x1000xf32, #tpu.memory_space<vmem>>, vector<16xf32>,
    %scan3A_618 = arith.constant 0 : i32
    %scan3A_619 = arith.constant 0 : i32
    %scan3A_620 = arith.constant 62 : i32
    %scan3A_621 = arith.addi %scan3A_619, %scan3A_620 : i32
    %scan3A_622 = arith.constant 1 : i32
    scf.for %scan3A_974 = %scan3A_619 to %scan3A_621 step %scan3A_622  : i32 {
      %mul3A_975 = arith.constant 16 : i32
      %mul3A_976 = arith.muli %scan3A_974, %mul3A_975 : i32
      %swap3A_977 = arith.constant 2 : i32
      %swap3A_978 = arith.constant 11 : i32
      %swap3A_979 = arith.index_cast %swap3A_977 : i32 to index
      %swap3A_980 = arith.index_cast %swap3A_978 : i32 to index
      %swap3A_981 = arith.index_cast %mul3A_976 : i32 to index
      %swap3A_982 = tpu.vector_load %arg7[%swap3A_979, %swap3A_980, %swap3A_981] {strides = array<i32>} : memref<4x20x1000xf32, #tpu.memory_space<vmem>>, vector<16xf32>,
      tpu.vector_store %arg7[%swap3A_979, %swap3A_980, %swap3A_981], %broadcast_in_dim3A_7 {strides = array<i32>} : memref<4x20x1000xf32, #tpu.memory_space<vmem>>, vector<16xf32>,
    }
    %scan3A_623 = arith.constant 62 : i32
    %swap3A_624 = arith.constant 2 : i32
    %swap3A_625 = arith.constant 11 : i32
    %swap3A_626 = arith.index_cast %swap3A_624 : i32 to index
    %swap3A_627 = arith.index_cast %swap3A_625 : i32 to index
    %swap3A_628 = arith.constant 984 : index
    %swap3A_629 = tpu.vector_load %arg7[%swap3A_626, %swap3A_627, %swap3A_628] {strides = array<i32>} : memref<4x20x1000xf32, #tpu.memory_space<vmem>>, vector<16xf32>,
    tpu.vector_store %arg7[%swap3A_626, %swap3A_627, %swap3A_628], %broadcast_in_dim3A_7 {strides = array<i32>} : memref<4x20x1000xf32, #tpu.memory_space<vmem>>, vector<16xf32>,
    %scan3A_630 = arith.constant 0 : i32
    %scan3A_631 = arith.constant 0 : i32
    %scan3A_632 = arith.constant 62 : i32
    %scan3A_633 = arith.addi %scan3A_631, %scan3A_632 : i32
    %scan3A_634 = arith.constant 1 : i32
    scf.for %scan3A_974 = %scan3A_631 to %scan3A_633 step %scan3A_634  : i32 {
      %mul3A_975 = arith.constant 16 : i32
      %mul3A_976 = arith.muli %scan3A_974, %mul3A_975 : i32
      %swap3A_977 = arith.constant 2 : i32
      %swap3A_978 = arith.constant 12 : i32
      %swap3A_979 = arith.index_cast %swap3A_977 : i32 to index
      %swap3A_980 = arith.index_cast %swap3A_978 : i32 to index
      %swap3A_981 = arith.index_cast %mul3A_976 : i32 to index
      %swap3A_982 = tpu.vector_load %arg7[%swap3A_979, %swap3A_980, %swap3A_981] {strides = array<i32>} : memref<4x20x1000xf32, #tpu.memory_space<vmem>>, vector<16xf32>,
      tpu.vector_store %arg7[%swap3A_979, %swap3A_980, %swap3A_981], %broadcast_in_dim3A_7 {strides = array<i32>} : memref<4x20x1000xf32, #tpu.memory_space<vmem>>, vector<16xf32>,
    }
    %scan3A_635 = arith.constant 62 : i32
    %swap3A_636 = arith.constant 2 : i32
    %swap3A_637 = arith.constant 12 : i32
    %swap3A_638 = arith.index_cast %swap3A_636 : i32 to index
    %swap3A_639 = arith.index_cast %swap3A_637 : i32 to index
    %swap3A_640 = arith.constant 984 : index
    %swap3A_641 = tpu.vector_load %arg7[%swap3A_638, %swap3A_639, %swap3A_640] {strides = array<i32>} : memref<4x20x1000xf32, #tpu.memory_space<vmem>>, vector<16xf32>,
    tpu.vector_store %arg7[%swap3A_638, %swap3A_639, %swap3A_640], %broadcast_in_dim3A_7 {strides = array<i32>} : memref<4x20x1000xf32, #tpu.memory_space<vmem>>, vector<16xf32>,
    %scan3A_642 = arith.constant 0 : i32
    %scan3A_643 = arith.constant 0 : i32
    %scan3A_644 = arith.constant 62 : i32
    %scan3A_645 = arith.addi %scan3A_643, %scan3A_644 : i32
    %scan3A_646 = arith.constant 1 : i32
    scf.for %scan3A_974 = %scan3A_643 to %scan3A_645 step %scan3A_646  : i32 {
      %mul3A_975 = arith.constant 16 : i32
      %mul3A_976 = arith.muli %scan3A_974, %mul3A_975 : i32
      %swap3A_977 = arith.constant 2 : i32
      %swap3A_978 = arith.constant 13 : i32
      %swap3A_979 = arith.index_cast %swap3A_977 : i32 to index
      %swap3A_980 = arith.index_cast %swap3A_978 : i32 to index
      %swap3A_981 = arith.index_cast %mul3A_976 : i32 to index
      %swap3A_982 = tpu.vector_load %arg7[%swap3A_979, %swap3A_980, %swap3A_981] {strides = array<i32>} : memref<4x20x1000xf32, #tpu.memory_space<vmem>>, vector<16xf32>,
      tpu.vector_store %arg7[%swap3A_979, %swap3A_980, %swap3A_981], %broadcast_in_dim3A_7 {strides = array<i32>} : memref<4x20x1000xf32, #tpu.memory_space<vmem>>, vector<16xf32>,
    }
    %scan3A_647 = arith.constant 62 : i32
    %swap3A_648 = arith.constant 2 : i32
    %swap3A_649 = arith.constant 13 : i32
    %swap3A_650 = arith.index_cast %swap3A_648 : i32 to index
    %swap3A_651 = arith.index_cast %swap3A_649 : i32 to index
    %swap3A_652 = arith.constant 984 : index
    %swap3A_653 = tpu.vector_load %arg7[%swap3A_650, %swap3A_651, %swap3A_652] {strides = array<i32>} : memref<4x20x1000xf32, #tpu.memory_space<vmem>>, vector<16xf32>,
    tpu.vector_store %arg7[%swap3A_650, %swap3A_651, %swap3A_652], %broadcast_in_dim3A_7 {strides = array<i32>} : memref<4x20x1000xf32, #tpu.memory_space<vmem>>, vector<16xf32>,
    %scan3A_654 = arith.constant 0 : i32
    %scan3A_655 = arith.constant 0 : i32
    %scan3A_656 = arith.constant 62 : i32
    %scan3A_657 = arith.addi %scan3A_655, %scan3A_656 : i32
    %scan3A_658 = arith.constant 1 : i32
    scf.for %scan3A_974 = %scan3A_655 to %scan3A_657 step %scan3A_658  : i32 {
      %mul3A_975 = arith.constant 16 : i32
      %mul3A_976 = arith.muli %scan3A_974, %mul3A_975 : i32
      %swap3A_977 = arith.constant 2 : i32
      %swap3A_978 = arith.constant 14 : i32
      %swap3A_979 = arith.index_cast %swap3A_977 : i32 to index
      %swap3A_980 = arith.index_cast %swap3A_978 : i32 to index
      %swap3A_981 = arith.index_cast %mul3A_976 : i32 to index
      %swap3A_982 = tpu.vector_load %arg7[%swap3A_979, %swap3A_980, %swap3A_981] {strides = array<i32>} : memref<4x20x1000xf32, #tpu.memory_space<vmem>>, vector<16xf32>,
      tpu.vector_store %arg7[%swap3A_979, %swap3A_980, %swap3A_981], %broadcast_in_dim3A_7 {strides = array<i32>} : memref<4x20x1000xf32, #tpu.memory_space<vmem>>, vector<16xf32>,
    }
    %scan3A_659 = arith.constant 62 : i32
    %swap3A_660 = arith.constant 2 : i32
    %swap3A_661 = arith.constant 14 : i32
    %swap3A_662 = arith.index_cast %swap3A_660 : i32 to index
    %swap3A_663 = arith.index_cast %swap3A_661 : i32 to index
    %swap3A_664 = arith.constant 984 : index
    %swap3A_665 = tpu.vector_load %arg7[%swap3A_662, %swap3A_663, %swap3A_664] {strides = array<i32>} : memref<4x20x1000xf32, #tpu.memory_space<vmem>>, vector<16xf32>,
    tpu.vector_store %arg7[%swap3A_662, %swap3A_663, %swap3A_664], %broadcast_in_dim3A_7 {strides = array<i32>} : memref<4x20x1000xf32, #tpu.memory_space<vmem>>, vector<16xf32>,
    %scan3A_666 = arith.constant 0 : i32
    %scan3A_667 = arith.constant 0 : i32
    %scan3A_668 = arith.constant 62 : i32
    %scan3A_669 = arith.addi %scan3A_667, %scan3A_668 : i32
    %scan3A_670 = arith.constant 1 : i32
    scf.for %scan3A_974 = %scan3A_667 to %scan3A_669 step %scan3A_670  : i32 {
      %mul3A_975 = arith.constant 16 : i32
      %mul3A_976 = arith.muli %scan3A_974, %mul3A_975 : i32
      %swap3A_977 = arith.constant 2 : i32
      %swap3A_978 = arith.constant 15 : i32
      %swap3A_979 = arith.index_cast %swap3A_977 : i32 to index
      %swap3A_980 = arith.index_cast %swap3A_978 : i32 to index
      %swap3A_981 = arith.index_cast %mul3A_976 : i32 to index
      %swap3A_982 = tpu.vector_load %arg7[%swap3A_979, %swap3A_980, %swap3A_981] {strides = array<i32>} : memref<4x20x1000xf32, #tpu.memory_space<vmem>>, vector<16xf32>,
      tpu.vector_store %arg7[%swap3A_979, %swap3A_980, %swap3A_981], %broadcast_in_dim3A_7 {strides = array<i32>} : memref<4x20x1000xf32, #tpu.memory_space<vmem>>, vector<16xf32>,
    }
    %scan3A_671 = arith.constant 62 : i32
    %swap3A_672 = arith.constant 2 : i32
    %swap3A_673 = arith.constant 15 : i32
    %swap3A_674 = arith.index_cast %swap3A_672 : i32 to index
    %swap3A_675 = arith.index_cast %swap3A_673 : i32 to index
    %swap3A_676 = arith.constant 984 : index
    %swap3A_677 = tpu.vector_load %arg7[%swap3A_674, %swap3A_675, %swap3A_676] {strides = array<i32>} : memref<4x20x1000xf32, #tpu.memory_space<vmem>>, vector<16xf32>,
    tpu.vector_store %arg7[%swap3A_674, %swap3A_675, %swap3A_676], %broadcast_in_dim3A_7 {strides = array<i32>} : memref<4x20x1000xf32, #tpu.memory_space<vmem>>, vector<16xf32>,
    %scan3A_678 = arith.constant 0 : i32
    %scan3A_679 = arith.constant 0 : i32
    %scan3A_680 = arith.constant 62 : i32
    %scan3A_681 = arith.addi %scan3A_679, %scan3A_680 : i32
    %scan3A_682 = arith.constant 1 : i32
    scf.for %scan3A_974 = %scan3A_679 to %scan3A_681 step %scan3A_682  : i32 {
      %mul3A_975 = arith.constant 16 : i32
      %mul3A_976 = arith.muli %scan3A_974, %mul3A_975 : i32
      %swap3A_977 = arith.constant 2 : i32
      %swap3A_978 = arith.constant 16 : i32
      %swap3A_979 = arith.index_cast %swap3A_977 : i32 to index
      %swap3A_980 = arith.index_cast %swap3A_978 : i32 to index
      %swap3A_981 = arith.index_cast %mul3A_976 : i32 to index
      %swap3A_982 = tpu.vector_load %arg7[%swap3A_979, %swap3A_980, %swap3A_981] {strides = array<i32>} : memref<4x20x1000xf32, #tpu.memory_space<vmem>>, vector<16xf32>,
      tpu.vector_store %arg7[%swap3A_979, %swap3A_980, %swap3A_981], %broadcast_in_dim3A_7 {strides = array<i32>} : memref<4x20x1000xf32, #tpu.memory_space<vmem>>, vector<16xf32>,
    }
    %scan3A_683 = arith.constant 62 : i32
    %swap3A_684 = arith.constant 2 : i32
    %swap3A_685 = arith.constant 16 : i32
    %swap3A_686 = arith.index_cast %swap3A_684 : i32 to index
    %swap3A_687 = arith.index_cast %swap3A_685 : i32 to index
    %swap3A_688 = arith.constant 984 : index
    %swap3A_689 = tpu.vector_load %arg7[%swap3A_686, %swap3A_687, %swap3A_688] {strides = array<i32>} : memref<4x20x1000xf32, #tpu.memory_space<vmem>>, vector<16xf32>,
    tpu.vector_store %arg7[%swap3A_686, %swap3A_687, %swap3A_688], %broadcast_in_dim3A_7 {strides = array<i32>} : memref<4x20x1000xf32, #tpu.memory_space<vmem>>, vector<16xf32>,
    %scan3A_690 = arith.constant 0 : i32
    %scan3A_691 = arith.constant 0 : i32
    %scan3A_692 = arith.constant 62 : i32
    %scan3A_693 = arith.addi %scan3A_691, %scan3A_692 : i32
    %scan3A_694 = arith.constant 1 : i32
    scf.for %scan3A_974 = %scan3A_691 to %scan3A_693 step %scan3A_694  : i32 {
      %mul3A_975 = arith.constant 16 : i32
      %mul3A_976 = arith.muli %scan3A_974, %mul3A_975 : i32
      %swap3A_977 = arith.constant 2 : i32
      %swap3A_978 = arith.constant 17 : i32
      %swap3A_979 = arith.index_cast %swap3A_977 : i32 to index
      %swap3A_980 = arith.index_cast %swap3A_978 : i32 to index
      %swap3A_981 = arith.index_cast %mul3A_976 : i32 to index
      %swap3A_982 = tpu.vector_load %arg7[%swap3A_979, %swap3A_980, %swap3A_981] {strides = array<i32>} : memref<4x20x1000xf32, #tpu.memory_space<vmem>>, vector<16xf32>,
      tpu.vector_store %arg7[%swap3A_979, %swap3A_980, %swap3A_981], %broadcast_in_dim3A_7 {strides = array<i32>} : memref<4x20x1000xf32, #tpu.memory_space<vmem>>, vector<16xf32>,
    }
    %scan3A_695 = arith.constant 62 : i32
    %swap3A_696 = arith.constant 2 : i32
    %swap3A_697 = arith.constant 17 : i32
    %swap3A_698 = arith.index_cast %swap3A_696 : i32 to index
    %swap3A_699 = arith.index_cast %swap3A_697 : i32 to index
    %swap3A_700 = arith.constant 984 : index
    %swap3A_701 = tpu.vector_load %arg7[%swap3A_698, %swap3A_699, %swap3A_700] {strides = array<i32>} : memref<4x20x1000xf32, #tpu.memory_space<vmem>>, vector<16xf32>,
    tpu.vector_store %arg7[%swap3A_698, %swap3A_699, %swap3A_700], %broadcast_in_dim3A_7 {strides = array<i32>} : memref<4x20x1000xf32, #tpu.memory_space<vmem>>, vector<16xf32>,
    %scan3A_702 = arith.constant 0 : i32
    %scan3A_703 = arith.constant 0 : i32
    %scan3A_704 = arith.constant 62 : i32
    %scan3A_705 = arith.addi %scan3A_703, %scan3A_704 : i32
    %scan3A_706 = arith.constant 1 : i32
    scf.for %scan3A_974 = %scan3A_703 to %scan3A_705 step %scan3A_706  : i32 {
      %mul3A_975 = arith.constant 16 : i32
      %mul3A_976 = arith.muli %scan3A_974, %mul3A_975 : i32
      %swap3A_977 = arith.constant 2 : i32
      %swap3A_978 = arith.constant 18 : i32
      %swap3A_979 = arith.index_cast %swap3A_977 : i32 to index
      %swap3A_980 = arith.index_cast %swap3A_978 : i32 to index
      %swap3A_981 = arith.index_cast %mul3A_976 : i32 to index
      %swap3A_982 = tpu.vector_load %arg7[%swap3A_979, %swap3A_980, %swap3A_981] {strides = array<i32>} : memref<4x20x1000xf32, #tpu.memory_space<vmem>>, vector<16xf32>,
      tpu.vector_store %arg7[%swap3A_979, %swap3A_980, %swap3A_981], %broadcast_in_dim3A_7 {strides = array<i32>} : memref<4x20x1000xf32, #tpu.memory_space<vmem>>, vector<16xf32>,
    }
    %scan3A_707 = arith.constant 62 : i32
    %swap3A_708 = arith.constant 2 : i32
    %swap3A_709 = arith.constant 18 : i32
    %swap3A_710 = arith.index_cast %swap3A_708 : i32 to index
    %swap3A_711 = arith.index_cast %swap3A_709 : i32 to index
    %swap3A_712 = arith.constant 984 : index
    %swap3A_713 = tpu.vector_load %arg7[%swap3A_710, %swap3A_711, %swap3A_712] {strides = array<i32>} : memref<4x20x1000xf32, #tpu.memory_space<vmem>>, vector<16xf32>,
    tpu.vector_store %arg7[%swap3A_710, %swap3A_711, %swap3A_712], %broadcast_in_dim3A_7 {strides = array<i32>} : memref<4x20x1000xf32, #tpu.memory_space<vmem>>, vector<16xf32>,
    %scan3A_714 = arith.constant 0 : i32
    %scan3A_715 = arith.constant 0 : i32
    %scan3A_716 = arith.constant 62 : i32
    %scan3A_717 = arith.addi %scan3A_715, %scan3A_716 : i32
    %scan3A_718 = arith.constant 1 : i32
    scf.for %scan3A_974 = %scan3A_715 to %scan3A_717 step %scan3A_718  : i32 {
      %mul3A_975 = arith.constant 16 : i32
      %mul3A_976 = arith.muli %scan3A_974, %mul3A_975 : i32
      %swap3A_977 = arith.constant 2 : i32
      %swap3A_978 = arith.constant 19 : i32
      %swap3A_979 = arith.index_cast %swap3A_977 : i32 to index
      %swap3A_980 = arith.index_cast %swap3A_978 : i32 to index
      %swap3A_981 = arith.index_cast %mul3A_976 : i32 to index
      %swap3A_982 = tpu.vector_load %arg7[%swap3A_979, %swap3A_980, %swap3A_981] {strides = array<i32>} : memref<4x20x1000xf32, #tpu.memory_space<vmem>>, vector<16xf32>,
      tpu.vector_store %arg7[%swap3A_979, %swap3A_980, %swap3A_981], %broadcast_in_dim3A_7 {strides = array<i32>} : memref<4x20x1000xf32, #tpu.memory_space<vmem>>, vector<16xf32>,
    }
    %scan3A_719 = arith.constant 62 : i32
    %swap3A_720 = arith.constant 2 : i32
    %swap3A_721 = arith.constant 19 : i32
    %swap3A_722 = arith.index_cast %swap3A_720 : i32 to index
    %swap3A_723 = arith.index_cast %swap3A_721 : i32 to index
    %swap3A_724 = arith.constant 984 : index
    %swap3A_725 = tpu.vector_load %arg7[%swap3A_722, %swap3A_723, %swap3A_724] {strides = array<i32>} : memref<4x20x1000xf32, #tpu.memory_space<vmem>>, vector<16xf32>,
    tpu.vector_store %arg7[%swap3A_722, %swap3A_723, %swap3A_724], %broadcast_in_dim3A_7 {strides = array<i32>} : memref<4x20x1000xf32, #tpu.memory_space<vmem>>, vector<16xf32>,
    %scan3A_726 = arith.constant 0 : i32
    %scan3A_727 = arith.constant 0 : i32
    %scan3A_728 = arith.constant 62 : i32
    %scan3A_729 = arith.addi %scan3A_727, %scan3A_728 : i32
    %scan3A_730 = arith.constant 1 : i32
    scf.for %scan3A_974 = %scan3A_727 to %scan3A_729 step %scan3A_730  : i32 {
      %mul3A_975 = arith.constant 16 : i32
      %mul3A_976 = arith.muli %scan3A_974, %mul3A_975 : i32
      %swap3A_977 = arith.constant 3 : i32
      %swap3A_978 = arith.constant 0 : i32
      %swap3A_979 = arith.index_cast %swap3A_977 : i32 to index
      %swap3A_980 = arith.index_cast %swap3A_978 : i32 to index
      %swap3A_981 = arith.index_cast %mul3A_976 : i32 to index
      %swap3A_982 = tpu.vector_load %arg7[%swap3A_979, %swap3A_980, %swap3A_981] {strides = array<i32>} : memref<4x20x1000xf32, #tpu.memory_space<vmem>>, vector<16xf32>,
      tpu.vector_store %arg7[%swap3A_979, %swap3A_980, %swap3A_981], %broadcast_in_dim3A_7 {strides = array<i32>} : memref<4x20x1000xf32, #tpu.memory_space<vmem>>, vector<16xf32>,
    }
    %scan3A_731 = arith.constant 62 : i32
    %swap3A_732 = arith.constant 3 : i32
    %swap3A_733 = arith.constant 0 : i32
    %swap3A_734 = arith.index_cast %swap3A_732 : i32 to index
    %swap3A_735 = arith.index_cast %swap3A_733 : i32 to index
    %swap3A_736 = arith.constant 984 : index
    %swap3A_737 = tpu.vector_load %arg7[%swap3A_734, %swap3A_735, %swap3A_736] {strides = array<i32>} : memref<4x20x1000xf32, #tpu.memory_space<vmem>>, vector<16xf32>,
    tpu.vector_store %arg7[%swap3A_734, %swap3A_735, %swap3A_736], %broadcast_in_dim3A_7 {strides = array<i32>} : memref<4x20x1000xf32, #tpu.memory_space<vmem>>, vector<16xf32>,
    %scan3A_738 = arith.constant 0 : i32
    %scan3A_739 = arith.constant 0 : i32
    %scan3A_740 = arith.constant 62 : i32
    %scan3A_741 = arith.addi %scan3A_739, %scan3A_740 : i32
    %scan3A_742 = arith.constant 1 : i32
    scf.for %scan3A_974 = %scan3A_739 to %scan3A_741 step %scan3A_742  : i32 {
      %mul3A_975 = arith.constant 16 : i32
      %mul3A_976 = arith.muli %scan3A_974, %mul3A_975 : i32
      %swap3A_977 = arith.constant 3 : i32
      %swap3A_978 = arith.constant 1 : i32
      %swap3A_979 = arith.index_cast %swap3A_977 : i32 to index
      %swap3A_980 = arith.index_cast %swap3A_978 : i32 to index
      %swap3A_981 = arith.index_cast %mul3A_976 : i32 to index
      %swap3A_982 = tpu.vector_load %arg7[%swap3A_979, %swap3A_980, %swap3A_981] {strides = array<i32>} : memref<4x20x1000xf32, #tpu.memory_space<vmem>>, vector<16xf32>,
      tpu.vector_store %arg7[%swap3A_979, %swap3A_980, %swap3A_981], %broadcast_in_dim3A_7 {strides = array<i32>} : memref<4x20x1000xf32, #tpu.memory_space<vmem>>, vector<16xf32>,
    }
    %scan3A_743 = arith.constant 62 : i32
    %swap3A_744 = arith.constant 3 : i32
    %swap3A_745 = arith.constant 1 : i32
    %swap3A_746 = arith.index_cast %swap3A_744 : i32 to index
    %swap3A_747 = arith.index_cast %swap3A_745 : i32 to index
    %swap3A_748 = arith.constant 984 : index
    %swap3A_749 = tpu.vector_load %arg7[%swap3A_746, %swap3A_747, %swap3A_748] {strides = array<i32>} : memref<4x20x1000xf32, #tpu.memory_space<vmem>>, vector<16xf32>,
    tpu.vector_store %arg7[%swap3A_746, %swap3A_747, %swap3A_748], %broadcast_in_dim3A_7 {strides = array<i32>} : memref<4x20x1000xf32, #tpu.memory_space<vmem>>, vector<16xf32>,
    %scan3A_750 = arith.constant 0 : i32
    %scan3A_751 = arith.constant 0 : i32
    %scan3A_752 = arith.constant 62 : i32
    %scan3A_753 = arith.addi %scan3A_751, %scan3A_752 : i32
    %scan3A_754 = arith.constant 1 : i32
    scf.for %scan3A_974 = %scan3A_751 to %scan3A_753 step %scan3A_754  : i32 {
      %mul3A_975 = arith.constant 16 : i32
      %mul3A_976 = arith.muli %scan3A_974, %mul3A_975 : i32
      %swap3A_977 = arith.constant 3 : i32
      %swap3A_978 = arith.constant 2 : i32
      %swap3A_979 = arith.index_cast %swap3A_977 : i32 to index
      %swap3A_980 = arith.index_cast %swap3A_978 : i32 to index
      %swap3A_981 = arith.index_cast %mul3A_976 : i32 to index
      %swap3A_982 = tpu.vector_load %arg7[%swap3A_979, %swap3A_980, %swap3A_981] {strides = array<i32>} : memref<4x20x1000xf32, #tpu.memory_space<vmem>>, vector<16xf32>,
      tpu.vector_store %arg7[%swap3A_979, %swap3A_980, %swap3A_981], %broadcast_in_dim3A_7 {strides = array<i32>} : memref<4x20x1000xf32, #tpu.memory_space<vmem>>, vector<16xf32>,
    }
    %scan3A_755 = arith.constant 62 : i32
    %swap3A_756 = arith.constant 3 : i32
    %swap3A_757 = arith.constant 2 : i32
    %swap3A_758 = arith.index_cast %swap3A_756 : i32 to index
    %swap3A_759 = arith.index_cast %swap3A_757 : i32 to index
    %swap3A_760 = arith.constant 984 : index
    %swap3A_761 = tpu.vector_load %arg7[%swap3A_758, %swap3A_759, %swap3A_760] {strides = array<i32>} : memref<4x20x1000xf32, #tpu.memory_space<vmem>>, vector<16xf32>,
    tpu.vector_store %arg7[%swap3A_758, %swap3A_759, %swap3A_760], %broadcast_in_dim3A_7 {strides = array<i32>} : memref<4x20x1000xf32, #tpu.memory_space<vmem>>, vector<16xf32>,
    %scan3A_762 = arith.constant 0 : i32
    %scan3A_763 = arith.constant 0 : i32
    %scan3A_764 = arith.constant 62 : i32
    %scan3A_765 = arith.addi %scan3A_763, %scan3A_764 : i32
    %scan3A_766 = arith.constant 1 : i32
    scf.for %scan3A_974 = %scan3A_763 to %scan3A_765 step %scan3A_766  : i32 {
      %mul3A_975 = arith.constant 16 : i32
      %mul3A_976 = arith.muli %scan3A_974, %mul3A_975 : i32
      %swap3A_977 = arith.constant 3 : i32
      %swap3A_978 = arith.constant 3 : i32
      %swap3A_979 = arith.index_cast %swap3A_977 : i32 to index
      %swap3A_980 = arith.index_cast %swap3A_978 : i32 to index
      %swap3A_981 = arith.index_cast %mul3A_976 : i32 to index
      %swap3A_982 = tpu.vector_load %arg7[%swap3A_979, %swap3A_980, %swap3A_981] {strides = array<i32>} : memref<4x20x1000xf32, #tpu.memory_space<vmem>>, vector<16xf32>,
      tpu.vector_store %arg7[%swap3A_979, %swap3A_980, %swap3A_981], %broadcast_in_dim3A_7 {strides = array<i32>} : memref<4x20x1000xf32, #tpu.memory_space<vmem>>, vector<16xf32>,
    }
    %scan3A_767 = arith.constant 62 : i32
    %swap3A_768 = arith.constant 3 : i32
    %swap3A_769 = arith.constant 3 : i32
    %swap3A_770 = arith.index_cast %swap3A_768 : i32 to index
    %swap3A_771 = arith.index_cast %swap3A_769 : i32 to index
    %swap3A_772 = arith.constant 984 : index
    %swap3A_773 = tpu.vector_load %arg7[%swap3A_770, %swap3A_771, %swap3A_772] {strides = array<i32>} : memref<4x20x1000xf32, #tpu.memory_space<vmem>>, vector<16xf32>,
    tpu.vector_store %arg7[%swap3A_770, %swap3A_771, %swap3A_772], %broadcast_in_dim3A_7 {strides = array<i32>} : memref<4x20x1000xf32, #tpu.memory_space<vmem>>, vector<16xf32>,
    %scan3A_774 = arith.constant 0 : i32
    %scan3A_775 = arith.constant 0 : i32
    %scan3A_776 = arith.constant 62 : i32
    %scan3A_777 = arith.addi %scan3A_775, %scan3A_776 : i32
    %scan3A_778 = arith.constant 1 : i32
    scf.for %scan3A_974 = %scan3A_775 to %scan3A_777 step %scan3A_778  : i32 {
      %mul3A_975 = arith.constant 16 : i32
      %mul3A_976 = arith.muli %scan3A_974, %mul3A_975 : i32
      %swap3A_977 = arith.constant 3 : i32
      %swap3A_978 = arith.constant 4 : i32
      %swap3A_979 = arith.index_cast %swap3A_977 : i32 to index
      %swap3A_980 = arith.index_cast %swap3A_978 : i32 to index
      %swap3A_981 = arith.index_cast %mul3A_976 : i32 to index
      %swap3A_982 = tpu.vector_load %arg7[%swap3A_979, %swap3A_980, %swap3A_981] {strides = array<i32>} : memref<4x20x1000xf32, #tpu.memory_space<vmem>>, vector<16xf32>,
      tpu.vector_store %arg7[%swap3A_979, %swap3A_980, %swap3A_981], %broadcast_in_dim3A_7 {strides = array<i32>} : memref<4x20x1000xf32, #tpu.memory_space<vmem>>, vector<16xf32>,
    }
    %scan3A_779 = arith.constant 62 : i32
    %swap3A_780 = arith.constant 3 : i32
    %swap3A_781 = arith.constant 4 : i32
    %swap3A_782 = arith.index_cast %swap3A_780 : i32 to index
    %swap3A_783 = arith.index_cast %swap3A_781 : i32 to index
    %swap3A_784 = arith.constant 984 : index
    %swap3A_785 = tpu.vector_load %arg7[%swap3A_782, %swap3A_783, %swap3A_784] {strides = array<i32>} : memref<4x20x1000xf32, #tpu.memory_space<vmem>>, vector<16xf32>,
    tpu.vector_store %arg7[%swap3A_782, %swap3A_783, %swap3A_784], %broadcast_in_dim3A_7 {strides = array<i32>} : memref<4x20x1000xf32, #tpu.memory_space<vmem>>, vector<16xf32>,
    %scan3A_786 = arith.constant 0 : i32
    %scan3A_787 = arith.constant 0 : i32
    %scan3A_788 = arith.constant 62 : i32
    %scan3A_789 = arith.addi %scan3A_787, %scan3A_788 : i32
    %scan3A_790 = arith.constant 1 : i32
    scf.for %scan3A_974 = %scan3A_787 to %scan3A_789 step %scan3A_790  : i32 {
      %mul3A_975 = arith.constant 16 : i32
      %mul3A_976 = arith.muli %scan3A_974, %mul3A_975 : i32
      %swap3A_977 = arith.constant 3 : i32
      %swap3A_978 = arith.constant 5 : i32
      %swap3A_979 = arith.index_cast %swap3A_977 : i32 to index
      %swap3A_980 = arith.index_cast %swap3A_978 : i32 to index
      %swap3A_981 = arith.index_cast %mul3A_976 : i32 to index
      %swap3A_982 = tpu.vector_load %arg7[%swap3A_979, %swap3A_980, %swap3A_981] {strides = array<i32>} : memref<4x20x1000xf32, #tpu.memory_space<vmem>>, vector<16xf32>,
      tpu.vector_store %arg7[%swap3A_979, %swap3A_980, %swap3A_981], %broadcast_in_dim3A_7 {strides = array<i32>} : memref<4x20x1000xf32, #tpu.memory_space<vmem>>, vector<16xf32>,
    }
    %scan3A_791 = arith.constant 62 : i32
    %swap3A_792 = arith.constant 3 : i32
    %swap3A_793 = arith.constant 5 : i32
    %swap3A_794 = arith.index_cast %swap3A_792 : i32 to index
    %swap3A_795 = arith.index_cast %swap3A_793 : i32 to index
    %swap3A_796 = arith.constant 984 : index
    %swap3A_797 = tpu.vector_load %arg7[%swap3A_794, %swap3A_795, %swap3A_796] {strides = array<i32>} : memref<4x20x1000xf32, #tpu.memory_space<vmem>>, vector<16xf32>,
    tpu.vector_store %arg7[%swap3A_794, %swap3A_795, %swap3A_796], %broadcast_in_dim3A_7 {strides = array<i32>} : memref<4x20x1000xf32, #tpu.memory_space<vmem>>, vector<16xf32>,
    %scan3A_798 = arith.constant 0 : i32
    %scan3A_799 = arith.constant 0 : i32
    %scan3A_800 = arith.constant 62 : i32
    %scan3A_801 = arith.addi %scan3A_799, %scan3A_800 : i32
    %scan3A_802 = arith.constant 1 : i32
    scf.for %scan3A_974 = %scan3A_799 to %scan3A_801 step %scan3A_802  : i32 {
      %mul3A_975 = arith.constant 16 : i32
      %mul3A_976 = arith.muli %scan3A_974, %mul3A_975 : i32
      %swap3A_977 = arith.constant 3 : i32
      %swap3A_978 = arith.constant 6 : i32
      %swap3A_979 = arith.index_cast %swap3A_977 : i32 to index
      %swap3A_980 = arith.index_cast %swap3A_978 : i32 to index
      %swap3A_981 = arith.index_cast %mul3A_976 : i32 to index
      %swap3A_982 = tpu.vector_load %arg7[%swap3A_979, %swap3A_980, %swap3A_981] {strides = array<i32>} : memref<4x20x1000xf32, #tpu.memory_space<vmem>>, vector<16xf32>,
      tpu.vector_store %arg7[%swap3A_979, %swap3A_980, %swap3A_981], %broadcast_in_dim3A_7 {strides = array<i32>} : memref<4x20x1000xf32, #tpu.memory_space<vmem>>, vector<16xf32>,
    }
    %scan3A_803 = arith.constant 62 : i32
    %swap3A_804 = arith.constant 3 : i32
    %swap3A_805 = arith.constant 6 : i32
    %swap3A_806 = arith.index_cast %swap3A_804 : i32 to index
    %swap3A_807 = arith.index_cast %swap3A_805 : i32 to index
    %swap3A_808 = arith.constant 984 : index
    %swap3A_809 = tpu.vector_load %arg7[%swap3A_806, %swap3A_807, %swap3A_808] {strides = array<i32>} : memref<4x20x1000xf32, #tpu.memory_space<vmem>>, vector<16xf32>,
    tpu.vector_store %arg7[%swap3A_806, %swap3A_807, %swap3A_808], %broadcast_in_dim3A_7 {strides = array<i32>} : memref<4x20x1000xf32, #tpu.memory_space<vmem>>, vector<16xf32>,
    %scan3A_810 = arith.constant 0 : i32
    %scan3A_811 = arith.constant 0 : i32
    %scan3A_812 = arith.constant 62 : i32
    %scan3A_813 = arith.addi %scan3A_811, %scan3A_812 : i32
    %scan3A_814 = arith.constant 1 : i32
    scf.for %scan3A_974 = %scan3A_811 to %scan3A_813 step %scan3A_814  : i32 {
      %mul3A_975 = arith.constant 16 : i32
      %mul3A_976 = arith.muli %scan3A_974, %mul3A_975 : i32
      %swap3A_977 = arith.constant 3 : i32
      %swap3A_978 = arith.constant 7 : i32
      %swap3A_979 = arith.index_cast %swap3A_977 : i32 to index
      %swap3A_980 = arith.index_cast %swap3A_978 : i32 to index
      %swap3A_981 = arith.index_cast %mul3A_976 : i32 to index
      %swap3A_982 = tpu.vector_load %arg7[%swap3A_979, %swap3A_980, %swap3A_981] {strides = array<i32>} : memref<4x20x1000xf32, #tpu.memory_space<vmem>>, vector<16xf32>,
      tpu.vector_store %arg7[%swap3A_979, %swap3A_980, %swap3A_981], %broadcast_in_dim3A_7 {strides = array<i32>} : memref<4x20x1000xf32, #tpu.memory_space<vmem>>, vector<16xf32>,
    }
    %scan3A_815 = arith.constant 62 : i32
    %swap3A_816 = arith.constant 3 : i32
    %swap3A_817 = arith.constant 7 : i32
    %swap3A_818 = arith.index_cast %swap3A_816 : i32 to index
    %swap3A_819 = arith.index_cast %swap3A_817 : i32 to index
    %swap3A_820 = arith.constant 984 : index
    %swap3A_821 = tpu.vector_load %arg7[%swap3A_818, %swap3A_819, %swap3A_820] {strides = array<i32>} : memref<4x20x1000xf32, #tpu.memory_space<vmem>>, vector<16xf32>,
    tpu.vector_store %arg7[%swap3A_818, %swap3A_819, %swap3A_820], %broadcast_in_dim3A_7 {strides = array<i32>} : memref<4x20x1000xf32, #tpu.memory_space<vmem>>, vector<16xf32>,
    %scan3A_822 = arith.constant 0 : i32
    %scan3A_823 = arith.constant 0 : i32
    %scan3A_824 = arith.constant 62 : i32
    %scan3A_825 = arith.addi %scan3A_823, %scan3A_824 : i32
    %scan3A_826 = arith.constant 1 : i32
    scf.for %scan3A_974 = %scan3A_823 to %scan3A_825 step %scan3A_826  : i32 {
      %mul3A_975 = arith.constant 16 : i32
      %mul3A_976 = arith.muli %scan3A_974, %mul3A_975 : i32
      %swap3A_977 = arith.constant 3 : i32
      %swap3A_978 = arith.constant 8 : i32
      %swap3A_979 = arith.index_cast %swap3A_977 : i32 to index
      %swap3A_980 = arith.index_cast %swap3A_978 : i32 to index
      %swap3A_981 = arith.index_cast %mul3A_976 : i32 to index
      %swap3A_982 = tpu.vector_load %arg7[%swap3A_979, %swap3A_980, %swap3A_981] {strides = array<i32>} : memref<4x20x1000xf32, #tpu.memory_space<vmem>>, vector<16xf32>,
      tpu.vector_store %arg7[%swap3A_979, %swap3A_980, %swap3A_981], %broadcast_in_dim3A_7 {strides = array<i32>} : memref<4x20x1000xf32, #tpu.memory_space<vmem>>, vector<16xf32>,
    }
    %scan3A_827 = arith.constant 62 : i32
    %swap3A_828 = arith.constant 3 : i32
    %swap3A_829 = arith.constant 8 : i32
    %swap3A_830 = arith.index_cast %swap3A_828 : i32 to index
    %swap3A_831 = arith.index_cast %swap3A_829 : i32 to index
    %swap3A_832 = arith.constant 984 : index
    %swap3A_833 = tpu.vector_load %arg7[%swap3A_830, %swap3A_831, %swap3A_832] {strides = array<i32>} : memref<4x20x1000xf32, #tpu.memory_space<vmem>>, vector<16xf32>,
    tpu.vector_store %arg7[%swap3A_830, %swap3A_831, %swap3A_832], %broadcast_in_dim3A_7 {strides = array<i32>} : memref<4x20x1000xf32, #tpu.memory_space<vmem>>, vector<16xf32>,
    %scan3A_834 = arith.constant 0 : i32
    %scan3A_835 = arith.constant 0 : i32
    %scan3A_836 = arith.constant 62 : i32
    %scan3A_837 = arith.addi %scan3A_835, %scan3A_836 : i32
    %scan3A_838 = arith.constant 1 : i32
    scf.for %scan3A_974 = %scan3A_835 to %scan3A_837 step %scan3A_838  : i32 {
      %mul3A_975 = arith.constant 16 : i32
      %mul3A_976 = arith.muli %scan3A_974, %mul3A_975 : i32
      %swap3A_977 = arith.constant 3 : i32
      %swap3A_978 = arith.constant 9 : i32
      %swap3A_979 = arith.index_cast %swap3A_977 : i32 to index
      %swap3A_980 = arith.index_cast %swap3A_978 : i32 to index
      %swap3A_981 = arith.index_cast %mul3A_976 : i32 to index
      %swap3A_982 = tpu.vector_load %arg7[%swap3A_979, %swap3A_980, %swap3A_981] {strides = array<i32>} : memref<4x20x1000xf32, #tpu.memory_space<vmem>>, vector<16xf32>,
      tpu.vector_store %arg7[%swap3A_979, %swap3A_980, %swap3A_981], %broadcast_in_dim3A_7 {strides = array<i32>} : memref<4x20x1000xf32, #tpu.memory_space<vmem>>, vector<16xf32>,
    }
    %scan3A_839 = arith.constant 62 : i32
    %swap3A_840 = arith.constant 3 : i32
    %swap3A_841 = arith.constant 9 : i32
    %swap3A_842 = arith.index_cast %swap3A_840 : i32 to index
    %swap3A_843 = arith.index_cast %swap3A_841 : i32 to index
    %swap3A_844 = arith.constant 984 : index
    %swap3A_845 = tpu.vector_load %arg7[%swap3A_842, %swap3A_843, %swap3A_844] {strides = array<i32>} : memref<4x20x1000xf32, #tpu.memory_space<vmem>>, vector<16xf32>,
    tpu.vector_store %arg7[%swap3A_842, %swap3A_843, %swap3A_844], %broadcast_in_dim3A_7 {strides = array<i32>} : memref<4x20x1000xf32, #tpu.memory_space<vmem>>, vector<16xf32>,
    %scan3A_846 = arith.constant 0 : i32
    %scan3A_847 = arith.constant 0 : i32
    %scan3A_848 = arith.constant 62 : i32
    %scan3A_849 = arith.addi %scan3A_847, %scan3A_848 : i32
    %scan3A_850 = arith.constant 1 : i32
    scf.for %scan3A_974 = %scan3A_847 to %scan3A_849 step %scan3A_850  : i32 {
      %mul3A_975 = arith.constant 16 : i32
      %mul3A_976 = arith.muli %scan3A_974, %mul3A_975 : i32
      %swap3A_977 = arith.constant 3 : i32
      %swap3A_978 = arith.constant 10 : i32
      %swap3A_979 = arith.index_cast %swap3A_977 : i32 to index
      %swap3A_980 = arith.index_cast %swap3A_978 : i32 to index
      %swap3A_981 = arith.index_cast %mul3A_976 : i32 to index
      %swap3A_982 = tpu.vector_load %arg7[%swap3A_979, %swap3A_980, %swap3A_981] {strides = array<i32>} : memref<4x20x1000xf32, #tpu.memory_space<vmem>>, vector<16xf32>,
      tpu.vector_store %arg7[%swap3A_979, %swap3A_980, %swap3A_981], %broadcast_in_dim3A_7 {strides = array<i32>} : memref<4x20x1000xf32, #tpu.memory_space<vmem>>, vector<16xf32>,
    }
    %scan3A_851 = arith.constant 62 : i32
    %swap3A_852 = arith.constant 3 : i32
    %swap3A_853 = arith.constant 10 : i32
    %swap3A_854 = arith.index_cast %swap3A_852 : i32 to index
    %swap3A_855 = arith.index_cast %swap3A_853 : i32 to index
    %swap3A_856 = arith.constant 984 : index
    %swap3A_857 = tpu.vector_load %arg7[%swap3A_854, %swap3A_855, %swap3A_856] {strides = array<i32>} : memref<4x20x1000xf32, #tpu.memory_space<vmem>>, vector<16xf32>,
    tpu.vector_store %arg7[%swap3A_854, %swap3A_855, %swap3A_856], %broadcast_in_dim3A_7 {strides = array<i32>} : memref<4x20x1000xf32, #tpu.memory_space<vmem>>, vector<16xf32>,
    %scan3A_858 = arith.constant 0 : i32
    %scan3A_859 = arith.constant 0 : i32
    %scan3A_860 = arith.constant 62 : i32
    %scan3A_861 = arith.addi %scan3A_859, %scan3A_860 : i32
    %scan3A_862 = arith.constant 1 : i32
    scf.for %scan3A_974 = %scan3A_859 to %scan3A_861 step %scan3A_862  : i32 {
      %mul3A_975 = arith.constant 16 : i32
      %mul3A_976 = arith.muli %scan3A_974, %mul3A_975 : i32
      %swap3A_977 = arith.constant 3 : i32
      %swap3A_978 = arith.constant 11 : i32
      %swap3A_979 = arith.index_cast %swap3A_977 : i32 to index
      %swap3A_980 = arith.index_cast %swap3A_978 : i32 to index
      %swap3A_981 = arith.index_cast %mul3A_976 : i32 to index
      %swap3A_982 = tpu.vector_load %arg7[%swap3A_979, %swap3A_980, %swap3A_981] {strides = array<i32>} : memref<4x20x1000xf32, #tpu.memory_space<vmem>>, vector<16xf32>,
      tpu.vector_store %arg7[%swap3A_979, %swap3A_980, %swap3A_981], %broadcast_in_dim3A_7 {strides = array<i32>} : memref<4x20x1000xf32, #tpu.memory_space<vmem>>, vector<16xf32>,
    }
    %scan3A_863 = arith.constant 62 : i32
    %swap3A_864 = arith.constant 3 : i32
    %swap3A_865 = arith.constant 11 : i32
    %swap3A_866 = arith.index_cast %swap3A_864 : i32 to index
    %swap3A_867 = arith.index_cast %swap3A_865 : i32 to index
    %swap3A_868 = arith.constant 984 : index
    %swap3A_869 = tpu.vector_load %arg7[%swap3A_866, %swap3A_867, %swap3A_868] {strides = array<i32>} : memref<4x20x1000xf32, #tpu.memory_space<vmem>>, vector<16xf32>,
    tpu.vector_store %arg7[%swap3A_866, %swap3A_867, %swap3A_868], %broadcast_in_dim3A_7 {strides = array<i32>} : memref<4x20x1000xf32, #tpu.memory_space<vmem>>, vector<16xf32>,
    %scan3A_870 = arith.constant 0 : i32
    %scan3A_871 = arith.constant 0 : i32
    %scan3A_872 = arith.constant 62 : i32
    %scan3A_873 = arith.addi %scan3A_871, %scan3A_872 : i32
    %scan3A_874 = arith.constant 1 : i32
    scf.for %scan3A_974 = %scan3A_871 to %scan3A_873 step %scan3A_874  : i32 {
      %mul3A_975 = arith.constant 16 : i32
      %mul3A_976 = arith.muli %scan3A_974, %mul3A_975 : i32
      %swap3A_977 = arith.constant 3 : i32
      %swap3A_978 = arith.constant 12 : i32
      %swap3A_979 = arith.index_cast %swap3A_977 : i32 to index
      %swap3A_980 = arith.index_cast %swap3A_978 : i32 to index
      %swap3A_981 = arith.index_cast %mul3A_976 : i32 to index
      %swap3A_982 = tpu.vector_load %arg7[%swap3A_979, %swap3A_980, %swap3A_981] {strides = array<i32>} : memref<4x20x1000xf32, #tpu.memory_space<vmem>>, vector<16xf32>,
      tpu.vector_store %arg7[%swap3A_979, %swap3A_980, %swap3A_981], %broadcast_in_dim3A_7 {strides = array<i32>} : memref<4x20x1000xf32, #tpu.memory_space<vmem>>, vector<16xf32>,
    }
    %scan3A_875 = arith.constant 62 : i32
    %swap3A_876 = arith.constant 3 : i32
    %swap3A_877 = arith.constant 12 : i32
    %swap3A_878 = arith.index_cast %swap3A_876 : i32 to index
    %swap3A_879 = arith.index_cast %swap3A_877 : i32 to index
    %swap3A_880 = arith.constant 984 : index
    %swap3A_881 = tpu.vector_load %arg7[%swap3A_878, %swap3A_879, %swap3A_880] {strides = array<i32>} : memref<4x20x1000xf32, #tpu.memory_space<vmem>>, vector<16xf32>,
    tpu.vector_store %arg7[%swap3A_878, %swap3A_879, %swap3A_880], %broadcast_in_dim3A_7 {strides = array<i32>} : memref<4x20x1000xf32, #tpu.memory_space<vmem>>, vector<16xf32>,
    %scan3A_882 = arith.constant 0 : i32
    %scan3A_883 = arith.constant 0 : i32
    %scan3A_884 = arith.constant 62 : i32
    %scan3A_885 = arith.addi %scan3A_883, %scan3A_884 : i32
    %scan3A_886 = arith.constant 1 : i32
    scf.for %scan3A_974 = %scan3A_883 to %scan3A_885 step %scan3A_886  : i32 {
      %mul3A_975 = arith.constant 16 : i32
      %mul3A_976 = arith.muli %scan3A_974, %mul3A_975 : i32
      %swap3A_977 = arith.constant 3 : i32
      %swap3A_978 = arith.constant 13 : i32
      %swap3A_979 = arith.index_cast %swap3A_977 : i32 to index
      %swap3A_980 = arith.index_cast %swap3A_978 : i32 to index
      %swap3A_981 = arith.index_cast %mul3A_976 : i32 to index
      %swap3A_982 = tpu.vector_load %arg7[%swap3A_979, %swap3A_980, %swap3A_981] {strides = array<i32>} : memref<4x20x1000xf32, #tpu.memory_space<vmem>>, vector<16xf32>,
      tpu.vector_store %arg7[%swap3A_979, %swap3A_980, %swap3A_981], %broadcast_in_dim3A_7 {strides = array<i32>} : memref<4x20x1000xf32, #tpu.memory_space<vmem>>, vector<16xf32>,
    }
    %scan3A_887 = arith.constant 62 : i32
    %swap3A_888 = arith.constant 3 : i32
    %swap3A_889 = arith.constant 13 : i32
    %swap3A_890 = arith.index_cast %swap3A_888 : i32 to index
    %swap3A_891 = arith.index_cast %swap3A_889 : i32 to index
    %swap3A_892 = arith.constant 984 : index
    %swap3A_893 = tpu.vector_load %arg7[%swap3A_890, %swap3A_891, %swap3A_892] {strides = array<i32>} : memref<4x20x1000xf32, #tpu.memory_space<vmem>>, vector<16xf32>,
    tpu.vector_store %arg7[%swap3A_890, %swap3A_891, %swap3A_892], %broadcast_in_dim3A_7 {strides = array<i32>} : memref<4x20x1000xf32, #tpu.memory_space<vmem>>, vector<16xf32>,
    %scan3A_894 = arith.constant 0 : i32
    %scan3A_895 = arith.constant 0 : i32
    %scan3A_896 = arith.constant 62 : i32
    %scan3A_897 = arith.addi %scan3A_895, %scan3A_896 : i32
    %scan3A_898 = arith.constant 1 : i32
    scf.for %scan3A_974 = %scan3A_895 to %scan3A_897 step %scan3A_898  : i32 {
      %mul3A_975 = arith.constant 16 : i32
      %mul3A_976 = arith.muli %scan3A_974, %mul3A_975 : i32
      %swap3A_977 = arith.constant 3 : i32
      %swap3A_978 = arith.constant 14 : i32
      %swap3A_979 = arith.index_cast %swap3A_977 : i32 to index
      %swap3A_980 = arith.index_cast %swap3A_978 : i32 to index
      %swap3A_981 = arith.index_cast %mul3A_976 : i32 to index
      %swap3A_982 = tpu.vector_load %arg7[%swap3A_979, %swap3A_980, %swap3A_981] {strides = array<i32>} : memref<4x20x1000xf32, #tpu.memory_space<vmem>>, vector<16xf32>,
      tpu.vector_store %arg7[%swap3A_979, %swap3A_980, %swap3A_981], %broadcast_in_dim3A_7 {strides = array<i32>} : memref<4x20x1000xf32, #tpu.memory_space<vmem>>, vector<16xf32>,
    }
    %scan3A_899 = arith.constant 62 : i32
    %swap3A_900 = arith.constant 3 : i32
    %swap3A_901 = arith.constant 14 : i32
    %swap3A_902 = arith.index_cast %swap3A_900 : i32 to index
    %swap3A_903 = arith.index_cast %swap3A_901 : i32 to index
    %swap3A_904 = arith.constant 984 : index
    %swap3A_905 = tpu.vector_load %arg7[%swap3A_902, %swap3A_903, %swap3A_904] {strides = array<i32>} : memref<4x20x1000xf32, #tpu.memory_space<vmem>>, vector<16xf32>,
    tpu.vector_store %arg7[%swap3A_902, %swap3A_903, %swap3A_904], %broadcast_in_dim3A_7 {strides = array<i32>} : memref<4x20x1000xf32, #tpu.memory_space<vmem>>, vector<16xf32>,
    %scan3A_906 = arith.constant 0 : i32
    %scan3A_907 = arith.constant 0 : i32
    %scan3A_908 = arith.constant 62 : i32
    %scan3A_909 = arith.addi %scan3A_907, %scan3A_908 : i32
    %scan3A_910 = arith.constant 1 : i32
    scf.for %scan3A_974 = %scan3A_907 to %scan3A_909 step %scan3A_910  : i32 {
      %mul3A_975 = arith.constant 16 : i32
      %mul3A_976 = arith.muli %scan3A_974, %mul3A_975 : i32
      %swap3A_977 = arith.constant 3 : i32
      %swap3A_978 = arith.constant 15 : i32
      %swap3A_979 = arith.index_cast %swap3A_977 : i32 to index
      %swap3A_980 = arith.index_cast %swap3A_978 : i32 to index
      %swap3A_981 = arith.index_cast %mul3A_976 : i32 to index
      %swap3A_982 = tpu.vector_load %arg7[%swap3A_979, %swap3A_980, %swap3A_981] {strides = array<i32>} : memref<4x20x1000xf32, #tpu.memory_space<vmem>>, vector<16xf32>,
      tpu.vector_store %arg7[%swap3A_979, %swap3A_980, %swap3A_981], %broadcast_in_dim3A_7 {strides = array<i32>} : memref<4x20x1000xf32, #tpu.memory_space<vmem>>, vector<16xf32>,
    }
    %scan3A_911 = arith.constant 62 : i32
    %swap3A_912 = arith.constant 3 : i32
    %swap3A_913 = arith.constant 15 : i32
    %swap3A_914 = arith.index_cast %swap3A_912 : i32 to index
    %swap3A_915 = arith.index_cast %swap3A_913 : i32 to index
    %swap3A_916 = arith.constant 984 : index
    %swap3A_917 = tpu.vector_load %arg7[%swap3A_914, %swap3A_915, %swap3A_916] {strides = array<i32>} : memref<4x20x1000xf32, #tpu.memory_space<vmem>>, vector<16xf32>,
    tpu.vector_store %arg7[%swap3A_914, %swap3A_915, %swap3A_916], %broadcast_in_dim3A_7 {strides = array<i32>} : memref<4x20x1000xf32, #tpu.memory_space<vmem>>, vector<16xf32>,
    %scan3A_918 = arith.constant 0 : i32
    %scan3A_919 = arith.constant 0 : i32
    %scan3A_920 = arith.constant 62 : i32
    %scan3A_921 = arith.addi %scan3A_919, %scan3A_920 : i32
    %scan3A_922 = arith.constant 1 : i32
    scf.for %scan3A_974 = %scan3A_919 to %scan3A_921 step %scan3A_922  : i32 {
      %mul3A_975 = arith.constant 16 : i32
      %mul3A_976 = arith.muli %scan3A_974, %mul3A_975 : i32
      %swap3A_977 = arith.constant 3 : i32
      %swap3A_978 = arith.constant 16 : i32
      %swap3A_979 = arith.index_cast %swap3A_977 : i32 to index
      %swap3A_980 = arith.index_cast %swap3A_978 : i32 to index
      %swap3A_981 = arith.index_cast %mul3A_976 : i32 to index
      %swap3A_982 = tpu.vector_load %arg7[%swap3A_979, %swap3A_980, %swap3A_981] {strides = array<i32>} : memref<4x20x1000xf32, #tpu.memory_space<vmem>>, vector<16xf32>,
      tpu.vector_store %arg7[%swap3A_979, %swap3A_980, %swap3A_981], %broadcast_in_dim3A_7 {strides = array<i32>} : memref<4x20x1000xf32, #tpu.memory_space<vmem>>, vector<16xf32>,
    }
    %scan3A_923 = arith.constant 62 : i32
    %swap3A_924 = arith.constant 3 : i32
    %swap3A_925 = arith.constant 16 : i32
    %swap3A_926 = arith.index_cast %swap3A_924 : i32 to index
    %swap3A_927 = arith.index_cast %swap3A_925 : i32 to index
    %swap3A_928 = arith.constant 984 : index
    %swap3A_929 = tpu.vector_load %arg7[%swap3A_926, %swap3A_927, %swap3A_928] {strides = array<i32>} : memref<4x20x1000xf32, #tpu.memory_space<vmem>>, vector<16xf32>,
    tpu.vector_store %arg7[%swap3A_926, %swap3A_927, %swap3A_928], %broadcast_in_dim3A_7 {strides = array<i32>} : memref<4x20x1000xf32, #tpu.memory_space<vmem>>, vector<16xf32>,
    %scan3A_930 = arith.constant 0 : i32
    %scan3A_931 = arith.constant 0 : i32
    %scan3A_932 = arith.constant 62 : i32
    %scan3A_933 = arith.addi %scan3A_931, %scan3A_932 : i32
    %scan3A_934 = arith.constant 1 : i32
    scf.for %scan3A_974 = %scan3A_931 to %scan3A_933 step %scan3A_934  : i32 {
      %mul3A_975 = arith.constant 16 : i32
      %mul3A_976 = arith.muli %scan3A_974, %mul3A_975 : i32
      %swap3A_977 = arith.constant 3 : i32
      %swap3A_978 = arith.constant 17 : i32
      %swap3A_979 = arith.index_cast %swap3A_977 : i32 to index
      %swap3A_980 = arith.index_cast %swap3A_978 : i32 to index
      %swap3A_981 = arith.index_cast %mul3A_976 : i32 to index
      %swap3A_982 = tpu.vector_load %arg7[%swap3A_979, %swap3A_980, %swap3A_981] {strides = array<i32>} : memref<4x20x1000xf32, #tpu.memory_space<vmem>>, vector<16xf32>,
      tpu.vector_store %arg7[%swap3A_979, %swap3A_980, %swap3A_981], %broadcast_in_dim3A_7 {strides = array<i32>} : memref<4x20x1000xf32, #tpu.memory_space<vmem>>, vector<16xf32>,
    }
    %scan3A_935 = arith.constant 62 : i32
    %swap3A_936 = arith.constant 3 : i32
    %swap3A_937 = arith.constant 17 : i32
    %swap3A_938 = arith.index_cast %swap3A_936 : i32 to index
    %swap3A_939 = arith.index_cast %swap3A_937 : i32 to index
    %swap3A_940 = arith.constant 984 : index
    %swap3A_941 = tpu.vector_load %arg7[%swap3A_938, %swap3A_939, %swap3A_940] {strides = array<i32>} : memref<4x20x1000xf32, #tpu.memory_space<vmem>>, vector<16xf32>,
    tpu.vector_store %arg7[%swap3A_938, %swap3A_939, %swap3A_940], %broadcast_in_dim3A_7 {strides = array<i32>} : memref<4x20x1000xf32, #tpu.memory_space<vmem>>, vector<16xf32>,
    %scan3A_942 = arith.constant 0 : i32
    %scan3A_943 = arith.constant 0 : i32
    %scan3A_944 = arith.constant 62 : i32
    %scan3A_945 = arith.addi %scan3A_943, %scan3A_944 : i32
    %scan3A_946 = arith.constant 1 : i32
    scf.for %scan3A_974 = %scan3A_943 to %scan3A_945 step %scan3A_946  : i32 {
      %mul3A_975 = arith.constant 16 : i32
      %mul3A_976 = arith.muli %scan3A_974, %mul3A_975 : i32
      %swap3A_977 = arith.constant 3 : i32
      %swap3A_978 = arith.constant 18 : i32
      %swap3A_979 = arith.index_cast %swap3A_977 : i32 to index
      %swap3A_980 = arith.index_cast %swap3A_978 : i32 to index
      %swap3A_981 = arith.index_cast %mul3A_976 : i32 to index
      %swap3A_982 = tpu.vector_load %arg7[%swap3A_979, %swap3A_980, %swap3A_981] {strides = array<i32>} : memref<4x20x1000xf32, #tpu.memory_space<vmem>>, vector<16xf32>,
      tpu.vector_store %arg7[%swap3A_979, %swap3A_980, %swap3A_981], %broadcast_in_dim3A_7 {strides = array<i32>} : memref<4x20x1000xf32, #tpu.memory_space<vmem>>, vector<16xf32>,
    }
    %scan3A_947 = arith.constant 62 : i32
    %swap3A_948 = arith.constant 3 : i32
    %swap3A_949 = arith.constant 18 : i32
    %swap3A_950 = arith.index_cast %swap3A_948 : i32 to index
    %swap3A_951 = arith.index_cast %swap3A_949 : i32 to index
    %swap3A_952 = arith.constant 984 : index
    %swap3A_953 = tpu.vector_load %arg7[%swap3A_950, %swap3A_951, %swap3A_952] {strides = array<i32>} : memref<4x20x1000xf32, #tpu.memory_space<vmem>>, vector<16xf32>,
    tpu.vector_store %arg7[%swap3A_950, %swap3A_951, %swap3A_952], %broadcast_in_dim3A_7 {strides = array<i32>} : memref<4x20x1000xf32, #tpu.memory_space<vmem>>, vector<16xf32>,
    %scan3A_954 = arith.constant 0 : i32
    %scan3A_955 = arith.constant 0 : i32
    %scan3A_956 = arith.constant 62 : i32
    %scan3A_957 = arith.addi %scan3A_955, %scan3A_956 : i32
    %scan3A_958 = arith.constant 1 : i32
    scf.for %scan3A_974 = %scan3A_955 to %scan3A_957 step %scan3A_958  : i32 {
      %mul3A_975 = arith.constant 16 : i32
      %mul3A_976 = arith.muli %scan3A_974, %mul3A_975 : i32
      %swap3A_977 = arith.constant 3 : i32
      %swap3A_978 = arith.constant 19 : i32
      %swap3A_979 = arith.index_cast %swap3A_977 : i32 to index
      %swap3A_980 = arith.index_cast %swap3A_978 : i32 to index
      %swap3A_981 = arith.index_cast %mul3A_976 : i32 to index
      %swap3A_982 = tpu.vector_load %arg7[%swap3A_979, %swap3A_980, %swap3A_981] {strides = array<i32>} : memref<4x20x1000xf32, #tpu.memory_space<vmem>>, vector<16xf32>,
      tpu.vector_store %arg7[%swap3A_979, %swap3A_980, %swap3A_981], %broadcast_in_dim3A_7 {strides = array<i32>} : memref<4x20x1000xf32, #tpu.memory_space<vmem>>, vector<16xf32>,
    }
    %scan3A_959 = arith.constant 62 : i32
    %swap3A_960 = arith.constant 3 : i32
    %swap3A_961 = arith.constant 19 : i32
    %swap3A_962 = arith.index_cast %swap3A_960 : i32 to index
    %swap3A_963 = arith.index_cast %swap3A_961 : i32 to index
    %swap3A_964 = arith.constant 984 : index
    %swap3A_965 = tpu.vector_load %arg7[%swap3A_962, %swap3A_963, %swap3A_964] {strides = array<i32>} : memref<4x20x1000xf32, #tpu.memory_space<vmem>>, vector<16xf32>,
    tpu.vector_store %arg7[%swap3A_962, %swap3A_963, %swap3A_964], %broadcast_in_dim3A_7 {strides = array<i32>} : memref<4x20x1000xf32, #tpu.memory_space<vmem>>, vector<16xf32>,
    %broadcast_in_dim3A_966 = arith.constant 1.000000e+00 : f32
    %broadcast_in_dim3A_967 = vector.broadcast %broadcast_in_dim3A_966 : f32 to vector<16xf32>
    %scan3A_968 = arith.constant 0 : i32
    %scan3A_969 = arith.constant 0 : i32
    %scan3A_970 = arith.constant 32 : i32
    %scan3A_971 = arith.addi %scan3A_969, %scan3A_970 : i32
    %scan3A_972 = arith.constant 1 : i32
    scf.for %scan3A_974 = %scan3A_969 to %scan3A_971 step %scan3A_972  : i32 {
      %get3A = arith.constant 0 : index
      %get3A_975 = tpu.vector_load %arg6[%get3A] {strides = array<i32>} : memref<160xi32, #tpu.memory_space<vmem>>, vector<16xi32>,
      %get3A_976 = arith.constant 80 : index
      %get3A_977 = tpu.vector_load %arg6[%get3A_976] {strides = array<i32>} : memref<160xi32, #tpu.memory_space<vmem>>, vector<16xi32>,
      %mul3A_978 = arith.constant 80 : i32
      %mul3A_979 = arith.muli %scan3A_974, %mul3A_978 : i32
      %add3A_980 = arith.constant 0 : i32
      %add3A_981 = arith.addi %mul3A_979, %add3A_980 : i32
      %get3A_982 = arith.index_cast %add3A_981 : i32 to index
      %get3A_983 = tpu.vector_load %arg5[%get3A_982] {strides = array<i32>} : memref<2560xi32, #tpu.memory_space<vmem>>, vector<16xi32>,
      tpu.vector_store_idx %arg7[%get3A_975, %get3A_977, %get3A_983], %broadcast_in_dim3A_967 : memref<4x20x1000xf32, #tpu.memory_space<vmem>>[vector<16xi32>, vector<16xi32>, vector<16xi32>], vector<16xf32>,
      %get3A_984 = arith.constant 16 : index
      %get3A_985 = tpu.vector_load %arg6[%get3A_984] {strides = array<i32>} : memref<160xi32, #tpu.memory_space<vmem>>, vector<16xi32>,
      %get3A_986 = arith.constant 96 : index
      %get3A_987 = tpu.vector_load %arg6[%get3A_986] {strides = array<i32>} : memref<160xi32, #tpu.memory_space<vmem>>, vector<16xi32>,
      %mul3A_988 = arith.constant 80 : i32
      %mul3A_989 = arith.muli %scan3A_974, %mul3A_988 : i32
      %add3A_990 = arith.constant 16 : i32
      %add3A_991 = arith.addi %mul3A_989, %add3A_990 : i32
      %get3A_992 = arith.index_cast %add3A_991 : i32 to index
      %get3A_993 = tpu.vector_load %arg5[%get3A_992] {strides = array<i32>} : memref<2560xi32, #tpu.memory_space<vmem>>, vector<16xi32>,
      tpu.vector_store_idx %arg7[%get3A_985, %get3A_987, %get3A_993], %broadcast_in_dim3A_967 : memref<4x20x1000xf32, #tpu.memory_space<vmem>>[vector<16xi32>, vector<16xi32>, vector<16xi32>], vector<16xf32>,
      %get3A_994 = arith.constant 32 : index
      %get3A_995 = tpu.vector_load %arg6[%get3A_994] {strides = array<i32>} : memref<160xi32, #tpu.memory_space<vmem>>, vector<16xi32>,
      %get3A_996 = arith.constant 112 : index
      %get3A_997 = tpu.vector_load %arg6[%get3A_996] {strides = array<i32>} : memref<160xi32, #tpu.memory_space<vmem>>, vector<16xi32>,
      %mul3A_998 = arith.constant 80 : i32
      %mul3A_999 = arith.muli %scan3A_974, %mul3A_998 : i32
      %add3A_1000 = arith.constant 32 : i32
      %add3A_1001 = arith.addi %mul3A_999, %add3A_1000 : i32
      %get3A_1002 = arith.index_cast %add3A_1001 : i32 to index
      %get3A_1003 = tpu.vector_load %arg5[%get3A_1002] {strides = array<i32>} : memref<2560xi32, #tpu.memory_space<vmem>>, vector<16xi32>,
      tpu.vector_store_idx %arg7[%get3A_995, %get3A_997, %get3A_1003], %broadcast_in_dim3A_967 : memref<4x20x1000xf32, #tpu.memory_space<vmem>>[vector<16xi32>, vector<16xi32>, vector<16xi32>], vector<16xf32>,
      %get3A_1004 = arith.constant 48 : index
      %get3A_1005 = tpu.vector_load %arg6[%get3A_1004] {strides = array<i32>} : memref<160xi32, #tpu.memory_space<vmem>>, vector<16xi32>,
      %get3A_1006 = arith.constant 128 : index
      %get3A_1007 = tpu.vector_load %arg6[%get3A_1006] {strides = array<i32>} : memref<160xi32, #tpu.memory_space<vmem>>, vector<16xi32>,
      %mul3A_1008 = arith.constant 80 : i32
      %mul3A_1009 = arith.muli %scan3A_974, %mul3A_1008 : i32
      %add3A_1010 = arith.constant 48 : i32
      %add3A_1011 = arith.addi %mul3A_1009, %add3A_1010 : i32
      %get3A_1012 = arith.index_cast %add3A_1011 : i32 to index
      %get3A_1013 = tpu.vector_load %arg5[%get3A_1012] {strides = array<i32>} : memref<2560xi32, #tpu.memory_space<vmem>>, vector<16xi32>,
      tpu.vector_store_idx %arg7[%get3A_1005, %get3A_1007, %get3A_1013], %broadcast_in_dim3A_967 : memref<4x20x1000xf32, #tpu.memory_space<vmem>>[vector<16xi32>, vector<16xi32>, vector<16xi32>], vector<16xf32>,
      %get3A_1014 = arith.constant 64 : index
      %get3A_1015 = tpu.vector_load %arg6[%get3A_1014] {strides = array<i32>} : memref<160xi32, #tpu.memory_space<vmem>>, vector<16xi32>,
      %get3A_1016 = arith.constant 144 : index
      %get3A_1017 = tpu.vector_load %arg6[%get3A_1016] {strides = array<i32>} : memref<160xi32, #tpu.memory_space<vmem>>, vector<16xi32>,
      %mul3A_1018 = arith.constant 80 : i32
      %mul3A_1019 = arith.muli %scan3A_974, %mul3A_1018 : i32
      %add3A_1020 = arith.constant 64 : i32
      %add3A_1021 = arith.addi %mul3A_1019, %add3A_1020 : i32
      %get3A_1022 = arith.index_cast %add3A_1021 : i32 to index
      %get3A_1023 = tpu.vector_load %arg5[%get3A_1022] {strides = array<i32>} : memref<2560xi32, #tpu.memory_space<vmem>>, vector<16xi32>,
      tpu.vector_store_idx %arg7[%get3A_1015, %get3A_1017, %get3A_1023], %broadcast_in_dim3A_967 : memref<4x20x1000xf32, #tpu.memory_space<vmem>>[vector<16xi32>, vector<16xi32>, vector<16xi32>], vector<16xf32>,
      %mul3A_1024 = arith.constant 4 : i32
      %mul3A_1025 = arith.muli %scan3A_974, %mul3A_1024 : i32
      %add3A_1026 = arith.addi %mul3A_2, %mul3A_1025 : i32
      "tpu.region"() ({
        %run_scoped3A = tpu.sem_alloc : memref<!tpu.dma_semaphore, #tpu.memory_space<semaphore_mem>>
        %dma_start3A_1077 = arith.constant 0 : i32
        %dma_start3A_1078 = arith.constant 0 : i32
        %dma_start3A_1079 = tpu.memref_slice %arg4[%add3A_1026, %dma_start3A_1077, %dma_start3A_1078] : memref<4096x20x1000xf32, #tpu.memory_space<hbm>> -> memref<4x20x1000xf32, #tpu.memory_space<hbm>>
        %dma_start3A_1080 = arith.constant 0 : i32
        %dma_start3A_1081 = arith.constant 0 : i32
        %dma_start3A_1082 = tpu.memref_slice %arg4[%add3A_1026, %dma_start3A_1080, %dma_start3A_1081] : memref<4096x20x1000xf32, #tpu.memory_space<hbm>> -> memref<4x20x1000xf32, #tpu.memory_space<hbm>>
        tpu.enqueue_dma source(%arg7 : memref<4x20x1000xf32, #tpu.memory_space<vmem>>) target(%dma_start3A_1082 : memref<4x20x1000xf32, #tpu.memory_space<hbm>>) target_semaphore(%run_scoped3A : memref<!tpu.dma_semaphore, #tpu.memory_space<semaphore_mem>>)
        %dma_wait3A_1083 = arith.constant 0 : i32
        %dma_wait3A_1084 = arith.constant 0 : i32
        %dma_wait3A_1085 = tpu.memref_slice %arg4[%add3A_1026, %dma_wait3A_1083, %dma_wait3A_1084] : memref<4096x20x1000xf32, #tpu.memory_space<hbm>> -> memref<4x20x1000xf32, #tpu.memory_space<hbm>>
        %dma_wait3A_1086 = arith.constant 0 : i32
        %dma_wait3A_1087 = arith.constant 0 : i32
        %dma_wait3A_1088 = tpu.memref_slice %arg4[%add3A_1026, %dma_wait3A_1086, %dma_wait3A_1087] : memref<4096x20x1000xf32, #tpu.memory_space<hbm>> -> memref<4x20x1000xf32, #tpu.memory_space<hbm>>
        tpu.wait_dma2 semaphore(%run_scoped3A : memref<!tpu.dma_semaphore, #tpu.memory_space<semaphore_mem>>) src(%arg7 : memref<4x20x1000xf32, #tpu.memory_space<vmem>>) dst(%dma_wait3A_1088 : memref<4x20x1000xf32, #tpu.memory_space<hbm>>)
        tpu.yield
      }) : () -> ()
      %get3A_1027 = arith.constant 0 : index
      %get3A_1028 = tpu.vector_load %arg6[%get3A_1027] {strides = array<i32>} : memref<160xi32, #tpu.memory_space<vmem>>, vector<16xi32>,
      %get3A_1029 = arith.constant 80 : index
      %get3A_1030 = tpu.vector_load %arg6[%get3A_1029] {strides = array<i32>} : memref<160xi32, #tpu.memory_space<vmem>>, vector<16xi32>,
      %mul3A_1031 = arith.constant 80 : i32
      %mul3A_1032 = arith.muli %scan3A_974, %mul3A_1031 : i32
      %add3A_1033 = arith.constant 0 : i32
      %add3A_1034 = arith.addi %mul3A_1032, %add3A_1033 : i32
      %get3A_1035 = arith.index_cast %add3A_1034 : i32 to index
      %get3A_1036 = tpu.vector_load %arg5[%get3A_1035] {strides = array<i32>} : memref<2560xi32, #tpu.memory_space<vmem>>, vector<16xi32>,
      tpu.vector_store_idx %arg7[%get3A_1028, %get3A_1030, %get3A_1036], %broadcast_in_dim3A_7 : memref<4x20x1000xf32, #tpu.memory_space<vmem>>[vector<16xi32>, vector<16xi32>, vector<16xi32>], vector<16xf32>,
      %get3A_1037 = arith.constant 16 : index
      %get3A_1038 = tpu.vector_load %arg6[%get3A_1037] {strides = array<i32>} : memref<160xi32, #tpu.memory_space<vmem>>, vector<16xi32>,
      %get3A_1039 = arith.constant 96 : index
      %get3A_1040 = tpu.vector_load %arg6[%get3A_1039] {strides = array<i32>} : memref<160xi32, #tpu.memory_space<vmem>>, vector<16xi32>,
      %mul3A_1041 = arith.constant 80 : i32
      %mul3A_1042 = arith.muli %scan3A_974, %mul3A_1041 : i32
      %add3A_1043 = arith.constant 16 : i32
      %add3A_1044 = arith.addi %mul3A_1042, %add3A_1043 : i32
      %get3A_1045 = arith.index_cast %add3A_1044 : i32 to index
      %get3A_1046 = tpu.vector_load %arg5[%get3A_1045] {strides = array<i32>} : memref<2560xi32, #tpu.memory_space<vmem>>, vector<16xi32>,
      tpu.vector_store_idx %arg7[%get3A_1038, %get3A_1040, %get3A_1046], %broadcast_in_dim3A_7 : memref<4x20x1000xf32, #tpu.memory_space<vmem>>[vector<16xi32>, vector<16xi32>, vector<16xi32>], vector<16xf32>,
      %get3A_1047 = arith.constant 32 : index
      %get3A_1048 = tpu.vector_load %arg6[%get3A_1047] {strides = array<i32>} : memref<160xi32, #tpu.memory_space<vmem>>, vector<16xi32>,
      %get3A_1049 = arith.constant 112 : index
      %get3A_1050 = tpu.vector_load %arg6[%get3A_1049] {strides = array<i32>} : memref<160xi32, #tpu.memory_space<vmem>>, vector<16xi32>,
      %mul3A_1051 = arith.constant 80 : i32
      %mul3A_1052 = arith.muli %scan3A_974, %mul3A_1051 : i32
      %add3A_1053 = arith.constant 32 : i32
      %add3A_1054 = arith.addi %mul3A_1052, %add3A_1053 : i32
      %get3A_1055 = arith.index_cast %add3A_1054 : i32 to index
      %get3A_1056 = tpu.vector_load %arg5[%get3A_1055] {strides = array<i32>} : memref<2560xi32, #tpu.memory_space<vmem>>, vector<16xi32>,
      tpu.vector_store_idx %arg7[%get3A_1048, %get3A_1050, %get3A_1056], %broadcast_in_dim3A_7 : memref<4x20x1000xf32, #tpu.memory_space<vmem>>[vector<16xi32>, vector<16xi32>, vector<16xi32>], vector<16xf32>,
      %get3A_1057 = arith.constant 48 : index
      %get3A_1058 = tpu.vector_load %arg6[%get3A_1057] {strides = array<i32>} : memref<160xi32, #tpu.memory_space<vmem>>, vector<16xi32>,
      %get3A_1059 = arith.constant 128 : index
      %get3A_1060 = tpu.vector_load %arg6[%get3A_1059] {strides = array<i32>} : memref<160xi32, #tpu.memory_space<vmem>>, vector<16xi32>,
      %mul3A_1061 = arith.constant 80 : i32
      %mul3A_1062 = arith.muli %scan3A_974, %mul3A_1061 : i32
      %add3A_1063 = arith.constant 48 : i32
      %add3A_1064 = arith.addi %mul3A_1062, %add3A_1063 : i32
      %get3A_1065 = arith.index_cast %add3A_1064 : i32 to index
      %get3A_1066 = tpu.vector_load %arg5[%get3A_1065] {strides = array<i32>} : memref<2560xi32, #tpu.memory_space<vmem>>, vector<16xi32>,
      tpu.vector_store_idx %arg7[%get3A_1058, %get3A_1060, %get3A_1066], %broadcast_in_dim3A_7 : memref<4x20x1000xf32, #tpu.memory_space<vmem>>[vector<16xi32>, vector<16xi32>, vector<16xi32>], vector<16xf32>,
      %get3A_1067 = arith.constant 64 : index
      %get3A_1068 = tpu.vector_load %arg6[%get3A_1067] {strides = array<i32>} : memref<160xi32, #tpu.memory_space<vmem>>, vector<16xi32>,
      %get3A_1069 = arith.constant 144 : index
      %get3A_1070 = tpu.vector_load %arg6[%get3A_1069] {strides = array<i32>} : memref<160xi32, #tpu.memory_space<vmem>>, vector<16xi32>,
      %mul3A_1071 = arith.constant 80 : i32
      %mul3A_1072 = arith.muli %scan3A_974, %mul3A_1071 : i32
      %add3A_1073 = arith.constant 64 : i32
      %add3A_1074 = arith.addi %mul3A_1072, %add3A_1073 : i32
      %get3A_1075 = arith.index_cast %add3A_1074 : i32 to index
      %get3A_1076 = tpu.vector_load %arg5[%get3A_1075] {strides = array<i32>} : memref<2560xi32, #tpu.memory_space<vmem>>, vector<16xi32>,
      tpu.vector_store_idx %arg7[%get3A_1068, %get3A_1070, %get3A_1076], %broadcast_in_dim3A_7 : memref<4x20x1000xf32, #tpu.memory_space<vmem>>[vector<16xi32>, vector<16xi32>, vector<16xi32>], vector<16xf32>,
    }
    %scan3A_973 = arith.constant 32 : i32
    return
  }
}

</mosaic_0001>

<sc_bundles>
// kernel: kernel.3.cloned.1.call-start
scs
__scs_entry_jumppad:
0x0: {  	(pc) =	sbr.rel $0x88, $3  }
0x1: {  	(tag) =	ssettag $0x0;
	lr =	simm.s32 $0x1  }
0x2: {  	[smem:$0x3FA0] =	sst lr;
	_ =	strace $0xD0000000  }
0x3: {  	_ = 	snop  }
0x4: {  	_ = 	snop  }
0x5: {  	_ = 	snop  }
0x6: {  	_ = 	snop  }
0x7: {  	_ = 	snop  }
__scs_overlays_trampoline_lowered:
0x8: {  	[smem:$0x3FAF] =	sst s0  }
0x9: {  	[smem:$0x3FB0] =	sst s1  }
0xa: {  	[smem:$0x3FB1] =	sst s2  }
0xb: {  	[smem:$0x3FB2] =	sst s3  }
0xc: {  	[smem:$0x3FB3] =	sst s4  }
0xd: {  	[smem:$0x3FB4] =	sst s5  }
0xe: {  	[smem:$0x3FB5] =	sst s6  }
0xf: {  	[smem:$0x3FB6] =	sst s7  }
0x10: {  	[smem:$0x3FB7] =	sst s8  }
0x11: {  	[smem:$0x3FB8] =	sst s9;
	s0 =	simm.s32 @!p0 $0x0  }
0x12: {  	s1 =	sld [smem:$0x3F9E];
	s0 =	simm.s32 @p0 $0x1  }
0x13: {  	[smem:$0x3FB9] =	sst s0;
	s0 =	simm.s32 @!p1 $0x0  }
0x14: {  	s2 =	sld [smem:$0x3F9D];
	s0 =	simm.s32 @p1 $0x1  }
0x15: {  	[smem:$0x3FBA] =	sst s0;
	s0 =	simm.s32 @!p2 $0x0  }
0x16: {  	s3 =	sld [smem:$0x3FDB];
	s0 =	simm.s32 @p2 $0x1  }
0x17: {  	s4 =	simm.s32 $0x1BF5;
	[smem:$0x3FBC] =	sst s0  }
0x18: {  	s0 =	sld [smem:$0x3F9F];
	_ =	swait.ge [sflag:s4], $0x0  }
0x19: {  	s7 =	sld [smem:$0x3FA0]  }
0x1a: {  	s8 =	sadd.s32 $0xFFFFE003, lr  }
0x1b: {  	s9 =	sadd.s32 $0xFFFFFEF7, lr;
	s5 =	simm.s32 $0xFFFFFFFF;
	p2 =	slt.u32 s8, $0xFFFFF086  }
0x1c: {  	p1 =	slt.u32 s9, $0xF7A;
	s5 =	simm.s32 @!p2 $0x0  }
0x1d: {  	s5 =	simm.s32 @p1 $0x1;
	p0 =	seq.s32 s7, s2  }
0x1e: {  	s7 =	smul.u32 @!p0 $0xF7A, s2;
	p2 =	seq.s32 @!p0 s5, $0x0  }
0x1f: {  	s9 =	smul.u32 $0xF7A, s1;
	s8 =	simm.s32 @!p0 $0x1BF5;
	p2 =	por !p2, p0  }
0x20: {  	[sflag:s8] =	ssyncset.s32 @!p0 $0xFFFFF086;
	s6 =	sadd.s32 @!p0 s3, s7;
	s7 =	simm.s32 @!p0 $0x108  }
0x21: {  	s3 =	sadd.s32 s3, s9;
	s6 =	sadd.s32 @!p0 $0x88, s6;
	s7 =	simm.s32 @p2 $0x1082  }
0x22: {  	[simem:s7], [sflag:s8] =	dma.local @!p0 [hbm:s6], $0xF7A  }
0x23: {  	s9 =	sor.u32 $0xD0000000, s2;
	s6 =	simm.s32 $0x108;
	_ =	swait.ge @!p0 [sflag:s8], $0x0  }
0x24: {  	s3 =	sadd.s32 $0x88, s3;
	s6 =	simm.s32 @!p1 $0x1082;
	[sflag:s4] =	ssyncset.s32 $0xFFFFF086  }
0x25: {  	[simem:s6], [sflag:s4] =	dma.local [hbm:s3], $0xF7A  }
0x26: {  	[smem:$0x3FA0] =	sst s1;
	(tag) =	ssettag s2;
	_ =	strace s9  }
0x27: {  	s1 =	sld [smem:$0x3FB0]  }
0x28: {  	s2 =	sld [smem:$0x3FB1]  }
0x29: {  	s4 =	sld [smem:$0x3FB3]  }
0x2a: {  	p0 =	seq.s32 s5, $0x0;
	s5 =	sld [smem:$0x3FB4]  }
0x2b: {  	s6 =	sld [smem:$0x3FB5]  }
0x2c: {  	s7 =	sld [smem:$0x3FB6]  }
0x2d: {  	s3 =	simm.s32 $0x108;
	s8 =	sld [smem:$0x3FB7]  }
0x2e: {  	s3 =	simm.s32 @!p0 $0x1082;
	s9 =	sld [smem:$0x3FB8]  }
0x2f: {  	lr =	sadd.s32 s0, s3;
	s0 =	sld [smem:$0x3FAF]  }
0x30: {  	s3 =	sld [smem:$0x3FB2]  }
0x31: {  	[smem:$0x3FBB] =	sst s10  }
0x32: {  	s10 =	sld [smem:$0x3FB9];
	_ =	sdelay $0x3  }
0x33: {  	p0 =	seq.s32 s10, $0x1;
	s10 =	sld [smem:$0x3FBB];
	_ =	sdelay $0x3  }
0x34: {  	[smem:$0x3FBB] =	sst s10  }
0x35: {  	s10 =	sld [smem:$0x3FBA];
	_ =	sdelay $0x3  }
0x36: {  	p1 =	seq.s32 s10, $0x1;
	s10 =	sld [smem:$0x3FBB];
	_ =	sdelay $0x3  }
0x37: {  	[smem:$0x3FBB] =	sst s10  }
0x38: {  	s10 =	sld [smem:$0x3FBC]  }
0x39: {  	_ = 	snop;
	(pc) =	sbr.ind lr, $3  }
0x3a: {  	_ = 	snop  }
0x3b: {  	_ = 	snop  }
0x3c: {  	p2 =	seq.s32 s10, $0x1;
	s10 =	sld [smem:$0x3FBB]  }
0x3d: {  	_ =	shalt  }
0x3e: {  	_ =	shalt  }
0x3f: {  	_ =	shalt  }
0x40: {  	_ =	shalt  }
0x41: {  	_ =	shalt  }
0x42: {  	_ =	shalt  }
0x43: {  	_ =	shalt  }
0x44: {  	_ =	shalt  }
0x45: {  	_ =	shalt  }
0x46: {  	_ =	shalt  }
0x47: {  	_ =	shalt  }
0x48: {  	_ =	shalt  }
0x49: {  	_ =	shalt  }
0x4a: {  	_ =	shalt  }
0x4b: {  	_ =	shalt  }
0x4c: {  	_ =	shalt  }
0x4d: {  	_ =	shalt  }
0x4e: {  	_ =	shalt  }
0x4f: {  	_ =	shalt  }
0x50: {  	_ =	shalt  }
0x51: {  	_ =	shalt  }
0x52: {  	_ =	shalt  }
0x53: {  	_ =	shalt  }
0x54: {  	_ =	shalt  }
0x55: {  	_ =	shalt  }
0x56: {  	_ =	shalt  }
0x57: {  	_ =	shalt  }
0x58: {  	_ =	shalt  }
0x59: {  	_ =	shalt  }
0x5a: {  	_ =	shalt  }
0x5b: {  	_ =	shalt  }
0x5c: {  	_ =	shalt  }
0x5d: {  	_ =	shalt  }
0x5e: {  	_ =	shalt  }
0x5f: {  	_ =	shalt  }
0x60: {  	_ =	shalt  }
0x61: {  	_ =	shalt  }
0x62: {  	_ =	shalt  }
0x63: {  	_ =	shalt  }
0x64: {  	_ =	shalt  }
0x65: {  	_ =	shalt  }
0x66: {  	_ =	shalt  }
0x67: {  	_ =	shalt  }
0x68: {  	_ =	shalt  }
0x69: {  	_ =	shalt  }
0x6a: {  	_ =	shalt  }
0x6b: {  	_ =	shalt  }
0x6c: {  	_ =	shalt  }
0x6d: {  	_ =	shalt  }
0x6e: {  	_ =	shalt  }
0x6f: {  	_ =	shalt  }
0x70: {  	_ =	shalt  }
0x71: {  	_ =	shalt  }
0x72: {  	_ =	shalt  }
0x73: {  	_ =	shalt  }
0x74: {  	_ =	shalt  }
0x75: {  	_ =	shalt  }
0x76: {  	_ =	shalt  }
0x77: {  	_ =	shalt  }
0x78: {  	_ =	shalt  }
0x79: {  	_ =	shalt  }
0x7a: {  	_ =	shalt  }
0x7b: {  	_ =	shalt  }
0x7c: {  	_ =	shalt  }
0x7d: {  	_ =	shalt  }
0x7e: {  	_ =	shalt  }
0x7f: {  	_ =	shalt  }
0x80: {  	_ =	shalt  }
0x81: {  	_ =	shalt  }
0x82: {  	_ =	shalt  }
0x83: {  	_ =	shalt  }
0x84: {  	_ =	shalt  }
0x85: {  	_ =	shalt  }
0x86: {  	_ =	shalt  }
0x87: {  	_ =	shalt  }
.Lfunc_end0:
.L_simem_size_0:
called_computation_lowered:
.L_overlay_start_0:
0x88: {  	s2 =	sld [smem:$0x3FD9]  }
0x89: {  	s3 =	sld [smem:$0x3FFE];
	_ =	sdelay $0x1  }
0x8a: {  	s1 =	srdreg.scid  }
0x8b: {  	s0 =	sand.u32 $0x1, s1  }
0x8c: {  	s17 =	sshll.u32 s0, $0xA;
	s2 =	sadd.s32 s3, s2  }
0x8d: {  	s2 =	sadd.s32 s2, s17  }
0x8e: {  	[smem:$0x3FC7] =	sst s2  }
0x8f: {  	_ = 	snop  }
0x90: {  	s2 =	sld [smem:$0x3FD0];
	(tm) =	ssettm $0x1  }
0x91: {  	s18 =	sld [smem:$0x3FFB];
	_ =	sdelay $0x3  }
0x92: {  	_ =	strace s18  }
0x93: {  	s3 =	sld [smem:$0x3FFC];
	_ =	sdelay $0x3  }
0x94: {  	_ =	strace s3  }
0x95: {  	s3 =	sld [smem:$0x3FFD];
	_ =	sdelay $0x3  }
0x96: {  	_ =	strace s3  }
0x97: {  	_ =	strace $0x8FFFFFFF  }
0x98: {  	s19 =	sld [smem:$0x3FDB];
	_ =	sdelay $0x1  }
0x99: {  	s4 =	simm.s32 $_scs_section_size  }
0x9a: {  	s5 =	simm.s32 $_size__tile_overlayer_lowered;
	s6 =	simm.s32 $_tile_overlayer_lowered  }
0x9b: {  	s22 =	simm.s32 $0x1BFF;
	s21 =	sshll.u32 s6, $0x1;
	s3 =	sadd.s32 s4, s19  }
0x9c: {  	s7 =	simm.s32 $0x0;
	s20 =	sshll.u32 s5, $0x1;
	s5 =	sadd.s32 s21, s3  }
0x9d: {  	[timem:s7], [sflag:s22] =	dma.local [hbm:s5], s20  }
0x9e: {  	_ =	swait.ge [sflag:s22], s20  }
0x9f: {  	s4 =	ssub.s32 $0x0, s20;
	[sflag:s22] =	ssyncset.done $0x0  }
0xa0: {  	[sflag:s22] =	ssyncadd.s32 s4;
	_ =	sdelay $0x1  }
0xa1: {  	s23 =	simm.s32 $0x1B8B  }
0xa2: {  	_ =	swait.ge [sflag:s23], $0x1  }
0xa3: {  	[sflag:s23] =	ssyncset.done $0x0  }
0xa4: {  	s25 =	simm.s32 $0x1B8E;
	s24 =	sld [smem:$0x3FFE];
	[sflag:s23] =	ssyncadd.s32 $0xFFFFFFFF  }
0xa5: {  	s26 =	simm.s32 $execute0_lowered;
	[smem:$0x3FD2] =	sst s25  }
0xa6: {  	s5 =	sshll.u32 s26, $0x1;
	_ =	strace $0x80000046;
	[dreg:$0x1] =	wrdreg $0xFFFFFFFF  }
0xa7: {  	s28 =	simm.s32 $_size_execute0_lowered;
	s3 =	sadd.s32 s3, s5;
	[dreg:$0x0] =	wrdreg $0x0  }
0xa8: {  	s5 =	sshll.u32 s28, $0x1;
	[dreg:$0x2] =	wrdreg s3  }
0xa9: {  	[dreg:$0x3] =	wrdreg s5  }
0xaa: {  	[dreg:$0x4] =	wrdreg $0xC0  }
0xab: {  	_ =	task [dreg:s7], $0x5FFFF  }
0xac: {  	[dreg:$0x1] =	wrdreg $0xFFFFFFFF  }
0xad: {  	[dreg:$0x0] =	wrdreg $0x60  }
0xae: {  	[dreg:$0x2] =	wrdreg s2  }
0xaf: {  	[dreg:$0x3] =	wrdreg s24  }
0xb0: {  	[dreg:$0x4] =	wrdreg $0x9  }
0xb1: {  	_ =	task.clear_ibuf [dreg:s7], $0x5FFFF;
	_ =	strace $0x90000046  }
0xb2: {  	s29 =	simm.s32 $0x9;
	_ =	strace $0x80000048  }
0xb3: {  	_ =	swait.ge [sflag:s29], $0x1  }
0xb4: {  	[sflag:s29] =	ssyncadd.s32 $0xFFFFFFFF  }
0xb5: {  	_ =	strace $0x90000048  }
0xb6: {  	_ =	sfence  }
0xb7: {  	s30 =	sld [smem:$0x0];
	_ =	sdelay $0x2  }
0xb8: {  	s31 =	sshll.u32 s1, $0xD;
	s1 =	sshrl.u32 s1, $0x2  }
0xb9: {  	s3 =	sand.u32 $0x4000, s31;
	s1 =	sadd.s32 s1, s30  }
0xba: {  	s0 =	sor.u32 s3, s0;
	s1 =	sshll.u32 s1, $0x11  }
0xbb: {  	s0 =	sor.u32 s1, s0  }
0xbc: {  	s0 =	sadd.s32 $0x8F2B, s0  }
0xbd: {  	[sflag:s0] =	ssyncadd.remote.s32 $0x1  }
0xbe: {  	_ =	sfence.sel $0xFFFF  }
0xbf: {  	[dreg:$0x0] =	wrdreg $0xFFFFFFFF;
	(pc) =	sbr.abs _section_cstart, $3  }
0xc0: {  	[dreg:$0x1] =	wrdreg $0xFFFFFFFF  }
0xc1: {  	_ =	task.clear_ibuf [dreg:s7], $0x2FFFF;
	_ =	strace $0x9FFFFFFF  }
0xc2: {  	(tm) =	ssettm $0x7FFFFFFF  }
0xc3: {  	_ =	shalt  }
tec
execute0_lowered:
.L_overlay_start_1:
0x0: {  	(tag) =	ssettag $0x1  }
0x1: {  	s4 =	rddreg [dreg:$0x0]  }
0x2: {  	s5 =	rddreg [dreg:$0x1]  }
0x3: {  	s1 =	stileid.u32;
	s2 =	srdreg.scid  }
0x4: {  	s0 =	rddreg [dreg:$0x2];
	s11 =	simm.s32 $0x0;
	s3 =	sand.u32 $0x1, s2  }
0x5: {  	s6 =	sshll.u32 s1, $0x1;
	s2 =	simm.s32 $0x0;
	s7 =	smul.u32 $0xC0000, s1  }
0x6: {  	s6 =	sor.u32 s3, s6;
	[smem:$0x7FF] =	sst s2;
	s10 =	smul.u32 $0x60000, s3  }
0x7: {  	s8 =	ssub.s32 $0x2, s3;
	s3 =	sadd.s32 $0x400, s5;
	s6 =	smul.u32 $0x140, s6  }
0x8: {  	_ =	strace $0x80000047;
	s9 =	sshrl.u32 s8, $0x1;
	s7 =	sadd.s32 s7, s5  }
0x9: {  	s30 =	ssub.s32 s8, s9;
	s31 =	sadd.s32 s10, s7;
	s7 =	simm.s32 $0x1  }
0xa: {  	s8 =	simm.s32 $0xA00;
	s9 =	simm.s32 $0xB00;
	s10 =	simm.s32 $0x2  }
0xb: {  	v0 =	vimm.f32 $0.0e+00;
	v1 =	vimm.f32 $1.000000000e+00;
	s4 =	sadd.s32 s4, s6;
	s5 =	smax.u32 s30, $0x1;
	s6 =	sadd.s32 $0x600, s31  }
.LBB2_1:
0xc: {  	[tilespmem:s2], [sflag:$0x1] =	stream.linear.gather [hbm4b:s4+s2], $0xA00, $0x38;
	[tilespmem:$0x18B00] =	vst v63  }
0xd: {  	_ =	swait.ge [sflag:s7], $0xA00  }
0xe: {  	[sflag:s7] =	ssyncset.done $0x0  }
0xf: {  	[sflag:s7] =	ssyncadd.s32 $0xFFFFF600  }
0x10: {  	[tilespmem:s8], [sflag:$0x1] =	stream.linear.gather [hbm4b:s3+s2], $0x100, $0x38;
	[tilespmem:$0x18B00] =	vst v63  }
0x11: {  	_ =	swait.ge [sflag:s7], $0x100  }
0x12: {  	s12 =	sand.u32 $0x70, s2;
	s13 =	sand.u32 $0x1C00, s2;
	[sflag:s7] =	ssyncset.done $0x0  }
0x13: {  	s13 =	sor.u32 s12, s13;
	[sflag:s7] =	ssyncadd.s32 $0xFFFFFF00  }
0x14: {  	s12 =	simm.s32 $0x10;
	[tilespmem:s13+$0xB00] =	vst v0;
	s13 =	simm.s32 $0x0  }
.LBB2_2:
0x15: {  	p0 =	sne.s32 s12, $0x3D0  }
.Ltmp0:
0x16: {  	_ = 	snop;
	(pc) =	sbr.rel @p0 .LBB2_2-.Ltmp0, $4  }
0x17: {  	s13 =	sadd.s32 $0x80, s13  }
0x18: {  	s14 =	sand.u32 $0x70, s12;
	s15 =	sand.u32 $0x1C00, s13  }
0x19: {  	s14 =	sor.u32 s14, s15  }
0x1a: {  	s12 =	sadd.s32 $0x10, s12;
	[tilespmem:s14+$0xB00] =	vst v0  }
0x1b: {  	s12 =	simm.s32 $0x0  }
0x1c: {  	s13 =	sand.u32 $0x70, s12;
	s14 =	sand.u32 $0x1C00, s12  }
0x1d: {  	[tilespmem:$0x2758] =	vst v0;
	s14 =	sor.u32 s13, s14  }
0x1e: {  	s13 =	simm.s32 $0x10;
	[tilespmem:s14+$0xB80] =	vst v0  }
.LBB2_4:
0x1f: {  	p0 =	sne.s32 s13, $0x3D0  }
.Ltmp1:
0x20: {  	_ = 	snop;
	(pc) =	sbr.rel @p0 .LBB2_4-.Ltmp1, $4  }
0x21: {  	s12 =	sadd.s32 $0x80, s12  }
0x22: {  	s14 =	sand.u32 $0x70, s13;
	s15 =	sand.u32 $0x1C00, s12  }
0x23: {  	s14 =	sor.u32 s14, s15  }
0x24: {  	s13 =	sadd.s32 $0x10, s13;
	[tilespmem:s14+$0xB80] =	vst v0  }
0x25: {  	s12 =	simm.s32 $0x0  }
0x26: {  	s13 =	sand.u32 $0x70, s12;
	s14 =	sand.u32 $0x1C00, s12  }
0x27: {  	[tilespmem:$0x27D8] =	vst v0;
	s14 =	sor.u32 s13, s14  }
0x28: {  	s13 =	simm.s32 $0x10;
	[tilespmem:s14+$0xC00] =	vst v0  }
.LBB2_6:
0x29: {  	p0 =	sne.s32 s13, $0x3D0  }
.Ltmp2:
0x2a: {  	_ = 	snop;
	(pc) =	sbr.rel @p0 .LBB2_6-.Ltmp2, $4  }
0x2b: {  	s12 =	sadd.s32 $0x80, s12  }
0x2c: {  	s14 =	sand.u32 $0x70, s13;
	s15 =	sand.u32 $0x1C00, s12  }
0x2d: {  	s14 =	sor.u32 s14, s15  }
0x2e: {  	s13 =	sadd.s32 $0x10, s13;
	[tilespmem:s14+$0xC00] =	vst v0  }
0x2f: {  	s12 =	simm.s32 $0x0  }
0x30: {  	s13 =	sand.u32 $0x70, s12;
	s14 =	sand.u32 $0x1C00, s12  }
0x31: {  	[tilespmem:$0x2858] =	vst v0;
	s14 =	sor.u32 s13, s14  }
0x32: {  	s13 =	simm.s32 $0x10;
	[tilespmem:s14+$0xC80] =	vst v0  }
.LBB2_8:
0x33: {  	p0 =	sne.s32 s13, $0x3D0  }
.Ltmp3:
0x34: {  	_ = 	snop;
	(pc) =	sbr.rel @p0 .LBB2_8-.Ltmp3, $4  }
0x35: {  	s12 =	sadd.s32 $0x80, s12  }
0x36: {  	s14 =	sand.u32 $0x70, s13;
	s15 =	sand.u32 $0x1C00, s12  }
0x37: {  	s14 =	sor.u32 s14, s15  }
0x38: {  	s13 =	sadd.s32 $0x10, s13;
	[tilespmem:s14+$0xC80] =	vst v0  }
0x39: {  	s12 =	simm.s32 $0x0  }
0x3a: {  	s13 =	sand.u32 $0x70, s12;
	s14 =	sand.u32 $0x1C00, s12  }
0x3b: {  	[tilespmem:$0x28D8] =	vst v0;
	s14 =	sor.u32 s13, s14  }
0x3c: {  	s13 =	simm.s32 $0x10;
	[tilespmem:s14+$0xD00] =	vst v0  }
.LBB2_10:
0x3d: {  	p0 =	sne.s32 s13, $0x3D0  }
.Ltmp4:
0x3e: {  	_ = 	snop;
	(pc) =	sbr.rel @p0 .LBB2_10-.Ltmp4, $4  }
0x3f: {  	s12 =	sadd.s32 $0x80, s12  }
0x40: {  	s14 =	sand.u32 $0x70, s13;
	s15 =	sand.u32 $0x1C00, s12  }
0x41: {  	s14 =	sor.u32 s14, s15  }
0x42: {  	s13 =	sadd.s32 $0x10, s13;
	[tilespmem:s14+$0xD00] =	vst v0  }
0x43: {  	s12 =	simm.s32 $0x0  }
0x44: {  	s13 =	sand.u32 $0x70, s12;
	s14 =	sand.u32 $0x1C00, s12  }
0x45: {  	[tilespmem:$0x2958] =	vst v0;
	s14 =	sor.u32 s13, s14  }
0x46: {  	s13 =	simm.s32 $0x10;
	[tilespmem:s14+$0xD80] =	vst v0  }
.LBB2_12:
0x47: {  	p0 =	sne.s32 s13, $0x3D0  }
.Ltmp5:
0x48: {  	_ = 	snop;
	(pc) =	sbr.rel @p0 .LBB2_12-.Ltmp5, $4  }
0x49: {  	s12 =	sadd.s32 $0x80, s12  }
0x4a: {  	s14 =	sand.u32 $0x70, s13;
	s15 =	sand.u32 $0x1C00, s12  }
0x4b: {  	s14 =	sor.u32 s14, s15  }
0x4c: {  	s13 =	sadd.s32 $0x10, s13;
	[tilespmem:s14+$0xD80] =	vst v0  }
0x4d: {  	s12 =	simm.s32 $0x0  }
0x4e: {  	s13 =	sand.u32 $0x70, s12;
	s14 =	sand.u32 $0x1C00, s12  }
0x4f: {  	[tilespmem:$0x29D8] =	vst v0;
	s14 =	sor.u32 s13, s14  }
0x50: {  	s13 =	simm.s32 $0x10;
	[tilespmem:s14+$0xE00] =	vst v0  }
.LBB2_14:
0x51: {  	p0 =	sne.s32 s13, $0x3D0  }
.Ltmp6:
0x52: {  	_ = 	snop;
	(pc) =	sbr.rel @p0 .LBB2_14-.Ltmp6, $4  }
0x53: {  	s12 =	sadd.s32 $0x80, s12  }
0x54: {  	s14 =	sand.u32 $0x70, s13;
	s15 =	sand.u32 $0x1C00, s12  }
0x55: {  	s14 =	sor.u32 s14, s15  }
0x56: {  	s13 =	sadd.s32 $0x10, s13;
	[tilespmem:s14+$0xE00] =	vst v0  }
0x57: {  	s12 =	simm.s32 $0x0  }
0x58: {  	s14 =	sor.u32 s12, s12  }
0x59: {  	[tilespmem:$0x2A58] =	vst v0;
	s13 =	simm.s32 $0x10;
	s14 =	sor.u32 $0x380, s14  }
.LBB2_16:
0x5a: {  	p0 =	sne.s32 s13, $0x3D0  }
0x5b: {  	[tilespmem:s14+$0xB00] =	vst v0;
	s12 =	sadd.s32 $0x80, s12;
	s14 =	smov.u32 s13;
	s13 =	sadd.s32 $0x10, s13  }
.Ltmp7:
0x5c: {  	(pc) =	sbr.rel @p0 .LBB2_16-.Ltmp7, $3  }
0x5d: {  	_ =	sdelay $0x1  }
0x5e: {  	s14 =	sor.u32 s12, s14  }
0x5f: {  	s14 =	sor.u32 $0x380, s14  }
0x60: {  	s12 =	simm.s32 $0x0  }
0x61: {  	[tilespmem:s14+$0xB00] =	vst v0;
	s13 =	sand.u32 $0x70, s12;
	s31 =	sand.u32 $0x1C00, s12  }
0x62: {  	[tilespmem:$0x2AD8] =	vst v0;
	s14 =	sor.u32 s13, s31  }
0x63: {  	s13 =	simm.s32 $0x10;
	[tilespmem:s14+$0x2B00] =	vst v0  }
.LBB2_18:
0x64: {  	p0 =	sne.s32 s13, $0x3D0  }
.Ltmp8:
0x65: {  	_ = 	snop;
	(pc) =	sbr.rel @p0 .LBB2_18-.Ltmp8, $4  }
0x66: {  	s12 =	sadd.s32 $0x80, s12  }
0x67: {  	s14 =	sand.u32 $0x70, s13;
	s15 =	sand.u32 $0x1C00, s12  }
0x68: {  	s14 =	sor.u32 s14, s15  }
0x69: {  	s13 =	sadd.s32 $0x10, s13;
	[tilespmem:s14+$0x2B00] =	vst v0  }
0x6a: {  	s12 =	simm.s32 $0x0  }
0x6b: {  	s13 =	sand.u32 $0x70, s12;
	s14 =	sand.u32 $0x1C00, s12  }
0x6c: {  	[tilespmem:$0x4758] =	vst v0;
	s14 =	sor.u32 s13, s14  }
0x6d: {  	s13 =	simm.s32 $0x10;
	[tilespmem:s14+$0x2B80] =	vst v0  }
.LBB2_20:
0x6e: {  	p0 =	sne.s32 s13, $0x3D0  }
.Ltmp9:
0x6f: {  	_ = 	snop;
	(pc) =	sbr.rel @p0 .LBB2_20-.Ltmp9, $4  }
0x70: {  	s12 =	sadd.s32 $0x80, s12  }
0x71: {  	s14 =	sand.u32 $0x70, s13;
	s15 =	sand.u32 $0x1C00, s12  }
0x72: {  	s14 =	sor.u32 s14, s15  }
0x73: {  	s13 =	sadd.s32 $0x10, s13;
	[tilespmem:s14+$0x2B80] =	vst v0  }
0x74: {  	s12 =	simm.s32 $0x0  }
0x75: {  	s13 =	sand.u32 $0x70, s12;
	s14 =	sand.u32 $0x1C00, s12  }
0x76: {  	[tilespmem:$0x47D8] =	vst v0;
	s14 =	sor.u32 s13, s14  }
0x77: {  	s13 =	simm.s32 $0x10;
	[tilespmem:s14+$0x2C00] =	vst v0  }
.LBB2_22:
0x78: {  	p0 =	sne.s32 s13, $0x3D0  }
.Ltmp10:
0x79: {  	_ = 	snop;
	(pc) =	sbr.rel @p0 .LBB2_22-.Ltmp10, $4  }
0x7a: {  	s12 =	sadd.s32 $0x80, s12  }
0x7b: {  	s14 =	sand.u32 $0x70, s13;
	s15 =	sand.u32 $0x1C00, s12  }
0x7c: {  	s14 =	sor.u32 s14, s15  }
0x7d: {  	s13 =	sadd.s32 $0x10, s13;
	[tilespmem:s14+$0x2C00] =	vst v0  }
0x7e: {  	s12 =	simm.s32 $0x0  }
0x7f: {  	s13 =	sand.u32 $0x70, s12;
	s14 =	sand.u32 $0x1C00, s12  }
0x80: {  	[tilespmem:$0x4858] =	vst v0;
	s14 =	sor.u32 s13, s14  }
0x81: {  	s13 =	simm.s32 $0x10;
	[tilespmem:s14+$0x2C80] =	vst v0  }
.LBB2_24:
0x82: {  	p0 =	sne.s32 s13, $0x3D0  }
.Ltmp11:
0x83: {  	_ = 	snop;
	(pc) =	sbr.rel @p0 .LBB2_24-.Ltmp11, $4  }
0x84: {  	s12 =	sadd.s32 $0x80, s12  }
0x85: {  	s14 =	sand.u32 $0x70, s13;
	s15 =	sand.u32 $0x1C00, s12  }
0x86: {  	s14 =	sor.u32 s14, s15  }
0x87: {  	s13 =	sadd.s32 $0x10, s13;
	[tilespmem:s14+$0x2C80] =	vst v0  }
0x88: {  	s12 =	simm.s32 $0x0  }
0x89: {  	s13 =	sand.u32 $0x70, s12;
	s14 =	sand.u32 $0x1C00, s12  }
0x8a: {  	[tilespmem:$0x48D8] =	vst v0;
	s14 =	sor.u32 s13, s14  }
0x8b: {  	s13 =	simm.s32 $0x10;
	[tilespmem:s14+$0x2D00] =	vst v0  }
.LBB2_26:
0x8c: {  	p0 =	sne.s32 s13, $0x3D0  }
.Ltmp12:
0x8d: {  	_ = 	snop;
	(pc) =	sbr.rel @p0 .LBB2_26-.Ltmp12, $4  }
0x8e: {  	s12 =	sadd.s32 $0x80, s12  }
0x8f: {  	s14 =	sand.u32 $0x70, s13;
	s15 =	sand.u32 $0x1C00, s12  }
0x90: {  	s14 =	sor.u32 s14, s15  }
0x91: {  	s13 =	sadd.s32 $0x10, s13;
	[tilespmem:s14+$0x2D00] =	vst v0  }
0x92: {  	s12 =	simm.s32 $0x0  }
0x93: {  	s13 =	sand.u32 $0x70, s12;
	s14 =	sand.u32 $0x1C00, s12  }
0x94: {  	[tilespmem:$0x4958] =	vst v0;
	s14 =	sor.u32 s13, s14  }
0x95: {  	s13 =	simm.s32 $0x10;
	[tilespmem:s14+$0x2D80] =	vst v0  }
.LBB2_28:
0x96: {  	p0 =	sne.s32 s13, $0x3D0  }
.Ltmp13:
0x97: {  	_ = 	snop;
	(pc) =	sbr.rel @p0 .LBB2_28-.Ltmp13, $4  }
0x98: {  	s12 =	sadd.s32 $0x80, s12  }
0x99: {  	s14 =	sand.u32 $0x70, s13;
	s15 =	sand.u32 $0x1C00, s12  }
0x9a: {  	s14 =	sor.u32 s14, s15  }
0x9b: {  	s13 =	sadd.s32 $0x10, s13;
	[tilespmem:s14+$0x2D80] =	vst v0  }
0x9c: {  	s12 =	simm.s32 $0x0  }
0x9d: {  	s13 =	sand.u32 $0x70, s12;
	s14 =	sand.u32 $0x1C00, s12  }
0x9e: {  	[tilespmem:$0x49D8] =	vst v0;
	s14 =	sor.u32 s13, s14  }
0x9f: {  	s13 =	simm.s32 $0x10;
	[tilespmem:s14+$0x2E00] =	vst v0  }
.LBB2_30:
0xa0: {  	p0 =	sne.s32 s13, $0x3D0  }
.Ltmp14:
0xa1: {  	_ = 	snop;
	(pc) =	sbr.rel @p0 .LBB2_30-.Ltmp14, $4  }
0xa2: {  	s12 =	sadd.s32 $0x80, s12  }
0xa3: {  	s14 =	sand.u32 $0x70, s13;
	s15 =	sand.u32 $0x1C00, s12  }
0xa4: {  	s14 =	sor.u32 s14, s15  }
0xa5: {  	s13 =	sadd.s32 $0x10, s13;
	[tilespmem:s14+$0x2E00] =	vst v0  }
0xa6: {  	s12 =	simm.s32 $0x0  }
0xa7: {  	s13 =	sand.u32 $0x70, s12;
	s14 =	sand.u32 $0x1C00, s12  }
0xa8: {  	[tilespmem:$0x4A58] =	vst v0;
	s14 =	sor.u32 s13, s14  }
0xa9: {  	s13 =	simm.s32 $0x10;
	[tilespmem:s14+$0x2E80] =	vst v0  }
.LBB2_32:
0xaa: {  	p0 =	sne.s32 s13, $0x3D0  }
.Ltmp15:
0xab: {  	_ = 	snop;
	(pc) =	sbr.rel @p0 .LBB2_32-.Ltmp15, $4  }
0xac: {  	s12 =	sadd.s32 $0x80, s12  }
0xad: {  	s14 =	sand.u32 $0x70, s13;
	s15 =	sand.u32 $0x1C00, s12  }
0xae: {  	s14 =	sor.u32 s14, s15  }
0xaf: {  	s13 =	sadd.s32 $0x10, s13;
	[tilespmem:s14+$0x2E80] =	vst v0  }
0xb0: {  	s12 =	simm.s32 $0x0  }
0xb1: {  	s13 =	sand.u32 $0x70, s12;
	s14 =	sand.u32 $0x1C00, s12  }
0xb2: {  	[tilespmem:$0x4AD8] =	vst v0;
	s14 =	sor.u32 s13, s14  }
0xb3: {  	s13 =	simm.s32 $0x10;
	[tilespmem:s14+$0x4B00] =	vst v0  }
.LBB2_34:
0xb4: {  	p0 =	sne.s32 s13, $0x3D0  }
.Ltmp16:
0xb5: {  	_ = 	snop;
	(pc) =	sbr.rel @p0 .LBB2_34-.Ltmp16, $4  }
0xb6: {  	s12 =	sadd.s32 $0x80, s12  }
0xb7: {  	s14 =	sand.u32 $0x70, s13;
	s15 =	sand.u32 $0x1C00, s12  }
0xb8: {  	s14 =	sor.u32 s14, s15  }
0xb9: {  	s13 =	sadd.s32 $0x10, s13;
	[tilespmem:s14+$0x4B00] =	vst v0  }
0xba: {  	s12 =	simm.s32 $0x0  }
0xbb: {  	s13 =	sand.u32 $0x70, s12;
	s14 =	sand.u32 $0x1C00, s12  }
0xbc: {  	[tilespmem:$0x6758] =	vst v0;
	s14 =	sor.u32 s13, s14  }
0xbd: {  	s13 =	simm.s32 $0x10;
	[tilespmem:s14+$0x4B80] =	vst v0  }
.LBB2_36:
0xbe: {  	p0 =	sne.s32 s13, $0x3D0  }
.Ltmp17:
0xbf: {  	_ = 	snop;
	(pc) =	sbr.rel @p0 .LBB2_36-.Ltmp17, $4  }
0xc0: {  	s12 =	sadd.s32 $0x80, s12  }
0xc1: {  	s14 =	sand.u32 $0x70, s13;
	s15 =	sand.u32 $0x1C00, s12  }
0xc2: {  	s14 =	sor.u32 s14, s15  }
0xc3: {  	s13 =	sadd.s32 $0x10, s13;
	[tilespmem:s14+$0x4B80] =	vst v0  }
0xc4: {  	s12 =	simm.s32 $0x0  }
0xc5: {  	s13 =	sand.u32 $0x70, s12;
	s14 =	sand.u32 $0x1C00, s12  }
0xc6: {  	[tilespmem:$0x67D8] =	vst v0;
	s14 =	sor.u32 s13, s14  }
0xc7: {  	s13 =	simm.s32 $0x10;
	[tilespmem:s14+$0x4C00] =	vst v0  }
.LBB2_38:
0xc8: {  	p0 =	sne.s32 s13, $0x3D0  }
.Ltmp18:
0xc9: {  	_ = 	snop;
	(pc) =	sbr.rel @p0 .LBB2_38-.Ltmp18, $4  }
0xca: {  	s12 =	sadd.s32 $0x80, s12  }
0xcb: {  	s14 =	sand.u32 $0x70, s13;
	s15 =	sand.u32 $0x1C00, s12  }
0xcc: {  	s14 =	sor.u32 s14, s15  }
0xcd: {  	s13 =	sadd.s32 $0x10, s13;
	[tilespmem:s14+$0x4C00] =	vst v0  }
0xce: {  	s12 =	simm.s32 $0x0  }
0xcf: {  	s13 =	sand.u32 $0x70, s12;
	s14 =	sand.u32 $0x1C00, s12  }
0xd0: {  	[tilespmem:$0x6858] =	vst v0;
	s14 =	sor.u32 s13, s14  }
0xd1: {  	s13 =	simm.s32 $0x10;
	[tilespmem:s14+$0x4C80] =	vst v0  }
.LBB2_40:
0xd2: {  	p0 =	sne.s32 s13, $0x3D0  }
.Ltmp19:
0xd3: {  	_ = 	snop;
	(pc) =	sbr.rel @p0 .LBB2_40-.Ltmp19, $4  }
0xd4: {  	s12 =	sadd.s32 $0x80, s12  }
0xd5: {  	s14 =	sand.u32 $0x70, s13;
	s15 =	sand.u32 $0x1C00, s12  }
0xd6: {  	s14 =	sor.u32 s14, s15  }
0xd7: {  	s13 =	sadd.s32 $0x10, s13;
	[tilespmem:s14+$0x4C80] =	vst v0  }
0xd8: {  	s12 =	simm.s32 $0x0  }
0xd9: {  	s13 =	sand.u32 $0x70, s12;
	s14 =	sand.u32 $0x1C00, s12  }
0xda: {  	[tilespmem:$0x68D8] =	vst v0;
	s14 =	sor.u32 s13, s14  }
0xdb: {  	s13 =	simm.s32 $0x10;
	[tilespmem:s14+$0x6B00] =	vst v0  }
.LBB2_42:
0xdc: {  	p0 =	sne.s32 s13, $0x3D0  }
.Ltmp20:
0xdd: {  	_ = 	snop;
	(pc) =	sbr.rel @p0 .LBB2_42-.Ltmp20, $4  }
0xde: {  	s12 =	sadd.s32 $0x80, s12  }
0xdf: {  	s14 =	sand.u32 $0x70, s13;
	s15 =	sand.u32 $0x1C00, s12  }
0xe0: {  	s14 =	sor.u32 s14, s15  }
0xe1: {  	s13 =	sadd.s32 $0x10, s13;
	[tilespmem:s14+$0x6B00] =	vst v0  }
0xe2: {  	s12 =	simm.s32 $0x0  }
0xe3: {  	s13 =	sand.u32 $0x70, s12;
	s14 =	sand.u32 $0x1C00, s12  }
0xe4: {  	[tilespmem:$0x8758] =	vst v0;
	s14 =	sor.u32 s13, s14  }
0xe5: {  	s13 =	simm.s32 $0x10;
	[tilespmem:s14+$0x6B80] =	vst v0  }
.LBB2_44:
0xe6: {  	p0 =	sne.s32 s13, $0x3D0  }
.Ltmp21:
0xe7: {  	_ = 	snop;
	(pc) =	sbr.rel @p0 .LBB2_44-.Ltmp21, $4  }
0xe8: {  	s12 =	sadd.s32 $0x80, s12  }
0xe9: {  	s14 =	sand.u32 $0x70, s13;
	s15 =	sand.u32 $0x1C00, s12  }
0xea: {  	s14 =	sor.u32 s14, s15  }
0xeb: {  	s13 =	sadd.s32 $0x10, s13;
	[tilespmem:s14+$0x6B80] =	vst v0  }
0xec: {  	s12 =	simm.s32 $0x0  }
0xed: {  	s13 =	sand.u32 $0x70, s12;
	s14 =	sand.u32 $0x1C00, s12  }
0xee: {  	[tilespmem:$0x87D8] =	vst v0;
	s14 =	sor.u32 s13, s14  }
0xef: {  	s13 =	simm.s32 $0x10;
	[tilespmem:s14+$0x6C00] =	vst v0  }
.LBB2_46:
0xf0: {  	p0 =	sne.s32 s13, $0x3D0  }
.Ltmp22:
0xf1: {  	_ = 	snop;
	(pc) =	sbr.rel @p0 .LBB2_46-.Ltmp22, $4  }
0xf2: {  	s12 =	sadd.s32 $0x80, s12  }
0xf3: {  	s14 =	sand.u32 $0x70, s13;
	s15 =	sand.u32 $0x1C00, s12  }
0xf4: {  	s14 =	sor.u32 s14, s15  }
0xf5: {  	s13 =	sadd.s32 $0x10, s13;
	[tilespmem:s14+$0x6C00] =	vst v0  }
0xf6: {  	s12 =	simm.s32 $0x0  }
0xf7: {  	s13 =	sand.u32 $0x70, s12;
	s14 =	sand.u32 $0x1C00, s12  }
0xf8: {  	[tilespmem:$0x8858] =	vst v0;
	s14 =	sor.u32 s13, s14  }
0xf9: {  	s13 =	simm.s32 $0x10;
	[tilespmem:s14+$0x6C80] =	vst v0  }
.LBB2_48:
0xfa: {  	p0 =	sne.s32 s13, $0x3D0  }
.Ltmp23:
0xfb: {  	_ = 	snop;
	(pc) =	sbr.rel @p0 .LBB2_48-.Ltmp23, $4  }
0xfc: {  	s12 =	sadd.s32 $0x80, s12  }
0xfd: {  	s14 =	sand.u32 $0x70, s13;
	s15 =	sand.u32 $0x1C00, s12  }
0xfe: {  	s14 =	sor.u32 s14, s15  }
0xff: {  	s13 =	sadd.s32 $0x10, s13;
	[tilespmem:s14+$0x6C80] =	vst v0  }
0x100: {  	s12 =	simm.s32 $0x0  }
0x101: {  	s13 =	sand.u32 $0x70, s12;
	s14 =	sand.u32 $0x1C00, s12  }
0x102: {  	[tilespmem:$0x88D8] =	vst v0;
	s14 =	sor.u32 s13, s14  }
0x103: {  	s13 =	simm.s32 $0x10;
	[tilespmem:s14+$0x6D00] =	vst v0  }
.LBB2_50:
0x104: {  	p0 =	sne.s32 s13, $0x3D0  }
.Ltmp24:
0x105: {  	_ = 	snop;
	(pc) =	sbr.rel @p0 .LBB2_50-.Ltmp24, $4  }
0x106: {  	s12 =	sadd.s32 $0x80, s12  }
0x107: {  	s14 =	sand.u32 $0x70, s13;
	s15 =	sand.u32 $0x1C00, s12  }
0x108: {  	s14 =	sor.u32 s14, s15  }
0x109: {  	s13 =	sadd.s32 $0x10, s13;
	[tilespmem:s14+$0x6D00] =	vst v0  }
0x10a: {  	s12 =	simm.s32 $0x0  }
0x10b: {  	s13 =	sand.u32 $0x70, s12;
	s14 =	sand.u32 $0x1C00, s12  }
0x10c: {  	[tilespmem:$0x8958] =	vst v0;
	s14 =	sor.u32 s13, s14  }
0x10d: {  	s13 =	simm.s32 $0x10;
	[tilespmem:s14+$0x6D80] =	vst v0  }
.LBB2_52:
0x10e: {  	p0 =	sne.s32 s13, $0x3D0  }
.Ltmp25:
0x10f: {  	_ = 	snop;
	(pc) =	sbr.rel @p0 .LBB2_52-.Ltmp25, $4  }
0x110: {  	s12 =	sadd.s32 $0x80, s12  }
0x111: {  	s14 =	sand.u32 $0x70, s13;
	s15 =	sand.u32 $0x1C00, s12  }
0x112: {  	s14 =	sor.u32 s14, s15  }
0x113: {  	s13 =	sadd.s32 $0x10, s13;
	[tilespmem:s14+$0x6D80] =	vst v0  }
0x114: {  	s12 =	simm.s32 $0x0  }
0x115: {  	s13 =	sand.u32 $0x70, s12;
	s14 =	sand.u32 $0x1C00, s12  }
0x116: {  	[tilespmem:$0x89D8] =	vst v0;
	s14 =	sor.u32 s13, s14  }
0x117: {  	s13 =	simm.s32 $0x10;
	[tilespmem:s14+$0x6E00] =	vst v0  }
.LBB2_54:
0x118: {  	p0 =	sne.s32 s13, $0x3D0  }
.Ltmp26:
0x119: {  	_ = 	snop;
	(pc) =	sbr.rel @p0 .LBB2_54-.Ltmp26, $4  }
0x11a: {  	s12 =	sadd.s32 $0x80, s12  }
0x11b: {  	s14 =	sand.u32 $0x70, s13;
	s15 =	sand.u32 $0x1C00, s12  }
0x11c: {  	s14 =	sor.u32 s14, s15  }
0x11d: {  	s13 =	sadd.s32 $0x10, s13;
	[tilespmem:s14+$0x6E00] =	vst v0  }
0x11e: {  	s12 =	simm.s32 $0x0  }
0x11f: {  	s13 =	sand.u32 $0x70, s12;
	s14 =	sand.u32 $0x1C00, s12  }
0x120: {  	[tilespmem:$0x8A58] =	vst v0;
	s14 =	sor.u32 s13, s14  }
0x121: {  	s13 =	simm.s32 $0x10;
	[tilespmem:s14+$0x6E80] =	vst v0  }
.LBB2_56:
0x122: {  	p0 =	sne.s32 s13, $0x3D0  }
.Ltmp27:
0x123: {  	_ = 	snop;
	(pc) =	sbr.rel @p0 .LBB2_56-.Ltmp27, $4  }
0x124: {  	s12 =	sadd.s32 $0x80, s12  }
0x125: {  	s14 =	sand.u32 $0x70, s13;
	s15 =	sand.u32 $0x1C00, s12  }
0x126: {  	s14 =	sor.u32 s14, s15  }
0x127: {  	s13 =	sadd.s32 $0x10, s13;
	[tilespmem:s14+$0x6E80] =	vst v0  }
0x128: {  	s12 =	simm.s32 $0x0  }
0x129: {  	s13 =	sand.u32 $0x70, s12;
	s14 =	sand.u32 $0x1C00, s12  }
0x12a: {  	[tilespmem:$0x8AD8] =	vst v0;
	s14 =	sor.u32 s13, s14  }
0x12b: {  	s13 =	simm.s32 $0x10;
	[tilespmem:s14+$0x8B00] =	vst v0  }
.LBB2_58:
0x12c: {  	p0 =	sne.s32 s13, $0x3D0  }
.Ltmp28:
0x12d: {  	_ = 	snop;
	(pc) =	sbr.rel @p0 .LBB2_58-.Ltmp28, $4  }
0x12e: {  	s12 =	sadd.s32 $0x80, s12  }
0x12f: {  	s14 =	sand.u32 $0x70, s13;
	s15 =	sand.u32 $0x1C00, s12  }
0x130: {  	s14 =	sor.u32 s14, s15  }
0x131: {  	s13 =	sadd.s32 $0x10, s13;
	[tilespmem:s14+$0x8B00] =	vst v0  }
0x132: {  	s12 =	simm.s32 $0x0  }
0x133: {  	s13 =	sand.u32 $0x70, s12;
	s14 =	sand.u32 $0x1C00, s12  }
0x134: {  	[tilespmem:$0xA758] =	vst v0;
	s14 =	sor.u32 s13, s14  }
0x135: {  	s13 =	simm.s32 $0x10;
	[tilespmem:s14+$0x8B80] =	vst v0  }
.LBB2_60:
0x136: {  	p0 =	sne.s32 s13, $0x3D0  }
.Ltmp29:
0x137: {  	_ = 	snop;
	(pc) =	sbr.rel @p0 .LBB2_60-.Ltmp29, $4  }
0x138: {  	s12 =	sadd.s32 $0x80, s12  }
0x139: {  	s14 =	sand.u32 $0x70, s13;
	s15 =	sand.u32 $0x1C00, s12  }
0x13a: {  	s14 =	sor.u32 s14, s15  }
0x13b: {  	s13 =	sadd.s32 $0x10, s13;
	[tilespmem:s14+$0x8B80] =	vst v0  }
0x13c: {  	s12 =	simm.s32 $0x0  }
0x13d: {  	s13 =	sand.u32 $0x70, s12;
	s14 =	sand.u32 $0x1C00, s12  }
0x13e: {  	[tilespmem:$0xA7D8] =	vst v0;
	s14 =	sor.u32 s13, s14  }
0x13f: {  	s13 =	simm.s32 $0x10;
	[tilespmem:s14+$0x8C00] =	vst v0  }
.LBB2_62:
0x140: {  	p0 =	sne.s32 s13, $0x3D0  }
.Ltmp30:
0x141: {  	_ = 	snop;
	(pc) =	sbr.rel @p0 .LBB2_62-.Ltmp30, $4  }
0x142: {  	s12 =	sadd.s32 $0x80, s12  }
0x143: {  	s14 =	sand.u32 $0x70, s13;
	s15 =	sand.u32 $0x1C00, s12  }
0x144: {  	s14 =	sor.u32 s14, s15  }
0x145: {  	s13 =	sadd.s32 $0x10, s13;
	[tilespmem:s14+$0x8C00] =	vst v0  }
0x146: {  	s12 =	simm.s32 $0x0  }
0x147: {  	s13 =	sand.u32 $0x70, s12;
	s14 =	sand.u32 $0x1C00, s12  }
0x148: {  	[tilespmem:$0xA858] =	vst v0;
	s14 =	sor.u32 s13, s14  }
0x149: {  	s13 =	simm.s32 $0x10;
	[tilespmem:s14+$0x8C80] =	vst v0  }
.LBB2_64:
0x14a: {  	p0 =	sne.s32 s13, $0x3D0  }
.Ltmp31:
0x14b: {  	_ = 	snop;
	(pc) =	sbr.rel @p0 .LBB2_64-.Ltmp31, $4  }
0x14c: {  	s12 =	sadd.s32 $0x80, s12  }
0x14d: {  	s14 =	sand.u32 $0x70, s13;
	s15 =	sand.u32 $0x1C00, s12  }
0x14e: {  	s14 =	sor.u32 s14, s15  }
0x14f: {  	s13 =	sadd.s32 $0x10, s13;
	[tilespmem:s14+$0x8C80] =	vst v0  }
0x150: {  	s12 =	simm.s32 $0x0  }
0x151: {  	s13 =	sand.u32 $0x70, s12;
	s14 =	sand.u32 $0x1C00, s12  }
0x152: {  	[tilespmem:$0xA8D8] =	vst v0;
	s14 =	sor.u32 s13, s14  }
0x153: {  	s13 =	simm.s32 $0x10;
	[tilespmem:s14+$0x8D00] =	vst v0  }
.LBB2_66:
0x154: {  	p0 =	sne.s32 s13, $0x3D0  }
.Ltmp32:
0x155: {  	_ = 	snop;
	(pc) =	sbr.rel @p0 .LBB2_66-.Ltmp32, $4  }
0x156: {  	s12 =	sadd.s32 $0x80, s12  }
0x157: {  	s14 =	sand.u32 $0x70, s13;
	s15 =	sand.u32 $0x1C00, s12  }
0x158: {  	s14 =	sor.u32 s14, s15  }
0x159: {  	s13 =	sadd.s32 $0x10, s13;
	[tilespmem:s14+$0x8D00] =	vst v0  }
0x15a: {  	s12 =	simm.s32 $0x0  }
0x15b: {  	s13 =	sand.u32 $0x70, s12;
	s14 =	sand.u32 $0x1C00, s12  }
0x15c: {  	[tilespmem:$0xA958] =	vst v0;
	s14 =	sor.u32 s13, s14  }
0x15d: {  	s13 =	simm.s32 $0x10;
	[tilespmem:s14+$0x8D80] =	vst v0  }
.LBB2_68:
0x15e: {  	p0 =	sne.s32 s13, $0x3D0  }
.Ltmp33:
0x15f: {  	_ = 	snop;
	(pc) =	sbr.rel @p0 .LBB2_68-.Ltmp33, $4  }
0x160: {  	s12 =	sadd.s32 $0x80, s12  }
0x161: {  	s14 =	sand.u32 $0x70, s13;
	s15 =	sand.u32 $0x1C00, s12  }
0x162: {  	s14 =	sor.u32 s14, s15  }
0x163: {  	s13 =	sadd.s32 $0x10, s13;
	[tilespmem:s14+$0x8D80] =	vst v0  }
0x164: {  	s12 =	simm.s32 $0x0  }
0x165: {  	s13 =	sand.u32 $0x70, s12;
	s14 =	sand.u32 $0x1C00, s12  }
0x166: {  	[tilespmem:$0xA9D8] =	vst v0;
	s14 =	sor.u32 s13, s14  }
0x167: {  	s13 =	simm.s32 $0x10;
	[tilespmem:s14+$0x8E00] =	vst v0  }
.LBB2_70:
0x168: {  	p0 =	sne.s32 s13, $0x3D0  }
.Ltmp34:
0x169: {  	_ = 	snop;
	(pc) =	sbr.rel @p0 .LBB2_70-.Ltmp34, $4  }
0x16a: {  	s12 =	sadd.s32 $0x80, s12  }
0x16b: {  	s14 =	sand.u32 $0x70, s13;
	s15 =	sand.u32 $0x1C00, s12  }
0x16c: {  	s14 =	sor.u32 s14, s15  }
0x16d: {  	s13 =	sadd.s32 $0x10, s13;
	[tilespmem:s14+$0x8E00] =	vst v0  }
0x16e: {  	s12 =	simm.s32 $0x0  }
0x16f: {  	s13 =	sand.u32 $0x70, s12;
	s14 =	sand.u32 $0x1C00, s12  }
0x170: {  	[tilespmem:$0xAA58] =	vst v0;
	s14 =	sor.u32 s13, s14  }
0x171: {  	s13 =	simm.s32 $0x10;
	[tilespmem:s14+$0x8E80] =	vst v0  }
.LBB2_72:
0x172: {  	p0 =	sne.s32 s13, $0x3D0  }
.Ltmp35:
0x173: {  	_ = 	snop;
	(pc) =	sbr.rel @p0 .LBB2_72-.Ltmp35, $4  }
0x174: {  	s12 =	sadd.s32 $0x80, s12  }
0x175: {  	s14 =	sand.u32 $0x70, s13;
	s15 =	sand.u32 $0x1C00, s12  }
0x176: {  	s14 =	sor.u32 s14, s15  }
0x177: {  	s13 =	sadd.s32 $0x10, s13;
	[tilespmem:s14+$0x8E80] =	vst v0  }
0x178: {  	s12 =	simm.s32 $0x0  }
0x179: {  	s13 =	sand.u32 $0x70, s12;
	s14 =	sand.u32 $0x1C00, s12  }
0x17a: {  	[tilespmem:$0xAAD8] =	vst v0;
	s14 =	sor.u32 s13, s14  }
0x17b: {  	s13 =	simm.s32 $0x10;
	[tilespmem:s14+$0xAB00] =	vst v0  }
.LBB2_74:
0x17c: {  	p0 =	sne.s32 s13, $0x3D0  }
.Ltmp36:
0x17d: {  	_ = 	snop;
	(pc) =	sbr.rel @p0 .LBB2_74-.Ltmp36, $4  }
0x17e: {  	s12 =	sadd.s32 $0x80, s12  }
0x17f: {  	s14 =	sand.u32 $0x70, s13;
	s15 =	sand.u32 $0x1C00, s12  }
0x180: {  	s14 =	sor.u32 s14, s15  }
0x181: {  	s13 =	sadd.s32 $0x10, s13;
	[tilespmem:s14+$0xAB00] =	vst v0  }
0x182: {  	s12 =	simm.s32 $0x0  }
0x183: {  	s13 =	sand.u32 $0x70, s12;
	s14 =	sand.u32 $0x1C00, s12  }
0x184: {  	[tilespmem:$0xC758] =	vst v0;
	s14 =	sor.u32 s13, s14  }
0x185: {  	s13 =	simm.s32 $0x10;
	[tilespmem:s14+$0xAB80] =	vst v0  }
.LBB2_76:
0x186: {  	p0 =	sne.s32 s13, $0x3D0  }
.Ltmp37:
0x187: {  	_ = 	snop;
	(pc) =	sbr.rel @p0 .LBB2_76-.Ltmp37, $4  }
0x188: {  	s12 =	sadd.s32 $0x80, s12  }
0x189: {  	s14 =	sand.u32 $0x70, s13;
	s15 =	sand.u32 $0x1C00, s12  }
0x18a: {  	s14 =	sor.u32 s14, s15  }
0x18b: {  	s13 =	sadd.s32 $0x10, s13;
	[tilespmem:s14+$0xAB80] =	vst v0  }
0x18c: {  	s12 =	simm.s32 $0x0  }
0x18d: {  	s13 =	sand.u32 $0x70, s12;
	s14 =	sand.u32 $0x1C00, s12  }
0x18e: {  	[tilespmem:$0xC7D8] =	vst v0;
	s14 =	sor.u32 s13, s14  }
0x18f: {  	s13 =	simm.s32 $0x10;
	[tilespmem:s14+$0xAC00] =	vst v0  }
.LBB2_78:
0x190: {  	p0 =	sne.s32 s13, $0x3D0  }
.Ltmp38:
0x191: {  	_ = 	snop;
	(pc) =	sbr.rel @p0 .LBB2_78-.Ltmp38, $4  }
0x192: {  	s12 =	sadd.s32 $0x80, s12  }
0x193: {  	s14 =	sand.u32 $0x70, s13;
	s15 =	sand.u32 $0x1C00, s12  }
0x194: {  	s14 =	sor.u32 s14, s15  }
0x195: {  	s13 =	sadd.s32 $0x10, s13;
	[tilespmem:s14+$0xAC00] =	vst v0  }
0x196: {  	s12 =	simm.s32 $0x0  }
0x197: {  	s13 =	sand.u32 $0x70, s12;
	s14 =	sand.u32 $0x1C00, s12  }
0x198: {  	[tilespmem:$0xC858] =	vst v0;
	s14 =	sor.u32 s13, s14  }
0x199: {  	s13 =	simm.s32 $0x10;
	[tilespmem:s14+$0xAC80] =	vst v0  }
.LBB2_80:
0x19a: {  	p0 =	sne.s32 s13, $0x3D0  }
.Ltmp39:
0x19b: {  	_ = 	snop;
	(pc) =	sbr.rel @p0 .LBB2_80-.Ltmp39, $4  }
0x19c: {  	s12 =	sadd.s32 $0x80, s12  }
0x19d: {  	s14 =	sand.u32 $0x70, s13;
	s15 =	sand.u32 $0x1C00, s12  }
0x19e: {  	s14 =	sor.u32 s14, s15  }
0x19f: {  	s13 =	sadd.s32 $0x10, s13;
	[tilespmem:s14+$0xAC80] =	vst v0  }
0x1a0: {  	s12 =	simm.s32 $0x0  }
0x1a1: {  	s13 =	sand.u32 $0x70, s12;
	s14 =	sand.u32 $0x1C00, s12  }
0x1a2: {  	[tilespmem:$0xC8D8] =	vst v0;
	s14 =	sor.u32 s13, s14  }
0x1a3: {  	s13 =	simm.s32 $0x10;
	[tilespmem:s14+$0xCB00] =	vst v0  }
.LBB2_82:
0x1a4: {  	p0 =	sne.s32 s13, $0x3D0  }
.Ltmp40:
0x1a5: {  	_ = 	snop;
	(pc) =	sbr.rel @p0 .LBB2_82-.Ltmp40, $4  }
0x1a6: {  	s12 =	sadd.s32 $0x80, s12  }
0x1a7: {  	s14 =	sand.u32 $0x70, s13;
	s15 =	sand.u32 $0x1C00, s12  }
0x1a8: {  	s14 =	sor.u32 s14, s15  }
0x1a9: {  	s13 =	sadd.s32 $0x10, s13;
	[tilespmem:s14+$0xCB00] =	vst v0  }
0x1aa: {  	s12 =	simm.s32 $0x0  }
0x1ab: {  	s13 =	sand.u32 $0x70, s12;
	s14 =	sand.u32 $0x1C00, s12  }
0x1ac: {  	[tilespmem:$0xE758] =	vst v0;
	s14 =	sor.u32 s13, s14  }
0x1ad: {  	s13 =	simm.s32 $0x10;
	[tilespmem:s14+$0xCB80] =	vst v0  }
.LBB2_84:
0x1ae: {  	p0 =	sne.s32 s13, $0x3D0  }
.Ltmp41:
0x1af: {  	_ = 	snop;
	(pc) =	sbr.rel @p0 .LBB2_84-.Ltmp41, $4  }
0x1b0: {  	s12 =	sadd.s32 $0x80, s12  }
0x1b1: {  	s14 =	sand.u32 $0x70, s13;
	s15 =	sand.u32 $0x1C00, s12  }
0x1b2: {  	s14 =	sor.u32 s14, s15  }
0x1b3: {  	s13 =	sadd.s32 $0x10, s13;
	[tilespmem:s14+$0xCB80] =	vst v0  }
0x1b4: {  	s12 =	simm.s32 $0x0  }
0x1b5: {  	s13 =	sand.u32 $0x70, s12;
	s14 =	sand.u32 $0x1C00, s12  }
0x1b6: {  	[tilespmem:$0xE7D8] =	vst v0;
	s14 =	sor.u32 s13, s14  }
0x1b7: {  	s13 =	simm.s32 $0x10;
	[tilespmem:s14+$0xCC00] =	vst v0  }
.LBB2_86:
0x1b8: {  	p0 =	sne.s32 s13, $0x3D0  }
.Ltmp42:
0x1b9: {  	_ = 	snop;
	(pc) =	sbr.rel @p0 .LBB2_86-.Ltmp42, $4  }
0x1ba: {  	s12 =	sadd.s32 $0x80, s12  }
0x1bb: {  	s14 =	sand.u32 $0x70, s13;
	s15 =	sand.u32 $0x1C00, s12  }
0x1bc: {  	s14 =	sor.u32 s14, s15  }
0x1bd: {  	s13 =	sadd.s32 $0x10, s13;
	[tilespmem:s14+$0xCC00] =	vst v0  }
0x1be: {  	s12 =	simm.s32 $0x0  }
0x1bf: {  	s13 =	sand.u32 $0x70, s12;
	s14 =	sand.u32 $0x1C00, s12  }
0x1c0: {  	[tilespmem:$0xE858] =	vst v0;
	s14 =	sor.u32 s13, s14  }
0x1c1: {  	s13 =	simm.s32 $0x10;
	[tilespmem:s14+$0xCC80] =	vst v0  }
.LBB2_88:
0x1c2: {  	p0 =	sne.s32 s13, $0x3D0  }
.Ltmp43:
0x1c3: {  	_ = 	snop;
	(pc) =	sbr.rel @p0 .LBB2_88-.Ltmp43, $4  }
0x1c4: {  	s12 =	sadd.s32 $0x80, s12  }
0x1c5: {  	s14 =	sand.u32 $0x70, s13;
	s15 =	sand.u32 $0x1C00, s12  }
0x1c6: {  	s14 =	sor.u32 s14, s15  }
0x1c7: {  	s13 =	sadd.s32 $0x10, s13;
	[tilespmem:s14+$0xCC80] =	vst v0  }
0x1c8: {  	s12 =	simm.s32 $0x0  }
0x1c9: {  	s13 =	sand.u32 $0x70, s12;
	s14 =	sand.u32 $0x1C00, s12  }
0x1ca: {  	[tilespmem:$0xE8D8] =	vst v0;
	s14 =	sor.u32 s13, s14  }
0x1cb: {  	s13 =	simm.s32 $0x10;
	[tilespmem:s14+$0xCD00] =	vst v0  }
.LBB2_90:
0x1cc: {  	p0 =	sne.s32 s13, $0x3D0  }
.Ltmp44:
0x1cd: {  	_ = 	snop;
	(pc) =	sbr.rel @p0 .LBB2_90-.Ltmp44, $4  }
0x1ce: {  	s12 =	sadd.s32 $0x80, s12  }
0x1cf: {  	s14 =	sand.u32 $0x70, s13;
	s15 =	sand.u32 $0x1C00, s12  }
0x1d0: {  	s14 =	sor.u32 s14, s15  }
0x1d1: {  	s13 =	sadd.s32 $0x10, s13;
	[tilespmem:s14+$0xCD00] =	vst v0  }
0x1d2: {  	s12 =	simm.s32 $0x0  }
0x1d3: {  	s13 =	sand.u32 $0x70, s12;
	s14 =	sand.u32 $0x1C00, s12  }
0x1d4: {  	[tilespmem:$0xE958] =	vst v0;
	s14 =	sor.u32 s13, s14  }
0x1d5: {  	s13 =	simm.s32 $0x10;
	[tilespmem:s14+$0xCD80] =	vst v0  }
.LBB2_92:
0x1d6: {  	p0 =	sne.s32 s13, $0x3D0  }
.Ltmp45:
0x1d7: {  	_ = 	snop;
	(pc) =	sbr.rel @p0 .LBB2_92-.Ltmp45, $4  }
0x1d8: {  	s12 =	sadd.s32 $0x80, s12  }
0x1d9: {  	s14 =	sand.u32 $0x70, s13;
	s15 =	sand.u32 $0x1C00, s12  }
0x1da: {  	s14 =	sor.u32 s14, s15  }
0x1db: {  	s13 =	sadd.s32 $0x10, s13;
	[tilespmem:s14+$0xCD80] =	vst v0  }
0x1dc: {  	s12 =	simm.s32 $0x0  }
0x1dd: {  	s13 =	sand.u32 $0x70, s12;
	s14 =	sand.u32 $0x1C00, s12  }
0x1de: {  	[tilespmem:$0xE9D8] =	vst v0;
	s14 =	sor.u32 s13, s14  }
0x1df: {  	s13 =	simm.s32 $0x10;
	[tilespmem:s14+$0xCE00] =	vst v0  }
.LBB2_94:
0x1e0: {  	p0 =	sne.s32 s13, $0x3D0  }
.Ltmp46:
0x1e1: {  	_ = 	snop;
	(pc) =	sbr.rel @p0 .LBB2_94-.Ltmp46, $4  }
0x1e2: {  	s12 =	sadd.s32 $0x80, s12  }
0x1e3: {  	s14 =	sand.u32 $0x70, s13;
	s15 =	sand.u32 $0x1C00, s12  }
0x1e4: {  	s14 =	sor.u32 s14, s15  }
0x1e5: {  	s13 =	sadd.s32 $0x10, s13;
	[tilespmem:s14+$0xCE00] =	vst v0  }
0x1e6: {  	s12 =	simm.s32 $0x0  }
0x1e7: {  	s13 =	sand.u32 $0x70, s12;
	s14 =	sand.u32 $0x1C00, s12  }
0x1e8: {  	[tilespmem:$0xEA58] =	vst v0;
	s14 =	sor.u32 s13, s14  }
0x1e9: {  	s13 =	simm.s32 $0x10;
	[tilespmem:s14+$0xCE80] =	vst v0  }
.LBB2_96:
0x1ea: {  	p0 =	sne.s32 s13, $0x3D0  }
.Ltmp47:
0x1eb: {  	_ = 	snop;
	(pc) =	sbr.rel @p0 .LBB2_96-.Ltmp47, $4  }
0x1ec: {  	s12 =	sadd.s32 $0x80, s12  }
0x1ed: {  	s14 =	sand.u32 $0x70, s13;
	s15 =	sand.u32 $0x1C00, s12  }
0x1ee: {  	s14 =	sor.u32 s14, s15  }
0x1ef: {  	s13 =	sadd.s32 $0x10, s13;
	[tilespmem:s14+$0xCE80] =	vst v0  }
0x1f0: {  	s12 =	simm.s32 $0x0  }
0x1f1: {  	s13 =	sand.u32 $0x70, s12;
	s14 =	sand.u32 $0x1C00, s12  }
0x1f2: {  	[tilespmem:$0xEAD8] =	vst v0;
	s14 =	sor.u32 s13, s14  }
0x1f3: {  	s13 =	simm.s32 $0x10;
	[tilespmem:s14+$0xEB00] =	vst v0  }
.LBB2_98:
0x1f4: {  	p0 =	sne.s32 s13, $0x3D0  }
.Ltmp48:
0x1f5: {  	_ = 	snop;
	(pc) =	sbr.rel @p0 .LBB2_98-.Ltmp48, $4  }
0x1f6: {  	s12 =	sadd.s32 $0x80, s12  }
0x1f7: {  	s14 =	sand.u32 $0x70, s13;
	s15 =	sand.u32 $0x1C00, s12  }
0x1f8: {  	s14 =	sor.u32 s14, s15  }
0x1f9: {  	s13 =	sadd.s32 $0x10, s13;
	[tilespmem:s14+$0xEB00] =	vst v0  }
0x1fa: {  	s12 =	simm.s32 $0x0  }
0x1fb: {  	s13 =	sand.u32 $0x70, s12;
	s14 =	sand.u32 $0x1C00, s12  }
0x1fc: {  	[tilespmem:$0x10758] =	vst v0;
	s14 =	sor.u32 s13, s14  }
0x1fd: {  	s13 =	simm.s32 $0x10;
	[tilespmem:s14+$0xEB80] =	vst v0  }
.LBB2_100:
0x1fe: {  	p0 =	sne.s32 s13, $0x3D0  }
.Ltmp49:
0x1ff: {  	_ = 	snop;
	(pc) =	sbr.rel @p0 .LBB2_100-.Ltmp49, $4  }
0x200: {  	s12 =	sadd.s32 $0x80, s12  }
0x201: {  	s14 =	sand.u32 $0x70, s13;
	s15 =	sand.u32 $0x1C00, s12  }
0x202: {  	s14 =	sor.u32 s14, s15  }
0x203: {  	s13 =	sadd.s32 $0x10, s13;
	[tilespmem:s14+$0xEB80] =	vst v0  }
0x204: {  	s12 =	simm.s32 $0x0  }
0x205: {  	s13 =	sand.u32 $0x70, s12;
	s14 =	sand.u32 $0x1C00, s12  }
0x206: {  	[tilespmem:$0x107D8] =	vst v0;
	s14 =	sor.u32 s13, s14  }
0x207: {  	s13 =	simm.s32 $0x10;
	[tilespmem:s14+$0xEC00] =	vst v0  }
.LBB2_102:
0x208: {  	p0 =	sne.s32 s13, $0x3D0  }
.Ltmp50:
0x209: {  	_ = 	snop;
	(pc) =	sbr.rel @p0 .LBB2_102-.Ltmp50, $4  }
0x20a: {  	s12 =	sadd.s32 $0x80, s12  }
0x20b: {  	s14 =	sand.u32 $0x70, s13;
	s15 =	sand.u32 $0x1C00, s12  }
0x20c: {  	s14 =	sor.u32 s14, s15  }
0x20d: {  	s13 =	sadd.s32 $0x10, s13;
	[tilespmem:s14+$0xEC00] =	vst v0  }
0x20e: {  	s12 =	simm.s32 $0x0  }
0x20f: {  	s13 =	sand.u32 $0x70, s12;
	s14 =	sand.u32 $0x1C00, s12  }
0x210: {  	[tilespmem:$0x10858] =	vst v0;
	s14 =	sor.u32 s13, s14  }
0x211: {  	s13 =	simm.s32 $0x10;
	[tilespmem:s14+$0xEC80] =	vst v0  }
.LBB2_104:
0x212: {  	p0 =	sne.s32 s13, $0x3D0  }
.Ltmp51:
0x213: {  	_ = 	snop;
	(pc) =	sbr.rel @p0 .LBB2_104-.Ltmp51, $4  }
0x214: {  	s12 =	sadd.s32 $0x80, s12  }
0x215: {  	s14 =	sand.u32 $0x70, s13;
	s15 =	sand.u32 $0x1C00, s12  }
0x216: {  	s14 =	sor.u32 s14, s15  }
0x217: {  	s13 =	sadd.s32 $0x10, s13;
	[tilespmem:s14+$0xEC80] =	vst v0  }
0x218: {  	s12 =	simm.s32 $0x0  }
0x219: {  	s13 =	sand.u32 $0x70, s12;
	s14 =	sand.u32 $0x1C00, s12  }
0x21a: {  	[tilespmem:$0x108D8] =	vst v0;
	s14 =	sor.u32 s13, s14  }
0x21b: {  	s13 =	simm.s32 $0x10;
	[tilespmem:s14+$0xED00] =	vst v0  }
.LBB2_106:
0x21c: {  	p0 =	sne.s32 s13, $0x3D0  }
.Ltmp52:
0x21d: {  	_ = 	snop;
	(pc) =	sbr.rel @p0 .LBB2_106-.Ltmp52, $4  }
0x21e: {  	s12 =	sadd.s32 $0x80, s12  }
0x21f: {  	s14 =	sand.u32 $0x70, s13;
	s15 =	sand.u32 $0x1C00, s12  }
0x220: {  	s14 =	sor.u32 s14, s15  }
0x221: {  	s13 =	sadd.s32 $0x10, s13;
	[tilespmem:s14+$0xED00] =	vst v0  }
0x222: {  	s12 =	simm.s32 $0x0  }
0x223: {  	s13 =	sand.u32 $0x70, s12;
	s14 =	sand.u32 $0x1C00, s12  }
0x224: {  	[tilespmem:$0x10958] =	vst v0;
	s14 =	sor.u32 s13, s14  }
0x225: {  	s13 =	simm.s32 $0x10;
	[tilespmem:s14+$0xED80] =	vst v0  }
.LBB2_108:
0x226: {  	p0 =	sne.s32 s13, $0x3D0  }
.Ltmp53:
0x227: {  	_ = 	snop;
	(pc) =	sbr.rel @p0 .LBB2_108-.Ltmp53, $4  }
0x228: {  	s12 =	sadd.s32 $0x80, s12  }
0x229: {  	s14 =	sand.u32 $0x70, s13;
	s15 =	sand.u32 $0x1C00, s12  }
0x22a: {  	s14 =	sor.u32 s14, s15  }
0x22b: {  	s13 =	sadd.s32 $0x10, s13;
	[tilespmem:s14+$0xED80] =	vst v0  }
0x22c: {  	s12 =	simm.s32 $0x0  }
0x22d: {  	s13 =	sand.u32 $0x70, s12;
	s14 =	sand.u32 $0x1C00, s12  }
0x22e: {  	[tilespmem:$0x109D8] =	vst v0;
	s14 =	sor.u32 s13, s14  }
0x22f: {  	s13 =	simm.s32 $0x10;
	[tilespmem:s14+$0xEE00] =	vst v0  }
.LBB2_110:
0x230: {  	p0 =	sne.s32 s13, $0x3D0  }
.Ltmp54:
0x231: {  	_ = 	snop;
	(pc) =	sbr.rel @p0 .LBB2_110-.Ltmp54, $4  }
0x232: {  	s12 =	sadd.s32 $0x80, s12  }
0x233: {  	s14 =	sand.u32 $0x70, s13;
	s15 =	sand.u32 $0x1C00, s12  }
0x234: {  	s14 =	sor.u32 s14, s15  }
0x235: {  	s13 =	sadd.s32 $0x10, s13;
	[tilespmem:s14+$0xEE00] =	vst v0  }
0x236: {  	s12 =	simm.s32 $0x0  }
0x237: {  	s13 =	sand.u32 $0x70, s12;
	s14 =	sand.u32 $0x1C00, s12  }
0x238: {  	[tilespmem:$0x10A58] =	vst v0;
	s14 =	sor.u32 s13, s14  }
0x239: {  	s13 =	simm.s32 $0x10;
	[tilespmem:s14+$0xEE80] =	vst v0  }
.LBB2_112:
0x23a: {  	p0 =	sne.s32 s13, $0x3D0  }
.Ltmp55:
0x23b: {  	_ = 	snop;
	(pc) =	sbr.rel @p0 .LBB2_112-.Ltmp55, $4  }
0x23c: {  	s12 =	sadd.s32 $0x80, s12  }
0x23d: {  	s14 =	sand.u32 $0x70, s13;
	s15 =	sand.u32 $0x1C00, s12  }
0x23e: {  	s14 =	sor.u32 s14, s15  }
0x23f: {  	s13 =	sadd.s32 $0x10, s13;
	[tilespmem:s14+$0xEE80] =	vst v0  }
0x240: {  	s12 =	simm.s32 $0x0  }
0x241: {  	s13 =	sand.u32 $0x70, s12;
	s14 =	sand.u32 $0x1C00, s12  }
0x242: {  	[tilespmem:$0x10AD8] =	vst v0;
	s14 =	sor.u32 s13, s14  }
0x243: {  	s13 =	simm.s32 $0x10;
	[tilespmem:s14+$0x10B00] =	vst v0  }
.LBB2_114:
0x244: {  	p0 =	sne.s32 s13, $0x3D0  }
.Ltmp56:
0x245: {  	_ = 	snop;
	(pc) =	sbr.rel @p0 .LBB2_114-.Ltmp56, $4  }
0x246: {  	s12 =	sadd.s32 $0x80, s12  }
0x247: {  	s14 =	sand.u32 $0x70, s13;
	s15 =	sand.u32 $0x1C00, s12  }
0x248: {  	s14 =	sor.u32 s14, s15  }
0x249: {  	s13 =	sadd.s32 $0x10, s13;
	[tilespmem:s14+$0x10B00] =	vst v0  }
0x24a: {  	s12 =	simm.s32 $0x0  }
0x24b: {  	s13 =	sand.u32 $0x70, s12;
	s14 =	sand.u32 $0x1C00, s12  }
0x24c: {  	[tilespmem:$0x12758] =	vst v0;
	s14 =	sor.u32 s13, s14  }
0x24d: {  	s13 =	simm.s32 $0x10;
	[tilespmem:s14+$0x10B80] =	vst v0  }
.LBB2_116:
0x24e: {  	p0 =	sne.s32 s13, $0x3D0  }
.Ltmp57:
0x24f: {  	_ = 	snop;
	(pc) =	sbr.rel @p0 .LBB2_116-.Ltmp57, $4  }
0x250: {  	s12 =	sadd.s32 $0x80, s12  }
0x251: {  	s14 =	sand.u32 $0x70, s13;
	s15 =	sand.u32 $0x1C00, s12  }
0x252: {  	s14 =	sor.u32 s14, s15  }
0x253: {  	s13 =	sadd.s32 $0x10, s13;
	[tilespmem:s14+$0x10B80] =	vst v0  }
0x254: {  	s12 =	simm.s32 $0x0  }
0x255: {  	s13 =	sand.u32 $0x70, s12;
	s14 =	sand.u32 $0x1C00, s12  }
0x256: {  	[tilespmem:$0x127D8] =	vst v0;
	s14 =	sor.u32 s13, s14  }
0x257: {  	s13 =	simm.s32 $0x10;
	[tilespmem:s14+$0x10C00] =	vst v0  }
.LBB2_118:
0x258: {  	p0 =	sne.s32 s13, $0x3D0  }
.Ltmp58:
0x259: {  	_ = 	snop;
	(pc) =	sbr.rel @p0 .LBB2_118-.Ltmp58, $4  }
0x25a: {  	s12 =	sadd.s32 $0x80, s12  }
0x25b: {  	s14 =	sand.u32 $0x70, s13;
	s15 =	sand.u32 $0x1C00, s12  }
0x25c: {  	s14 =	sor.u32 s14, s15  }
0x25d: {  	s13 =	sadd.s32 $0x10, s13;
	[tilespmem:s14+$0x10C00] =	vst v0  }
0x25e: {  	s12 =	simm.s32 $0x0  }
0x25f: {  	s13 =	sand.u32 $0x70, s12;
	s14 =	sand.u32 $0x1C00, s12  }
0x260: {  	[tilespmem:$0x12858] =	vst v0;
	s14 =	sor.u32 s13, s14  }
0x261: {  	s13 =	simm.s32 $0x10;
	[tilespmem:s14+$0x10C80] =	vst v0  }
.LBB2_120:
0x262: {  	p0 =	sne.s32 s13, $0x3D0  }
.Ltmp59:
0x263: {  	_ = 	snop;
	(pc) =	sbr.rel @p0 .LBB2_120-.Ltmp59, $4  }
0x264: {  	s12 =	sadd.s32 $0x80, s12  }
0x265: {  	s14 =	sand.u32 $0x70, s13;
	s15 =	sand.u32 $0x1C00, s12  }
0x266: {  	s14 =	sor.u32 s14, s15  }
0x267: {  	s13 =	sadd.s32 $0x10, s13;
	[tilespmem:s14+$0x10C80] =	vst v0  }
0x268: {  	s12 =	simm.s32 $0x0  }
0x269: {  	s13 =	sand.u32 $0x70, s12;
	s14 =	sand.u32 $0x1C00, s12  }
0x26a: {  	[tilespmem:$0x128D8] =	vst v0;
	s14 =	sor.u32 s13, s14  }
0x26b: {  	s13 =	simm.s32 $0x10;
	[tilespmem:s14+$0x12B00] =	vst v0  }
.LBB2_122:
0x26c: {  	p0 =	sne.s32 s13, $0x3D0  }
.Ltmp60:
0x26d: {  	_ = 	snop;
	(pc) =	sbr.rel @p0 .LBB2_122-.Ltmp60, $4  }
0x26e: {  	s12 =	sadd.s32 $0x80, s12  }
0x26f: {  	s14 =	sand.u32 $0x70, s13;
	s15 =	sand.u32 $0x1C00, s12  }
0x270: {  	s14 =	sor.u32 s14, s15  }
0x271: {  	s13 =	sadd.s32 $0x10, s13;
	[tilespmem:s14+$0x12B00] =	vst v0  }
0x272: {  	s12 =	simm.s32 $0x0  }
0x273: {  	s13 =	sand.u32 $0x70, s12;
	s14 =	sand.u32 $0x1C00, s12  }
0x274: {  	[tilespmem:$0x14758] =	vst v0;
	s14 =	sor.u32 s13, s14  }
0x275: {  	s13 =	simm.s32 $0x10;
	[tilespmem:s14+$0x12B80] =	vst v0  }
.LBB2_124:
0x276: {  	p0 =	sne.s32 s13, $0x3D0  }
.Ltmp61:
0x277: {  	_ = 	snop;
	(pc) =	sbr.rel @p0 .LBB2_124-.Ltmp61, $4  }
0x278: {  	s12 =	sadd.s32 $0x80, s12  }
0x279: {  	s14 =	sand.u32 $0x70, s13;
	s15 =	sand.u32 $0x1C00, s12  }
0x27a: {  	s14 =	sor.u32 s14, s15  }
0x27b: {  	s13 =	sadd.s32 $0x10, s13;
	[tilespmem:s14+$0x12B80] =	vst v0  }
0x27c: {  	s12 =	simm.s32 $0x0  }
0x27d: {  	s13 =	sand.u32 $0x70, s12;
	s14 =	sand.u32 $0x1C00, s12  }
0x27e: {  	[tilespmem:$0x147D8] =	vst v0;
	s14 =	sor.u32 s13, s14  }
0x27f: {  	s13 =	simm.s32 $0x10;
	[tilespmem:s14+$0x12C00] =	vst v0  }
.LBB2_126:
0x280: {  	p0 =	sne.s32 s13, $0x3D0  }
.Ltmp62:
0x281: {  	_ = 	snop;
	(pc) =	sbr.rel @p0 .LBB2_126-.Ltmp62, $4  }
0x282: {  	s12 =	sadd.s32 $0x80, s12  }
0x283: {  	s14 =	sand.u32 $0x70, s13;
	s15 =	sand.u32 $0x1C00, s12  }
0x284: {  	s14 =	sor.u32 s14, s15  }
0x285: {  	s13 =	sadd.s32 $0x10, s13;
	[tilespmem:s14+$0x12C00] =	vst v0  }
0x286: {  	s12 =	simm.s32 $0x0  }
0x287: {  	s13 =	sand.u32 $0x70, s12;
	s14 =	sand.u32 $0x1C00, s12  }
0x288: {  	[tilespmem:$0x14858] =	vst v0;
	s14 =	sor.u32 s13, s14  }
0x289: {  	s13 =	simm.s32 $0x10;
	[tilespmem:s14+$0x12C80] =	vst v0  }
.LBB2_128:
0x28a: {  	p0 =	sne.s32 s13, $0x3D0  }
.Ltmp63:
0x28b: {  	_ = 	snop;
	(pc) =	sbr.rel @p0 .LBB2_128-.Ltmp63, $4  }
0x28c: {  	s12 =	sadd.s32 $0x80, s12  }
0x28d: {  	s14 =	sand.u32 $0x70, s13;
	s15 =	sand.u32 $0x1C00, s12  }
0x28e: {  	s14 =	sor.u32 s14, s15  }
0x28f: {  	s13 =	sadd.s32 $0x10, s13;
	[tilespmem:s14+$0x12C80] =	vst v0  }
0x290: {  	s12 =	simm.s32 $0x0  }
0x291: {  	s13 =	sand.u32 $0x70, s12;
	s14 =	sand.u32 $0x1C00, s12  }
0x292: {  	[tilespmem:$0x148D8] =	vst v0;
	s14 =	sor.u32 s13, s14  }
0x293: {  	s13 =	simm.s32 $0x10;
	[tilespmem:s14+$0x12D00] =	vst v0  }
.LBB2_130:
0x294: {  	p0 =	sne.s32 s13, $0x3D0  }
.Ltmp64:
0x295: {  	_ = 	snop;
	(pc) =	sbr.rel @p0 .LBB2_130-.Ltmp64, $4  }
0x296: {  	s12 =	sadd.s32 $0x80, s12  }
0x297: {  	s14 =	sand.u32 $0x70, s13;
	s15 =	sand.u32 $0x1C00, s12  }
0x298: {  	s14 =	sor.u32 s14, s15  }
0x299: {  	s13 =	sadd.s32 $0x10, s13;
	[tilespmem:s14+$0x12D00] =	vst v0  }
0x29a: {  	s12 =	simm.s32 $0x0  }
0x29b: {  	s13 =	sand.u32 $0x70, s12;
	s14 =	sand.u32 $0x1C00, s12  }
0x29c: {  	[tilespmem:$0x14958] =	vst v0;
	s14 =	sor.u32 s13, s14  }
0x29d: {  	s13 =	simm.s32 $0x10;
	[tilespmem:s14+$0x12D80] =	vst v0  }
.LBB2_132:
0x29e: {  	p0 =	sne.s32 s13, $0x3D0  }
.Ltmp65:
0x29f: {  	_ = 	snop;
	(pc) =	sbr.rel @p0 .LBB2_132-.Ltmp65, $4  }
0x2a0: {  	s12 =	sadd.s32 $0x80, s12  }
0x2a1: {  	s14 =	sand.u32 $0x70, s13;
	s15 =	sand.u32 $0x1C00, s12  }
0x2a2: {  	s14 =	sor.u32 s14, s15  }
0x2a3: {  	s13 =	sadd.s32 $0x10, s13;
	[tilespmem:s14+$0x12D80] =	vst v0  }
0x2a4: {  	s12 =	simm.s32 $0x0  }
0x2a5: {  	s13 =	sand.u32 $0x70, s12;
	s14 =	sand.u32 $0x1C00, s12  }
0x2a6: {  	[tilespmem:$0x149D8] =	vst v0;
	s14 =	sor.u32 s13, s14  }
0x2a7: {  	s13 =	simm.s32 $0x10;
	[tilespmem:s14+$0x12E00] =	vst v0  }
.LBB2_134:
0x2a8: {  	p0 =	sne.s32 s13, $0x3D0  }
.Ltmp66:
0x2a9: {  	_ = 	snop;
	(pc) =	sbr.rel @p0 .LBB2_134-.Ltmp66, $4  }
0x2aa: {  	s12 =	sadd.s32 $0x80, s12  }
0x2ab: {  	s14 =	sand.u32 $0x70, s13;
	s15 =	sand.u32 $0x1C00, s12  }
0x2ac: {  	s14 =	sor.u32 s14, s15  }
0x2ad: {  	s13 =	sadd.s32 $0x10, s13;
	[tilespmem:s14+$0x12E00] =	vst v0  }
0x2ae: {  	s12 =	simm.s32 $0x0  }
0x2af: {  	s13 =	sand.u32 $0x70, s12;
	s14 =	sand.u32 $0x1C00, s12  }
0x2b0: {  	[tilespmem:$0x14A58] =	vst v0;
	s14 =	sor.u32 s13, s14  }
0x2b1: {  	s13 =	simm.s32 $0x10;
	[tilespmem:s14+$0x12E80] =	vst v0  }
.LBB2_136:
0x2b2: {  	p0 =	sne.s32 s13, $0x3D0  }
.Ltmp67:
0x2b3: {  	_ = 	snop;
	(pc) =	sbr.rel @p0 .LBB2_136-.Ltmp67, $4  }
0x2b4: {  	s12 =	sadd.s32 $0x80, s12  }
0x2b5: {  	s14 =	sand.u32 $0x70, s13;
	s15 =	sand.u32 $0x1C00, s12  }
0x2b6: {  	s14 =	sor.u32 s14, s15  }
0x2b7: {  	s13 =	sadd.s32 $0x10, s13;
	[tilespmem:s14+$0x12E80] =	vst v0  }
0x2b8: {  	s12 =	simm.s32 $0x0  }
0x2b9: {  	s13 =	sand.u32 $0x70, s12;
	s14 =	sand.u32 $0x1C00, s12  }
0x2ba: {  	[tilespmem:$0x14AD8] =	vst v0;
	s14 =	sor.u32 s13, s14  }
0x2bb: {  	s13 =	simm.s32 $0x10;
	[tilespmem:s14+$0x14B00] =	vst v0  }
.LBB2_138:
0x2bc: {  	p0 =	sne.s32 s13, $0x3D0  }
.Ltmp68:
0x2bd: {  	_ = 	snop;
	(pc) =	sbr.rel @p0 .LBB2_138-.Ltmp68, $4  }
0x2be: {  	s12 =	sadd.s32 $0x80, s12  }
0x2bf: {  	s14 =	sand.u32 $0x70, s13;
	s15 =	sand.u32 $0x1C00, s12  }
0x2c0: {  	s14 =	sor.u32 s14, s15  }
0x2c1: {  	s13 =	sadd.s32 $0x10, s13;
	[tilespmem:s14+$0x14B00] =	vst v0  }
0x2c2: {  	s12 =	simm.s32 $0x0  }
0x2c3: {  	s13 =	sand.u32 $0x70, s12;
	s14 =	sand.u32 $0x1C00, s12  }
0x2c4: {  	[tilespmem:$0x16758] =	vst v0;
	s14 =	sor.u32 s13, s14  }
0x2c5: {  	s13 =	simm.s32 $0x10;
	[tilespmem:s14+$0x14B80] =	vst v0  }
.LBB2_140:
0x2c6: {  	p0 =	sne.s32 s13, $0x3D0  }
.Ltmp69:
0x2c7: {  	_ = 	snop;
	(pc) =	sbr.rel @p0 .LBB2_140-.Ltmp69, $4  }
0x2c8: {  	s12 =	sadd.s32 $0x80, s12  }
0x2c9: {  	s14 =	sand.u32 $0x70, s13;
	s15 =	sand.u32 $0x1C00, s12  }
0x2ca: {  	s14 =	sor.u32 s14, s15  }
0x2cb: {  	s13 =	sadd.s32 $0x10, s13;
	[tilespmem:s14+$0x14B80] =	vst v0  }
0x2cc: {  	s12 =	simm.s32 $0x0  }
0x2cd: {  	s13 =	sand.u32 $0x70, s12;
	s14 =	sand.u32 $0x1C00, s12  }
0x2ce: {  	[tilespmem:$0x167D8] =	vst v0;
	s14 =	sor.u32 s13, s14  }
0x2cf: {  	s13 =	simm.s32 $0x10;
	[tilespmem:s14+$0x14C00] =	vst v0  }
.LBB2_142:
0x2d0: {  	p0 =	sne.s32 s13, $0x3D0  }
.Ltmp70:
0x2d1: {  	_ = 	snop;
	(pc) =	sbr.rel @p0 .LBB2_142-.Ltmp70, $4  }
0x2d2: {  	s12 =	sadd.s32 $0x80, s12  }
0x2d3: {  	s14 =	sand.u32 $0x70, s13;
	s15 =	sand.u32 $0x1C00, s12  }
0x2d4: {  	s14 =	sor.u32 s14, s15  }
0x2d5: {  	s13 =	sadd.s32 $0x10, s13;
	[tilespmem:s14+$0x14C00] =	vst v0  }
0x2d6: {  	s12 =	simm.s32 $0x0  }
0x2d7: {  	s13 =	sand.u32 $0x70, s12;
	s14 =	sand.u32 $0x1C00, s12  }
0x2d8: {  	[tilespmem:$0x16858] =	vst v0;
	s14 =	sor.u32 s13, s14  }
0x2d9: {  	s13 =	simm.s32 $0x10;
	[tilespmem:s14+$0x14C80] =	vst v0  }
.LBB2_144:
0x2da: {  	p0 =	sne.s32 s13, $0x3D0  }
.Ltmp71:
0x2db: {  	_ = 	snop;
	(pc) =	sbr.rel @p0 .LBB2_144-.Ltmp71, $4  }
0x2dc: {  	s12 =	sadd.s32 $0x80, s12  }
0x2dd: {  	s14 =	sand.u32 $0x70, s13;
	s15 =	sand.u32 $0x1C00, s12  }
0x2de: {  	s14 =	sor.u32 s14, s15  }
0x2df: {  	s13 =	sadd.s32 $0x10, s13;
	[tilespmem:s14+$0x14C80] =	vst v0  }
0x2e0: {  	s12 =	simm.s32 $0x0  }
0x2e1: {  	s13 =	sand.u32 $0x70, s12;
	s14 =	sand.u32 $0x1C00, s12  }
0x2e2: {  	[tilespmem:$0x168D8] =	vst v0;
	s14 =	sor.u32 s13, s14  }
0x2e3: {  	s13 =	simm.s32 $0x10;
	[tilespmem:s14+$0x14D00] =	vst v0  }
.LBB2_146:
0x2e4: {  	p0 =	sne.s32 s13, $0x3D0  }
.Ltmp72:
0x2e5: {  	_ = 	snop;
	(pc) =	sbr.rel @p0 .LBB2_146-.Ltmp72, $4  }
0x2e6: {  	s12 =	sadd.s32 $0x80, s12  }
0x2e7: {  	s14 =	sand.u32 $0x70, s13;
	s15 =	sand.u32 $0x1C00, s12  }
0x2e8: {  	s14 =	sor.u32 s14, s15  }
0x2e9: {  	s13 =	sadd.s32 $0x10, s13;
	[tilespmem:s14+$0x14D00] =	vst v0  }
0x2ea: {  	s12 =	simm.s32 $0x0  }
0x2eb: {  	s13 =	sand.u32 $0x70, s12;
	s14 =	sand.u32 $0x1C00, s12  }
0x2ec: {  	[tilespmem:$0x16958] =	vst v0;
	s14 =	sor.u32 s13, s14  }
0x2ed: {  	s13 =	simm.s32 $0x10;
	[tilespmem:s14+$0x14D80] =	vst v0  }
.LBB2_148:
0x2ee: {  	p0 =	sne.s32 s13, $0x3D0  }
.Ltmp73:
0x2ef: {  	_ = 	snop;
	(pc) =	sbr.rel @p0 .LBB2_148-.Ltmp73, $4  }
0x2f0: {  	s12 =	sadd.s32 $0x80, s12  }
0x2f1: {  	s14 =	sand.u32 $0x70, s13;
	s15 =	sand.u32 $0x1C00, s12  }
0x2f2: {  	s14 =	sor.u32 s14, s15  }
0x2f3: {  	s13 =	sadd.s32 $0x10, s13;
	[tilespmem:s14+$0x14D80] =	vst v0  }
0x2f4: {  	s12 =	simm.s32 $0x0  }
0x2f5: {  	s13 =	sand.u32 $0x70, s12;
	s14 =	sand.u32 $0x1C00, s12  }
0x2f6: {  	[tilespmem:$0x169D8] =	vst v0;
	s14 =	sor.u32 s13, s14  }
0x2f7: {  	s13 =	simm.s32 $0x10;
	[tilespmem:s14+$0x14E00] =	vst v0  }
.LBB2_150:
0x2f8: {  	p0 =	sne.s32 s13, $0x3D0  }
.Ltmp74:
0x2f9: {  	_ = 	snop;
	(pc) =	sbr.rel @p0 .LBB2_150-.Ltmp74, $4  }
0x2fa: {  	s12 =	sadd.s32 $0x80, s12  }
0x2fb: {  	s14 =	sand.u32 $0x70, s13;
	s15 =	sand.u32 $0x1C00, s12  }
0x2fc: {  	s14 =	sor.u32 s14, s15  }
0x2fd: {  	s13 =	sadd.s32 $0x10, s13;
	[tilespmem:s14+$0x14E00] =	vst v0  }
0x2fe: {  	s12 =	simm.s32 $0x0  }
0x2ff: {  	s13 =	sand.u32 $0x70, s12;
	s14 =	sand.u32 $0x1C00, s12  }
0x300: {  	[tilespmem:$0x16A58] =	vst v0;
	s14 =	sor.u32 s13, s14  }
0x301: {  	s13 =	simm.s32 $0x10;
	[tilespmem:s14+$0x14E80] =	vst v0  }
.LBB2_152:
0x302: {  	p0 =	sne.s32 s13, $0x3D0  }
.Ltmp75:
0x303: {  	_ = 	snop;
	(pc) =	sbr.rel @p0 .LBB2_152-.Ltmp75, $4  }
0x304: {  	s12 =	sadd.s32 $0x80, s12  }
0x305: {  	s14 =	sand.u32 $0x70, s13;
	s15 =	sand.u32 $0x1C00, s12  }
0x306: {  	s14 =	sor.u32 s14, s15  }
0x307: {  	s13 =	sadd.s32 $0x10, s13;
	[tilespmem:s14+$0x14E80] =	vst v0  }
0x308: {  	s12 =	simm.s32 $0x0  }
0x309: {  	s13 =	sand.u32 $0x70, s12;
	s14 =	sand.u32 $0x1C00, s12  }
0x30a: {  	[tilespmem:$0x16AD8] =	vst v0;
	s14 =	sor.u32 s13, s14  }
0x30b: {  	s13 =	simm.s32 $0x10;
	[tilespmem:s14+$0x16B00] =	vst v0  }
.LBB2_154:
0x30c: {  	p0 =	sne.s32 s13, $0x3D0  }
.Ltmp76:
0x30d: {  	_ = 	snop;
	(pc) =	sbr.rel @p0 .LBB2_154-.Ltmp76, $4  }
0x30e: {  	s12 =	sadd.s32 $0x80, s12  }
0x30f: {  	s14 =	sand.u32 $0x70, s13;
	s15 =	sand.u32 $0x1C00, s12  }
0x310: {  	s14 =	sor.u32 s14, s15  }
0x311: {  	s13 =	sadd.s32 $0x10, s13;
	[tilespmem:s14+$0x16B00] =	vst v0  }
0x312: {  	s12 =	simm.s32 $0x0  }
0x313: {  	s13 =	sand.u32 $0x70, s12;
	s14 =	sand.u32 $0x1C00, s12  }
0x314: {  	[tilespmem:$0x18758] =	vst v0;
	s14 =	sor.u32 s13, s14  }
0x315: {  	s13 =	simm.s32 $0x10;
	[tilespmem:s14+$0x16B80] =	vst v0  }
.LBB2_156:
0x316: {  	p0 =	sne.s32 s13, $0x3D0  }
.Ltmp77:
0x317: {  	_ = 	snop;
	(pc) =	sbr.rel @p0 .LBB2_156-.Ltmp77, $4  }
0x318: {  	s12 =	sadd.s32 $0x80, s12  }
0x319: {  	s14 =	sand.u32 $0x70, s13;
	s15 =	sand.u32 $0x1C00, s12  }
0x31a: {  	s14 =	sor.u32 s14, s15  }
0x31b: {  	s13 =	sadd.s32 $0x10, s13;
	[tilespmem:s14+$0x16B80] =	vst v0  }
0x31c: {  	s12 =	simm.s32 $0x0  }
0x31d: {  	s13 =	sand.u32 $0x70, s12;
	s14 =	sand.u32 $0x1C00, s12  }
0x31e: {  	[tilespmem:$0x187D8] =	vst v0;
	s14 =	sor.u32 s13, s14  }
0x31f: {  	s13 =	simm.s32 $0x10;
	[tilespmem:s14+$0x16C00] =	vst v0  }
.LBB2_158:
0x320: {  	p0 =	sne.s32 s13, $0x3D0  }
.Ltmp78:
0x321: {  	_ = 	snop;
	(pc) =	sbr.rel @p0 .LBB2_158-.Ltmp78, $4  }
0x322: {  	s12 =	sadd.s32 $0x80, s12  }
0x323: {  	s14 =	sand.u32 $0x70, s13;
	s15 =	sand.u32 $0x1C00, s12  }
0x324: {  	s14 =	sor.u32 s14, s15  }
0x325: {  	s13 =	sadd.s32 $0x10, s13;
	[tilespmem:s14+$0x16C00] =	vst v0  }
0x326: {  	s12 =	simm.s32 $0x0  }
0x327: {  	s13 =	sand.u32 $0x70, s12;
	s14 =	sand.u32 $0x1C00, s12  }
0x328: {  	[tilespmem:$0x18858] =	vst v0;
	s14 =	sor.u32 s13, s14  }
0x329: {  	s13 =	simm.s32 $0x10;
	[tilespmem:s14+$0x16C80] =	vst v0  }
.LBB2_160:
0x32a: {  	p0 =	sne.s32 s13, $0x3D0  }
.Ltmp79:
0x32b: {  	_ = 	snop;
	(pc) =	sbr.rel @p0 .LBB2_160-.Ltmp79, $4  }
0x32c: {  	s12 =	sadd.s32 $0x80, s12  }
0x32d: {  	s14 =	sand.u32 $0x70, s13;
	s15 =	sand.u32 $0x1C00, s12  }
0x32e: {  	s14 =	sor.u32 s14, s15  }
0x32f: {  	s13 =	sadd.s32 $0x10, s13;
	[tilespmem:s14+$0x16C80] =	vst v0  }
0x330: {  	[tilespmem:$0x188D8] =	vst v0;
	s12 =	simm.s32 $0x0;
	s13 =	simm.s32 $0x20  }
.LBB2_162:
0x331: {  	v2 =	vld [tilespmem:$0xA00]  }
0x332: {  	v3 =	vld [tilespmem:$0xA50];
	_ =	sdelay $0x2  }
0x333: {  	v4 =	vld [tilespmem:s13+$0xFFFFFFE0];
	_ =	sdelay $0x1  }
0x334: {  	v2 =	vmul.u32 $0x6000, v2;
	v5 =	vshll.u32 v3, $0xA  }
0x335: {  	v3 =	vshll.u32 v3, $0x7;
	v5 =	vand.u32 $0xFFFFE000, v5  }
0x336: {  	v3 =	vand.u32 $0x380, v3;
	v2 =	vadd.s32 v2, v5  }
0x337: {  	v36 =	vand.u32 $0x7F, v4;
	v4 =	vshll.u32 v4, $0x3;
	v2 =	vor.u32 v3, v2  }
0x338: {  	v3 =	vand.u32 $0xFFFFFC00, v4;
	v2 =	vor.u32 v36, v2  }
0x339: {  	v2 =	vadd.s32 v3, v2;
	_ =	sdelay $0x4  }
0x33a: {  	[tilespmem:v2+s9+$0x0] =	vst.idx.msk $0xffff, v1  }
0x33b: {  	v2 =	vld [tilespmem:$0xA10]  }
0x33c: {  	v3 =	vld [tilespmem:$0xA60];
	_ =	sdelay $0x2  }
0x33d: {  	v37 =	vld [tilespmem:s13+$0xFFFFFFF0];
	_ =	sdelay $0x1  }
0x33e: {  	v2 =	vmul.u32 $0x6000, v2;
	v38 =	vshll.u32 v3, $0xA  }
0x33f: {  	v3 =	vshll.u32 v3, $0x7;
	v5 =	vand.u32 $0xFFFFE000, v38  }
0x340: {  	v3 =	vand.u32 $0x380, v3;
	v2 =	vadd.s32 v2, v5  }
0x341: {  	v39 =	vand.u32 $0x7F, v37;
	v4 =	vshll.u32 v37, $0x3;
	v2 =	vor.u32 v3, v2  }
0x342: {  	v3 =	vand.u32 $0xFFFFFC00, v4;
	v2 =	vor.u32 v39, v2  }
0x343: {  	v2 =	vadd.s32 v3, v2;
	_ =	sdelay $0x4  }
0x344: {  	[tilespmem:v2+s9+$0x0] =	vst.idx.msk $0xffff, v1  }
0x345: {  	v2 =	vld [tilespmem:$0xA20]  }
0x346: {  	v3 =	vld [tilespmem:$0xA70];
	_ =	sdelay $0x2  }
0x347: {  	v40 =	vld [tilespmem:s13+$0x0];
	_ =	sdelay $0x1  }
0x348: {  	v2 =	vmul.u32 $0x6000, v2;
	v41 =	vshll.u32 v3, $0xA  }
0x349: {  	v3 =	vshll.u32 v3, $0x7;
	v5 =	vand.u32 $0xFFFFE000, v41  }
0x34a: {  	v3 =	vand.u32 $0x380, v3;
	v2 =	vadd.s32 v2, v5  }
0x34b: {  	v42 =	vand.u32 $0x7F, v40;
	v4 =	vshll.u32 v40, $0x3;
	v2 =	vor.u32 v3, v2  }
0x34c: {  	v3 =	vand.u32 $0xFFFFFC00, v4;
	v2 =	vor.u32 v42, v2  }
0x34d: {  	v2 =	vadd.s32 v3, v2;
	_ =	sdelay $0x4  }
0x34e: {  	[tilespmem:v2+s9+$0x0] =	vst.idx.msk $0xffff, v1  }
0x34f: {  	v2 =	vld [tilespmem:$0xA30]  }
0x350: {  	v3 =	vld [tilespmem:$0xA80];
	_ =	sdelay $0x2  }
0x351: {  	v43 =	vld [tilespmem:s13+$0x10];
	_ =	sdelay $0x1  }
0x352: {  	v2 =	vmul.u32 $0x6000, v2;
	v44 =	vshll.u32 v3, $0xA  }
0x353: {  	v3 =	vshll.u32 v3, $0x7;
	v5 =	vand.u32 $0xFFFFE000, v44  }
0x354: {  	v3 =	vand.u32 $0x380, v3;
	v2 =	vadd.s32 v2, v5  }
0x355: {  	v45 =	vand.u32 $0x7F, v43;
	v4 =	vshll.u32 v43, $0x3;
	v2 =	vor.u32 v3, v2  }
0x356: {  	v3 =	vand.u32 $0xFFFFFC00, v4;
	v2 =	vor.u32 v45, v2  }
0x357: {  	v2 =	vadd.s32 v3, v2;
	_ =	sdelay $0x4  }
0x358: {  	[tilespmem:v2+s9+$0x0] =	vst.idx.msk $0xffff, v1  }
0x359: {  	v2 =	vld [tilespmem:$0xA40]  }
0x35a: {  	v3 =	vld [tilespmem:$0xA90];
	_ =	sdelay $0x2  }
0x35b: {  	v46 =	vld [tilespmem:s13+$0x20];
	_ =	sdelay $0x1  }
0x35c: {  	v2 =	vmul.u32 $0x6000, v2;
	v47 =	vshll.u32 v3, $0xA  }
0x35d: {  	v3 =	vshll.u32 v3, $0x7;
	v5 =	vand.u32 $0xFFFFE000, v47  }
0x35e: {  	v3 =	vand.u32 $0x380, v3;
	v2 =	vadd.s32 v2, v5  }
0x35f: {  	v48 =	vand.u32 $0x7F, v46;
	v4 =	vshll.u32 v46, $0x3;
	v2 =	vor.u32 v3, v2  }
0x360: {  	v3 =	vand.u32 $0xFFFFFC00, v4;
	v2 =	vor.u32 v48, v2  }
0x361: {  	v2 =	vadd.s32 v3, v2;
	_ =	sdelay $0x4  }
0x362: {  	s14 =	sadd.s32 s12, s6;
	[tilespmem:v2+s9+$0x0] =	vst.idx.msk $0xffff, v1  }
0x363: {  	[hbm4b:s14+s2] =	stream.linear.scatter [tilespmem:s9], [sflag:$0x2], $0x18000, $0x38;
	[tilespmem:$0x18B00] =	vst v63  }
0x364: {  	_ =	swait.ge [sflag:s10], $0x18000  }
0x365: {  	[sflag:s10] =	ssyncset.done $0x0  }
0x366: {  	[sflag:s10] =	ssyncadd.s32 $0xFFFE8000  }
0x367: {  	v2 =	vld [tilespmem:$0xA00]  }
0x368: {  	v3 =	vld [tilespmem:$0xA50];
	_ =	sdelay $0x2  }
0x369: {  	v49 =	vld [tilespmem:s13+$0xFFFFFFE0];
	_ =	sdelay $0x1  }
0x36a: {  	v2 =	vmul.u32 $0x6000, v2;
	v50 =	vshll.u32 v3, $0xA  }
0x36b: {  	v3 =	vshll.u32 v3, $0x7;
	v5 =	vand.u32 $0xFFFFE000, v50  }
0x36c: {  	v3 =	vand.u32 $0x380, v3;
	v2 =	vadd.s32 v2, v5  }
0x36d: {  	v51 =	vand.u32 $0x7F, v49;
	v4 =	vshll.u32 v49, $0x3;
	v2 =	vor.u32 v3, v2  }
0x36e: {  	v3 =	vand.u32 $0xFFFFFC00, v4;
	v2 =	vor.u32 v51, v2  }
0x36f: {  	v2 =	vadd.s32 v3, v2;
	_ =	sdelay $0x4  }
0x370: {  	[tilespmem:v2+s9+$0x0] =	vst.idx.msk $0xffff, v0  }
0x371: {  	v2 =	vld [tilespmem:$0xA10]  }
0x372: {  	v3 =	vld [tilespmem:$0xA60];
	_ =	sdelay $0x2  }
0x373: {  	v52 =	vld [tilespmem:s13+$0xFFFFFFF0];
	_ =	sdelay $0x1  }
0x374: {  	v2 =	vmul.u32 $0x6000, v2;
	v53 =	vshll.u32 v3, $0xA  }
0x375: {  	v3 =	vshll.u32 v3, $0x7;
	v5 =	vand.u32 $0xFFFFE000, v53  }
0x376: {  	v3 =	vand.u32 $0x380, v3;
	v2 =	vadd.s32 v2, v5  }
0x377: {  	v54 =	vand.u32 $0x7F, v52;
	v4 =	vshll.u32 v52, $0x3;
	v2 =	vor.u32 v3, v2  }
0x378: {  	v3 =	vand.u32 $0xFFFFFC00, v4;
	v2 =	vor.u32 v54, v2  }
0x379: {  	v2 =	vadd.s32 v3, v2;
	_ =	sdelay $0x4  }
0x37a: {  	[tilespmem:v2+s9+$0x0] =	vst.idx.msk $0xffff, v0  }
0x37b: {  	v2 =	vld [tilespmem:$0xA20]  }
0x37c: {  	v3 =	vld [tilespmem:$0xA70];
	_ =	sdelay $0x2  }
0x37d: {  	v55 =	vld [tilespmem:s13+$0x0];
	_ =	sdelay $0x1  }
0x37e: {  	v2 =	vmul.u32 $0x6000, v2;
	v56 =	vshll.u32 v3, $0xA  }
0x37f: {  	v3 =	vshll.u32 v3, $0x7;
	v5 =	vand.u32 $0xFFFFE000, v56  }
0x380: {  	v3 =	vand.u32 $0x380, v3;
	v2 =	vadd.s32 v2, v5  }
0x381: {  	v57 =	vand.u32 $0x7F, v55;
	v4 =	vshll.u32 v55, $0x3;
	v2 =	vor.u32 v3, v2  }
0x382: {  	v3 =	vand.u32 $0xFFFFFC00, v4;
	v2 =	vor.u32 v57, v2  }
0x383: {  	v2 =	vadd.s32 v3, v2;
	_ =	sdelay $0x4  }
0x384: {  	[tilespmem:v2+s9+$0x0] =	vst.idx.msk $0xffff, v0  }
0x385: {  	v2 =	vld [tilespmem:$0xA30]  }
0x386: {  	v3 =	vld [tilespmem:$0xA80];
	_ =	sdelay $0x2  }
0x387: {  	v58 =	vld [tilespmem:s13+$0x10];
	_ =	sdelay $0x1  }
0x388: {  	v2 =	vmul.u32 $0x6000, v2;
	v59 =	vshll.u32 v3, $0xA  }
0x389: {  	v3 =	vshll.u32 v3, $0x7;
	v5 =	vand.u32 $0xFFFFE000, v59  }
0x38a: {  	v3 =	vand.u32 $0x380, v3;
	v2 =	vadd.s32 v2, v5  }
0x38b: {  	v60 =	vand.u32 $0x7F, v58;
	v4 =	vshll.u32 v58, $0x3;
	v2 =	vor.u32 v3, v2  }
0x38c: {  	v3 =	vand.u32 $0xFFFFFC00, v4;
	v2 =	vor.u32 v60, v2  }
0x38d: {  	v2 =	vadd.s32 v3, v2;
	_ =	sdelay $0x4  }
0x38e: {  	[tilespmem:v2+s9+$0x0] =	vst.idx.msk $0xffff, v0  }
0x38f: {  	v2 =	vld [tilespmem:$0xA40]  }
0x390: {  	v3 =	vld [tilespmem:$0xA90];
	_ =	sdelay $0x2  }
0x391: {  	v61 =	vld [tilespmem:s13+$0x20];
	_ =	sdelay $0x1  }
0x392: {  	v2 =	vmul.u32 $0x6000, v2;
	v62 =	vshll.u32 v3, $0xA  }
0x393: {  	v3 =	vshll.u32 v3, $0x7;
	v5 =	vand.u32 $0xFFFFE000, v62  }
0x394: {  	v3 =	vand.u32 $0x380, v3;
	v2 =	vadd.s32 v2, v5  }
0x395: {  	v63 =	vand.u32 $0x7F, v61;
	v4 =	vshll.u32 v61, $0x3;
	v2 =	vor.u32 v3, v2  }
0x396: {  	v3 =	vand.u32 $0xFFFFFC00, v4;
	v2 =	vor.u32 v63, v2  }
0x397: {  	p0 =	sne.s32 s12, $0x5D000;
	v2 =	vadd.s32 v3, v2  }
.Ltmp80:
0x398: {  	_ = 	snop;
	(pc) =	sbr.rel @p0 .LBB2_162-.Ltmp80, $2  }
0x399: {  	_ =	sdelay $0x2  }
0x39a: {  	s12 =	sadd.s32 $0x3000, s12;
	s13 =	sadd.s32 $0x50, s13;
	[tilespmem:v2+s9+$0x0] =	vst.idx.msk $0xffff, v0  }
0x39b: {  	s11 =	sadd.s32 $0x1, s11  }
0x39c: {  	p0 =	sne.s32 s11, s5  }
.Ltmp81:
0x39d: {  	_ = 	snop;
	(pc) =	sbr.rel @p0 .LBB2_1-.Ltmp81, $1  }
0x39e: {  	_ =	sdelay $0x3  }
0x39f: {  	_ =	sfence.sel $0x180000  }
0x3a0: {  	[bflag:$0x0] =	sbarrier.arrive $0xFFFF  }
0x3a1: {  	p0 =	sne.s32 s1, $0x0;
	_ =	strace $0x90000047  }
0x3a2: {  	s0 =	sadd.s32 @!p0 $0x100000, s0;
	[bflag:$0x2] =	sbarrier.arrive $0xFFFF  }
0x3a3: {  	[sflag:s0] =	ssyncadd.tile.s32 @!p0 $0x1;
	_ =	shalt  }
.Lfunc_end2:
_tile_overlayer_lowered:
.L_overlay_start_2:
0x3a4: {  	(tag) =	ssettag $0x2  }
0x3a5: {  	s0 =	rddreg [dreg:$0x0];
	s2 =	stileid.u32  }
0x3a6: {  	s1 =	rddreg [dreg:$0x1];
	p0 =	sne.s32 s2, $0x0  }
0x3a7: {  	s3 =	rddreg [dreg:$0x2];
	[bflag:$0x3] =	sbarrier.arrive $0xFFFF;
	s2 =	simm.s32 @!p0 $0x1C02  }
0x3a8: {  	[timem:s3], [sflag:s2] =	dma.local @!p0 [hbm:s0], s1  }
0x3a9: {  	s0 =	simm.s32 @!p0 $0x2  }
0x3aa: {  	_ =	swait.ge @!p0 [sflag:s0], s1  }
0x3ab: {  	s1 =	ssub.s32 @!p0 $0x0, s1;
	[sflag:s0] =	ssyncset.done @!p0 $0x0  }
0x3ac: {  	[sflag:s0] =	ssyncadd.s32 @!p0 s1  }
0x3ad: {  	[bflag:$0x3] =	sbarrier.arrive $0xFFFF  }
0x3ae: {  	_ =	shalt  }

</sc_bundles>
